<compile_context>
chip_gen: v7x
topology: tpu7x:2x2x1
jax: 0.10.2.dev20260603
libtpu: 0.0.44.dev20260713+nightly
codegen_flags: <defaults>
</compile_context>

<pallas_src>
import numpy as np
import jax
import jax.numpy as jnp
from jax import lax
from jax.experimental import pallas as pl
from jax.experimental.pallas import tpu as pltpu
from jax.experimental.pallas import tpu_sc as plsc

N = 16384
K = 512
D = 32
CH = 512
R = N // CH
NW = 32
PW = N // NW
HW = PW // 2
DP = 48
L = 16
_Q = float(np.arctanh(0.5) ** 2 + 1.0)


def _sc_body(coords_hbm, truth_hbm, sums_hbm, rows_v, tru_v, acc_v):
    cid = lax.axis_index("c")
    sid = lax.axis_index("s")
    w = cid * 16 + sid
    pltpu.sync_copy(truth_hbm.at[pl.ds(w, 1)], tru_v)

    zer = jnp.zeros((L,), jnp.float32)
    one = jnp.ones((L,), jnp.float32)

    def zero_rows(i, _):
        for u in range(8):
            r = i * 8 + u
            acc_v[r, pl.ds(0, L)] = zer
            acc_v[r, pl.ds(L, L)] = zer
            acc_v[r, pl.ds(2 * L, L)] = zer
        return 0

    lax.fori_loop(0, K // 8, zero_rows, 0)

    for half in range(2):
        base = w * PW + half * HW
        pltpu.sync_copy(coords_hbm.at[pl.ds(base, HW)], rows_v)

        def accum(b, _):
            tvec = tru_v[0, pl.ds(half * HW + b * L, L)]
            for p in range(L):
                t = tvec[p]
                j = b * L + p
                acc_v[t, pl.ds(0, L)] += rows_v[j, pl.ds(0, L)]
                acc_v[t, pl.ds(L, L)] += rows_v[j, pl.ds(L, L)]
                acc_v[t, pl.ds(2 * L, L)] += one
            return 0

        lax.fori_loop(0, HW // L, accum, 0)

    pltpu.sync_copy(acc_v, sums_hbm.at[w])


def _sc_segstats(coords, truth_rows):
    run = pl.kernel(
        _sc_body,
        out_type=jax.ShapeDtypeStruct((NW, K, DP), jnp.float32),
        mesh=plsc.VectorSubcoreMesh(core_axis_name="c", subcore_axis_name="s"),
        scratch_types=[
            pltpu.VMEM((HW, D), jnp.float32),
            pltpu.VMEM((1, PW), jnp.int32),
            pltpu.VMEM((K, DP), jnp.float32),
        ],
        compiler_params=pltpu.CompilerParams(use_tc_tiling_on_sc=True),
    )
    return run(coords, truth_rows)


def _dense_body(coords_ref, truth_ref, parts_ref, out_ref):
    f32 = jnp.float32

    def fold(w, acc):
        return acc + parts_ref[w]

    part = lax.fori_loop(0, NW, fold, jnp.zeros((K, DP), f32))
    cc_sum = part[:, :D]
    counts = jnp.sum(part[:, D:], axis=1, keepdims=True) * (1.0 / L)
    denom = jnp.maximum(_Q * counts, 1e-6)
    cc = (_Q * cc_sum) / denom
    ccn1 = jnp.sum(cc * cc, axis=1, keepdims=True) + 1e-6
    nonempty = (counts > 0).astype(f32)
    cc_aug = jnp.concatenate(
        [-2.0 * cc, ccn1, jnp.ones((K, 1), f32)], axis=1)
    ones_col = jnp.ones((CH, 1), f32)
    iota2d = lax.broadcasted_iota(jnp.int32, (K, CH), 0)

    def pb(r, tot):
        crd = coords_ref[pl.ds(r * CH, CH), :]
        trow = truth_ref[pl.ds(r, 1), :]
        own = iota2d == trow
        rn = jnp.sum(crd * crd, axis=1, keepdims=True)
        crd_aug = jnp.concatenate([crd, ones_col, rn], axis=1)
        d2c = jnp.maximum(lax.dot_general(
            cc_aug, crd_aug, (((1,), (1,)), ((), ())),
            preferred_element_type=f32), 1e-9)
        dist = d2c * lax.rsqrt(d2c)
        repm = jnp.maximum(0.0, 1.0 - dist)
        vals = jnp.where(own, d2c, repm)
        return tot + lax.dot_general(
            nonempty, vals, (((0,), (0,)), ((), ())),
            preferred_element_type=f32)

    tot_row = lax.fori_loop(0, R, pb, jnp.zeros((1, CH), f32))
    out_ref[0, 0] = jnp.sum(tot_row) * (_Q * _Q / N)


def _dense(coords, truth_rows, parts, interpret=False):
    return pl.pallas_call(
        _dense_body,
        out_shape=jax.ShapeDtypeStruct((1, 1), jnp.float32),
        in_specs=[pl.BlockSpec(memory_space=pltpu.VMEM)] * 3,
        out_specs=pl.BlockSpec(memory_space=pltpu.SMEM),
        interpret=interpret,
    )(coords, truth_rows, parts)


def kernel(x, coords, truth, row_splits):
    truth_rows = truth.reshape(R, CH).astype(jnp.int32)
    parts = _sc_segstats(coords, truth_rows)
    out = _dense(coords, truth_rows, parts)
    return out[0, 0]

# --- scband reference (transcript-rebuilt; emitter-appended) ---
"""Pipeline reference for scband-llcluster-coordinates-618475290650 (READ-ONLY COPY).

The authoritative reference and input builder live on the scoring server;
editing this copy changes nothing except your own understanding.
"""

import jax, jax.numpy as jnp
import numpy as np

N = 16384
D_FEAT = 128
D_COORD = 32
K = 512  # number of truth objects (clusters)
Q_MIN = 1.0
SCALE = 1.0


def setup_inputs(seed: int = 0) -> dict:
    key = jax.random.key(seed)
    k1, k2, k3 = jax.random.split(key, 3)
    x = jax.random.normal(k1, (N, D_FEAT), dtype=jnp.float32)
    coords = jax.random.normal(k2, (N, D_COORD), dtype=jnp.float32)
    truth = jax.random.randint(k3, (N, 1), 0, K, dtype=jnp.int32)
    row_splits = jnp.array([0, N], dtype=jnp.int32)  # single event
    return {"x": x, "coords": coords, "truth": truth, "row_splits": row_splits}


def _oc_loss(coords, tidx, num_objects, q_min):
    n = coords.shape[0]
    # beta fixed at 0.5 (zeros + 1/2), as in the original call
    beta = jnp.full((n,), 0.5, dtype=coords.dtype)
    q = jnp.arctanh(beta) ** 2 + q_min
    # object condensation: q-weighted average position per object (use_average_cc_pos=True)
    qsum = jax.ops.segment_sum(q, tidx, num_segments=num_objects)
    cc = jax.ops.segment_sum(coords * q[:, None], tidx, num_segments=num_objects)
    cc = cc / jnp.maximum(qsum, 1e-6)[:, None]
    counts = jax.ops.segment_sum(jnp.ones_like(q), tidx, num_segments=num_objects)
    q_alpha = jax.ops.segment_max(q, tidx, num_segments=num_objects)
    q_alpha = jnp.where(counts > 0, q_alpha, 0.0)
    # pairwise squared distances between every point and every condensation point [N, K]
    d2 = (jnp.sum(coords ** 2, axis=1, keepdims=True)
          + jnp.sum(cc ** 2, axis=1)[None, :]
          - 2.0 * coords @ cc.T)
    d2 = jnp.maximum(d2, 0.0)
    M = jax.nn.one_hot(tidx, num_objects, dtype=coords.dtype)  # membership matrix
    # attractive potential: own object, quadratic in distance
    V_att = jnp.sum(M * d2 * q[:, None] * q_alpha[None, :]) / n
    # repulsive potential: other objects, hinge on distance
    dist = jnp.sqrt(d2 + 1e-6)
    rep = jnp.maximum(0.0, 1.0 - dist)
    V_rep = jnp.sum((1.0 - M) * rep * q[:, None] * q_alpha[None, :]) / n
    return V_att, V_rep


def reference(x, coords, truth, row_splits):
    # single-event row_splits ([0, N]); loss computed over all points
    tidx = truth.reshape(-1).astype(jnp.int32)
    V_att, V_rep = _oc_loss(coords, tidx, K, Q_MIN)
    loss = SCALE * (V_att + V_rep)
    return loss

if __name__ == "__main__":
    import jax
    _d = setup_inputs()
    print(jax.jit(kernel)(*tuple(_d.values())))

</pallas_src>

<mosaic_0001>
#map = affine_map<(d0, d1) -> (0, 0)>
#map1 = affine_map<(d0, d1) -> (0, 0, 0)>
module attributes {stable_mosaic.version = 14 : i64} {
  func.func @_sc_body(%arg0: i32, %arg1: i32, %arg2: memref<16384x32xf32, #tpu.memory_space<hbm>>, %arg3: memref<32x512xi32, #tpu.memory_space<hbm>>, %arg4: memref<32x512x48xf32, #tpu.memory_space<hbm>>, %arg5: memref<256x32xf32, #tpu.memory_space<vmem>>, %arg6: memref<1x512xi32, #tpu.memory_space<vmem>>, %arg7: memref<512x48xf32, #tpu.memory_space<vmem>>) attributes {dimension_semantics = [#tpu.dimension_semantics<core_parallel>, #tpu.dimension_semantics<subcore_parallel>], iteration_bounds = array<i64: 2, 16>, scalar_prefetch = 0 : i64, scratch_operands = 3 : i64, tpu.core_type = #tpu.core_type<sc_vector_subcore>, window_params = [{transform_indices = #map}, {transform_indices = #map}, {transform_indices = #map1}]} {
    %mul3A = arith.constant 16 : i32
    %mul3A_0 = arith.muli %arg0, %mul3A : i32
    %add3A = arith.addi %mul3A_0, %arg1 : i32
    "tpu.region"() ({
      %run_scoped3A = tpu.sem_alloc : memref<!tpu.dma_semaphore, #tpu.memory_space<semaphore_mem>>
      %dma_start3A = arith.constant 0 : i32
      %dma_start3A_32 = tpu.memref_slice %arg3[%add3A, %dma_start3A] : memref<32x512xi32, #tpu.memory_space<hbm>> -> memref<1x512xi32, #tpu.memory_space<hbm>>
      %dma_start3A_33 = arith.constant 0 : i32
      %dma_start3A_34 = tpu.memref_slice %arg3[%add3A, %dma_start3A_33] : memref<32x512xi32, #tpu.memory_space<hbm>> -> memref<1x512xi32, #tpu.memory_space<hbm>>
      tpu.enqueue_dma source(%dma_start3A_34 : memref<1x512xi32, #tpu.memory_space<hbm>>) target(%arg6 : memref<1x512xi32, #tpu.memory_space<vmem>>) target_semaphore(%run_scoped3A : memref<!tpu.dma_semaphore, #tpu.memory_space<semaphore_mem>>)
      %dma_wait3A = arith.constant 0 : i32
      %dma_wait3A_35 = tpu.memref_slice %arg3[%add3A, %dma_wait3A] : memref<32x512xi32, #tpu.memory_space<hbm>> -> memref<1x512xi32, #tpu.memory_space<hbm>>
      %dma_wait3A_36 = arith.constant 0 : i32
      %dma_wait3A_37 = tpu.memref_slice %arg3[%add3A, %dma_wait3A_36] : memref<32x512xi32, #tpu.memory_space<hbm>> -> memref<1x512xi32, #tpu.memory_space<hbm>>
      tpu.wait_dma2 semaphore(%run_scoped3A : memref<!tpu.dma_semaphore, #tpu.memory_space<semaphore_mem>>) src(%dma_wait3A_37 : memref<1x512xi32, #tpu.memory_space<hbm>>) dst(%arg6 : memref<1x512xi32, #tpu.memory_space<vmem>>)
      tpu.yield
    }) : () -> ()
    %broadcast_in_dim3A = arith.constant 0.000000e+00 : f32
    %broadcast_in_dim3A_1 = vector.broadcast %broadcast_in_dim3A : f32 to vector<16xf32>
    %broadcast_in_dim3A_2 = arith.constant 1.000000e+00 : f32
    %broadcast_in_dim3A_3 = vector.broadcast %broadcast_in_dim3A_2 : f32 to vector<16xf32>
    %scan3A = arith.constant 0 : i32
    %scan3A_4 = arith.constant 0 : i32
    %scan3A_5 = arith.constant 64 : i32
    %scan3A_6 = arith.addi %scan3A_4, %scan3A_5 : i32
    %scan3A_7 = arith.constant 1 : i32
    %scan3A_8 = scf.for %scan3A_32 = %scan3A_4 to %scan3A_6 step %scan3A_7 iter_args(%scan3A_33 = %scan3A) -> (i32)  : i32 {
      %mul3A_34 = arith.constant 8 : i32
      %mul3A_35 = arith.muli %scan3A_32, %mul3A_34 : i32
      %add3A_36 = arith.constant 0 : i32
      %add3A_37 = arith.addi %mul3A_35, %add3A_36 : i32
      %swap3A = arith.index_cast %add3A_37 : i32 to index
      %swap3A_38 = arith.constant 0 : index
      %swap3A_39 = tpu.vector_load %arg7[%swap3A, %swap3A_38] {strides = array<i32>} : memref<512x48xf32, #tpu.memory_space<vmem>>, vector<1x16xf32>,
      %swap3A_40 = vector.shape_cast %swap3A_39 : vector<1x16xf32> to vector<16xf32>
      %swap3A_41 = vector.shape_cast %broadcast_in_dim3A_1 : vector<16xf32> to vector<1x16xf32>
      tpu.vector_store %arg7[%swap3A, %swap3A_38], %swap3A_41 {strides = array<i32>} : memref<512x48xf32, #tpu.memory_space<vmem>>, vector<1x16xf32>,
      %swap3A_42 = arith.index_cast %add3A_37 : i32 to index
      %swap3A_43 = arith.constant 16 : index
      %swap3A_44 = tpu.vector_load %arg7[%swap3A_42, %swap3A_43] {strides = array<i32>} : memref<512x48xf32, #tpu.memory_space<vmem>>, vector<1x16xf32>,
      %swap3A_45 = vector.shape_cast %swap3A_44 : vector<1x16xf32> to vector<16xf32>
      %swap3A_46 = vector.shape_cast %broadcast_in_dim3A_1 : vector<16xf32> to vector<1x16xf32>
      tpu.vector_store %arg7[%swap3A_42, %swap3A_43], %swap3A_46 {strides = array<i32>} : memref<512x48xf32, #tpu.memory_space<vmem>>, vector<1x16xf32>,
      %swap3A_47 = arith.index_cast %add3A_37 : i32 to index
      %swap3A_48 = arith.constant 32 : index
      %swap3A_49 = tpu.vector_load %arg7[%swap3A_47, %swap3A_48] {strides = array<i32>} : memref<512x48xf32, #tpu.memory_space<vmem>>, vector<1x16xf32>,
      %swap3A_50 = vector.shape_cast %swap3A_49 : vector<1x16xf32> to vector<16xf32>
      %swap3A_51 = vector.shape_cast %broadcast_in_dim3A_1 : vector<16xf32> to vector<1x16xf32>
      tpu.vector_store %arg7[%swap3A_47, %swap3A_48], %swap3A_51 {strides = array<i32>} : memref<512x48xf32, #tpu.memory_space<vmem>>, vector<1x16xf32>,
      %mul3A_52 = arith.constant 8 : i32
      %mul3A_53 = arith.muli %scan3A_32, %mul3A_52 : i32
      %add3A_54 = arith.constant 1 : i32
      %add3A_55 = arith.addi %mul3A_53, %add3A_54 : i32
      %swap3A_56 = arith.index_cast %add3A_55 : i32 to index
      %swap3A_57 = arith.constant 0 : index
      %swap3A_58 = tpu.vector_load %arg7[%swap3A_56, %swap3A_57] {strides = array<i32>} : memref<512x48xf32, #tpu.memory_space<vmem>>, vector<1x16xf32>,
      %swap3A_59 = vector.shape_cast %swap3A_58 : vector<1x16xf32> to vector<16xf32>
      %swap3A_60 = vector.shape_cast %broadcast_in_dim3A_1 : vector<16xf32> to vector<1x16xf32>
      tpu.vector_store %arg7[%swap3A_56, %swap3A_57], %swap3A_60 {strides = array<i32>} : memref<512x48xf32, #tpu.memory_space<vmem>>, vector<1x16xf32>,
      %swap3A_61 = arith.index_cast %add3A_55 : i32 to index
      %swap3A_62 = arith.constant 16 : index
      %swap3A_63 = tpu.vector_load %arg7[%swap3A_61, %swap3A_62] {strides = array<i32>} : memref<512x48xf32, #tpu.memory_space<vmem>>, vector<1x16xf32>,
      %swap3A_64 = vector.shape_cast %swap3A_63 : vector<1x16xf32> to vector<16xf32>
      %swap3A_65 = vector.shape_cast %broadcast_in_dim3A_1 : vector<16xf32> to vector<1x16xf32>
      tpu.vector_store %arg7[%swap3A_61, %swap3A_62], %swap3A_65 {strides = array<i32>} : memref<512x48xf32, #tpu.memory_space<vmem>>, vector<1x16xf32>,
      %swap3A_66 = arith.index_cast %add3A_55 : i32 to index
      %swap3A_67 = arith.constant 32 : index
      %swap3A_68 = tpu.vector_load %arg7[%swap3A_66, %swap3A_67] {strides = array<i32>} : memref<512x48xf32, #tpu.memory_space<vmem>>, vector<1x16xf32>,
      %swap3A_69 = vector.shape_cast %swap3A_68 : vector<1x16xf32> to vector<16xf32>
      %swap3A_70 = vector.shape_cast %broadcast_in_dim3A_1 : vector<16xf32> to vector<1x16xf32>
      tpu.vector_store %arg7[%swap3A_66, %swap3A_67], %swap3A_70 {strides = array<i32>} : memref<512x48xf32, #tpu.memory_space<vmem>>, vector<1x16xf32>,
      %mul3A_71 = arith.constant 8 : i32
      %mul3A_72 = arith.muli %scan3A_32, %mul3A_71 : i32
      %add3A_73 = arith.constant 2 : i32
      %add3A_74 = arith.addi %mul3A_72, %add3A_73 : i32
      %swap3A_75 = arith.index_cast %add3A_74 : i32 to index
      %swap3A_76 = arith.constant 0 : index
      %swap3A_77 = tpu.vector_load %arg7[%swap3A_75, %swap3A_76] {strides = array<i32>} : memref<512x48xf32, #tpu.memory_space<vmem>>, vector<1x16xf32>,
      %swap3A_78 = vector.shape_cast %swap3A_77 : vector<1x16xf32> to vector<16xf32>
      %swap3A_79 = vector.shape_cast %broadcast_in_dim3A_1 : vector<16xf32> to vector<1x16xf32>
      tpu.vector_store %arg7[%swap3A_75, %swap3A_76], %swap3A_79 {strides = array<i32>} : memref<512x48xf32, #tpu.memory_space<vmem>>, vector<1x16xf32>,
      %swap3A_80 = arith.index_cast %add3A_74 : i32 to index
      %swap3A_81 = arith.constant 16 : index
      %swap3A_82 = tpu.vector_load %arg7[%swap3A_80, %swap3A_81] {strides = array<i32>} : memref<512x48xf32, #tpu.memory_space<vmem>>, vector<1x16xf32>,
      %swap3A_83 = vector.shape_cast %swap3A_82 : vector<1x16xf32> to vector<16xf32>
      %swap3A_84 = vector.shape_cast %broadcast_in_dim3A_1 : vector<16xf32> to vector<1x16xf32>
      tpu.vector_store %arg7[%swap3A_80, %swap3A_81], %swap3A_84 {strides = array<i32>} : memref<512x48xf32, #tpu.memory_space<vmem>>, vector<1x16xf32>,
      %swap3A_85 = arith.index_cast %add3A_74 : i32 to index
      %swap3A_86 = arith.constant 32 : index
      %swap3A_87 = tpu.vector_load %arg7[%swap3A_85, %swap3A_86] {strides = array<i32>} : memref<512x48xf32, #tpu.memory_space<vmem>>, vector<1x16xf32>,
      %swap3A_88 = vector.shape_cast %swap3A_87 : vector<1x16xf32> to vector<16xf32>
      %swap3A_89 = vector.shape_cast %broadcast_in_dim3A_1 : vector<16xf32> to vector<1x16xf32>
      tpu.vector_store %arg7[%swap3A_85, %swap3A_86], %swap3A_89 {strides = array<i32>} : memref<512x48xf32, #tpu.memory_space<vmem>>, vector<1x16xf32>,
      %mul3A_90 = arith.constant 8 : i32
      %mul3A_91 = arith.muli %scan3A_32, %mul3A_90 : i32
      %add3A_92 = arith.constant 3 : i32
      %add3A_93 = arith.addi %mul3A_91, %add3A_92 : i32
      %swap3A_94 = arith.index_cast %add3A_93 : i32 to index
      %swap3A_95 = arith.constant 0 : index
      %swap3A_96 = tpu.vector_load %arg7[%swap3A_94, %swap3A_95] {strides = array<i32>} : memref<512x48xf32, #tpu.memory_space<vmem>>, vector<1x16xf32>,
      %swap3A_97 = vector.shape_cast %swap3A_96 : vector<1x16xf32> to vector<16xf32>
      %swap3A_98 = vector.shape_cast %broadcast_in_dim3A_1 : vector<16xf32> to vector<1x16xf32>
      tpu.vector_store %arg7[%swap3A_94, %swap3A_95], %swap3A_98 {strides = array<i32>} : memref<512x48xf32, #tpu.memory_space<vmem>>, vector<1x16xf32>,
      %swap3A_99 = arith.index_cast %add3A_93 : i32 to index
      %swap3A_100 = arith.constant 16 : index
      %swap3A_101 = tpu.vector_load %arg7[%swap3A_99, %swap3A_100] {strides = array<i32>} : memref<512x48xf32, #tpu.memory_space<vmem>>, vector<1x16xf32>,
      %swap3A_102 = vector.shape_cast %swap3A_101 : vector<1x16xf32> to vector<16xf32>
      %swap3A_103 = vector.shape_cast %broadcast_in_dim3A_1 : vector<16xf32> to vector<1x16xf32>
      tpu.vector_store %arg7[%swap3A_99, %swap3A_100], %swap3A_103 {strides = array<i32>} : memref<512x48xf32, #tpu.memory_space<vmem>>, vector<1x16xf32>,
      %swap3A_104 = arith.index_cast %add3A_93 : i32 to index
      %swap3A_105 = arith.constant 32 : index
      %swap3A_106 = tpu.vector_load %arg7[%swap3A_104, %swap3A_105] {strides = array<i32>} : memref<512x48xf32, #tpu.memory_space<vmem>>, vector<1x16xf32>,
      %swap3A_107 = vector.shape_cast %swap3A_106 : vector<1x16xf32> to vector<16xf32>
      %swap3A_108 = vector.shape_cast %broadcast_in_dim3A_1 : vector<16xf32> to vector<1x16xf32>
      tpu.vector_store %arg7[%swap3A_104, %swap3A_105], %swap3A_108 {strides = array<i32>} : memref<512x48xf32, #tpu.memory_space<vmem>>, vector<1x16xf32>,
      %mul3A_109 = arith.constant 8 : i32
      %mul3A_110 = arith.muli %scan3A_32, %mul3A_109 : i32
      %add3A_111 = arith.constant 4 : i32
      %add3A_112 = arith.addi %mul3A_110, %add3A_111 : i32
      %swap3A_113 = arith.index_cast %add3A_112 : i32 to index
      %swap3A_114 = arith.constant 0 : index
      %swap3A_115 = tpu.vector_load %arg7[%swap3A_113, %swap3A_114] {strides = array<i32>} : memref<512x48xf32, #tpu.memory_space<vmem>>, vector<1x16xf32>,
      %swap3A_116 = vector.shape_cast %swap3A_115 : vector<1x16xf32> to vector<16xf32>
      %swap3A_117 = vector.shape_cast %broadcast_in_dim3A_1 : vector<16xf32> to vector<1x16xf32>
      tpu.vector_store %arg7[%swap3A_113, %swap3A_114], %swap3A_117 {strides = array<i32>} : memref<512x48xf32, #tpu.memory_space<vmem>>, vector<1x16xf32>,
      %swap3A_118 = arith.index_cast %add3A_112 : i32 to index
      %swap3A_119 = arith.constant 16 : index
      %swap3A_120 = tpu.vector_load %arg7[%swap3A_118, %swap3A_119] {strides = array<i32>} : memref<512x48xf32, #tpu.memory_space<vmem>>, vector<1x16xf32>,
      %swap3A_121 = vector.shape_cast %swap3A_120 : vector<1x16xf32> to vector<16xf32>
      %swap3A_122 = vector.shape_cast %broadcast_in_dim3A_1 : vector<16xf32> to vector<1x16xf32>
      tpu.vector_store %arg7[%swap3A_118, %swap3A_119], %swap3A_122 {strides = array<i32>} : memref<512x48xf32, #tpu.memory_space<vmem>>, vector<1x16xf32>,
      %swap3A_123 = arith.index_cast %add3A_112 : i32 to index
      %swap3A_124 = arith.constant 32 : index
      %swap3A_125 = tpu.vector_load %arg7[%swap3A_123, %swap3A_124] {strides = array<i32>} : memref<512x48xf32, #tpu.memory_space<vmem>>, vector<1x16xf32>,
      %swap3A_126 = vector.shape_cast %swap3A_125 : vector<1x16xf32> to vector<16xf32>
      %swap3A_127 = vector.shape_cast %broadcast_in_dim3A_1 : vector<16xf32> to vector<1x16xf32>
      tpu.vector_store %arg7[%swap3A_123, %swap3A_124], %swap3A_127 {strides = array<i32>} : memref<512x48xf32, #tpu.memory_space<vmem>>, vector<1x16xf32>,
      %mul3A_128 = arith.constant 8 : i32
      %mul3A_129 = arith.muli %scan3A_32, %mul3A_128 : i32
      %add3A_130 = arith.constant 5 : i32
      %add3A_131 = arith.addi %mul3A_129, %add3A_130 : i32
      %swap3A_132 = arith.index_cast %add3A_131 : i32 to index
      %swap3A_133 = arith.constant 0 : index
      %swap3A_134 = tpu.vector_load %arg7[%swap3A_132, %swap3A_133] {strides = array<i32>} : memref<512x48xf32, #tpu.memory_space<vmem>>, vector<1x16xf32>,
      %swap3A_135 = vector.shape_cast %swap3A_134 : vector<1x16xf32> to vector<16xf32>
      %swap3A_136 = vector.shape_cast %broadcast_in_dim3A_1 : vector<16xf32> to vector<1x16xf32>
      tpu.vector_store %arg7[%swap3A_132, %swap3A_133], %swap3A_136 {strides = array<i32>} : memref<512x48xf32, #tpu.memory_space<vmem>>, vector<1x16xf32>,
      %swap3A_137 = arith.index_cast %add3A_131 : i32 to index
      %swap3A_138 = arith.constant 16 : index
      %swap3A_139 = tpu.vector_load %arg7[%swap3A_137, %swap3A_138] {strides = array<i32>} : memref<512x48xf32, #tpu.memory_space<vmem>>, vector<1x16xf32>,
      %swap3A_140 = vector.shape_cast %swap3A_139 : vector<1x16xf32> to vector<16xf32>
      %swap3A_141 = vector.shape_cast %broadcast_in_dim3A_1 : vector<16xf32> to vector<1x16xf32>
      tpu.vector_store %arg7[%swap3A_137, %swap3A_138], %swap3A_141 {strides = array<i32>} : memref<512x48xf32, #tpu.memory_space<vmem>>, vector<1x16xf32>,
      %swap3A_142 = arith.index_cast %add3A_131 : i32 to index
      %swap3A_143 = arith.constant 32 : index
      %swap3A_144 = tpu.vector_load %arg7[%swap3A_142, %swap3A_143] {strides = array<i32>} : memref<512x48xf32, #tpu.memory_space<vmem>>, vector<1x16xf32>,
      %swap3A_145 = vector.shape_cast %swap3A_144 : vector<1x16xf32> to vector<16xf32>
      %swap3A_146 = vector.shape_cast %broadcast_in_dim3A_1 : vector<16xf32> to vector<1x16xf32>
      tpu.vector_store %arg7[%swap3A_142, %swap3A_143], %swap3A_146 {strides = array<i32>} : memref<512x48xf32, #tpu.memory_space<vmem>>, vector<1x16xf32>,
      %mul3A_147 = arith.constant 8 : i32
      %mul3A_148 = arith.muli %scan3A_32, %mul3A_147 : i32
      %add3A_149 = arith.constant 6 : i32
      %add3A_150 = arith.addi %mul3A_148, %add3A_149 : i32
      %swap3A_151 = arith.index_cast %add3A_150 : i32 to index
      %swap3A_152 = arith.constant 0 : index
      %swap3A_153 = tpu.vector_load %arg7[%swap3A_151, %swap3A_152] {strides = array<i32>} : memref<512x48xf32, #tpu.memory_space<vmem>>, vector<1x16xf32>,
      %swap3A_154 = vector.shape_cast %swap3A_153 : vector<1x16xf32> to vector<16xf32>
      %swap3A_155 = vector.shape_cast %broadcast_in_dim3A_1 : vector<16xf32> to vector<1x16xf32>
      tpu.vector_store %arg7[%swap3A_151, %swap3A_152], %swap3A_155 {strides = array<i32>} : memref<512x48xf32, #tpu.memory_space<vmem>>, vector<1x16xf32>,
      %swap3A_156 = arith.index_cast %add3A_150 : i32 to index
      %swap3A_157 = arith.constant 16 : index
      %swap3A_158 = tpu.vector_load %arg7[%swap3A_156, %swap3A_157] {strides = array<i32>} : memref<512x48xf32, #tpu.memory_space<vmem>>, vector<1x16xf32>,
      %swap3A_159 = vector.shape_cast %swap3A_158 : vector<1x16xf32> to vector<16xf32>
      %swap3A_160 = vector.shape_cast %broadcast_in_dim3A_1 : vector<16xf32> to vector<1x16xf32>
      tpu.vector_store %arg7[%swap3A_156, %swap3A_157], %swap3A_160 {strides = array<i32>} : memref<512x48xf32, #tpu.memory_space<vmem>>, vector<1x16xf32>,
      %swap3A_161 = arith.index_cast %add3A_150 : i32 to index
      %swap3A_162 = arith.constant 32 : index
      %swap3A_163 = tpu.vector_load %arg7[%swap3A_161, %swap3A_162] {strides = array<i32>} : memref<512x48xf32, #tpu.memory_space<vmem>>, vector<1x16xf32>,
      %swap3A_164 = vector.shape_cast %swap3A_163 : vector<1x16xf32> to vector<16xf32>
      %swap3A_165 = vector.shape_cast %broadcast_in_dim3A_1 : vector<16xf32> to vector<1x16xf32>
      tpu.vector_store %arg7[%swap3A_161, %swap3A_162], %swap3A_165 {strides = array<i32>} : memref<512x48xf32, #tpu.memory_space<vmem>>, vector<1x16xf32>,
      %mul3A_166 = arith.constant 8 : i32
      %mul3A_167 = arith.muli %scan3A_32, %mul3A_166 : i32
      %add3A_168 = arith.constant 7 : i32
      %add3A_169 = arith.addi %mul3A_167, %add3A_168 : i32
      %swap3A_170 = arith.index_cast %add3A_169 : i32 to index
      %swap3A_171 = arith.constant 0 : index
      %swap3A_172 = tpu.vector_load %arg7[%swap3A_170, %swap3A_171] {strides = array<i32>} : memref<512x48xf32, #tpu.memory_space<vmem>>, vector<1x16xf32>,
      %swap3A_173 = vector.shape_cast %swap3A_172 : vector<1x16xf32> to vector<16xf32>
      %swap3A_174 = vector.shape_cast %broadcast_in_dim3A_1 : vector<16xf32> to vector<1x16xf32>
      tpu.vector_store %arg7[%swap3A_170, %swap3A_171], %swap3A_174 {strides = array<i32>} : memref<512x48xf32, #tpu.memory_space<vmem>>, vector<1x16xf32>,
      %swap3A_175 = arith.index_cast %add3A_169 : i32 to index
      %swap3A_176 = arith.constant 16 : index
      %swap3A_177 = tpu.vector_load %arg7[%swap3A_175, %swap3A_176] {strides = array<i32>} : memref<512x48xf32, #tpu.memory_space<vmem>>, vector<1x16xf32>,
      %swap3A_178 = vector.shape_cast %swap3A_177 : vector<1x16xf32> to vector<16xf32>
      %swap3A_179 = vector.shape_cast %broadcast_in_dim3A_1 : vector<16xf32> to vector<1x16xf32>
      tpu.vector_store %arg7[%swap3A_175, %swap3A_176], %swap3A_179 {strides = array<i32>} : memref<512x48xf32, #tpu.memory_space<vmem>>, vector<1x16xf32>,
      %swap3A_180 = arith.index_cast %add3A_169 : i32 to index
      %swap3A_181 = arith.constant 32 : index
      %swap3A_182 = tpu.vector_load %arg7[%swap3A_180, %swap3A_181] {strides = array<i32>} : memref<512x48xf32, #tpu.memory_space<vmem>>, vector<1x16xf32>,
      %swap3A_183 = vector.shape_cast %swap3A_182 : vector<1x16xf32> to vector<16xf32>
      %swap3A_184 = vector.shape_cast %broadcast_in_dim3A_1 : vector<16xf32> to vector<1x16xf32>
      tpu.vector_store %arg7[%swap3A_180, %swap3A_181], %swap3A_184 {strides = array<i32>} : memref<512x48xf32, #tpu.memory_space<vmem>>, vector<1x16xf32>,
      %scan3A_185 = arith.constant 0 : i32
      scf.yield %scan3A_185 : i32
    }
    %scan3A_9 = arith.constant 64 : i32
    %mul3A_10 = arith.constant 512 : i32
    %mul3A_11 = arith.muli %add3A, %mul3A_10 : i32
    %add3A_12 = arith.constant 0 : i32
    %add3A_13 = arith.addi %mul3A_11, %add3A_12 : i32
    "tpu.region"() ({
      %run_scoped3A = tpu.sem_alloc : memref<!tpu.dma_semaphore, #tpu.memory_space<semaphore_mem>>
      %dma_start3A = arith.constant 0 : i32
      %dma_start3A_32 = tpu.memref_slice %arg2[%add3A_13, %dma_start3A] : memref<16384x32xf32, #tpu.memory_space<hbm>> -> memref<256x32xf32, #tpu.memory_space<hbm>>
      %dma_start3A_33 = arith.constant 0 : i32
      %dma_start3A_34 = tpu.memref_slice %arg2[%add3A_13, %dma_start3A_33] : memref<16384x32xf32, #tpu.memory_space<hbm>> -> memref<256x32xf32, #tpu.memory_space<hbm>>
      tpu.enqueue_dma source(%dma_start3A_34 : memref<256x32xf32, #tpu.memory_space<hbm>>) target(%arg5 : memref<256x32xf32, #tpu.memory_space<vmem>>) target_semaphore(%run_scoped3A : memref<!tpu.dma_semaphore, #tpu.memory_space<semaphore_mem>>)
      %dma_wait3A = arith.constant 0 : i32
      %dma_wait3A_35 = tpu.memref_slice %arg2[%add3A_13, %dma_wait3A] : memref<16384x32xf32, #tpu.memory_space<hbm>> -> memref<256x32xf32, #tpu.memory_space<hbm>>
      %dma_wait3A_36 = arith.constant 0 : i32
      %dma_wait3A_37 = tpu.memref_slice %arg2[%add3A_13, %dma_wait3A_36] : memref<16384x32xf32, #tpu.memory_space<hbm>> -> memref<256x32xf32, #tpu.memory_space<hbm>>
      tpu.wait_dma2 semaphore(%run_scoped3A : memref<!tpu.dma_semaphore, #tpu.memory_space<semaphore_mem>>) src(%dma_wait3A_37 : memref<256x32xf32, #tpu.memory_space<hbm>>) dst(%arg5 : memref<256x32xf32, #tpu.memory_space<vmem>>)
      tpu.yield
    }) : () -> ()
    %scan3A_14 = arith.constant 0 : i32
    %scan3A_15 = arith.constant 0 : i32
    %scan3A_16 = arith.constant 16 : i32
    %scan3A_17 = arith.addi %scan3A_15, %scan3A_16 : i32
    %scan3A_18 = arith.constant 1 : i32
    %scan3A_19 = scf.for %scan3A_32 = %scan3A_15 to %scan3A_17 step %scan3A_18 iter_args(%scan3A_33 = %scan3A_14) -> (i32)  : i32 {
      %mul3A_34 = arith.constant 16 : i32
      %mul3A_35 = arith.muli %scan3A_32, %mul3A_34 : i32
      %add3A_36 = arith.constant 0 : i32
      %add3A_37 = arith.addi %add3A_36, %mul3A_35 : i32
      %get3A = arith.constant 0 : i32
      %get3A_38 = arith.index_cast %get3A : i32 to index
      %get3A_39 = arith.index_cast %add3A_37 : i32 to index
      %get3A_40 = tpu.vector_load %arg6[%get3A_38, %get3A_39] {strides = array<i32>} : memref<1x512xi32, #tpu.memory_space<vmem>>, vector<1x16xi32>,
      %get3A_41 = vector.shape_cast %get3A_40 : vector<1x16xi32> to vector<16xi32>
      %slice3A = vector.extract_strided_slice %get3A_41 {offsets = [0], sizes = [1], strides = [1]} : vector<16xi32> to vector<1xi32>
      %squeeze3A = vector.extract %slice3A[0] : i32 from vector<1xi32>
      %mul3A_42 = arith.constant 16 : i32
      %mul3A_43 = arith.muli %scan3A_32, %mul3A_42 : i32
      %add3A_44 = arith.constant 0 : i32
      %add3A_45 = arith.addi %mul3A_43, %add3A_44 : i32
      %get3A_46 = arith.index_cast %squeeze3A : i32 to index
      %get3A_47 = arith.constant 0 : index
      %get3A_48 = tpu.vector_load %arg7[%get3A_46, %get3A_47] {strides = array<i32>} : memref<512x48xf32, #tpu.memory_space<vmem>>, vector<1x16xf32>,
      %get3A_49 = vector.shape_cast %get3A_48 : vector<1x16xf32> to vector<16xf32>
      %get3A_50 = arith.index_cast %add3A_45 : i32 to index
      %get3A_51 = arith.constant 0 : index
      %get3A_52 = tpu.vector_load %arg5[%get3A_50, %get3A_51] {strides = array<i32>} : memref<256x32xf32, #tpu.memory_space<vmem>>, vector<1x16xf32>,
      %get3A_53 = vector.shape_cast %get3A_52 : vector<1x16xf32> to vector<16xf32>
      %add3A_54 = arith.addf %get3A_49, %get3A_53 : vector<16xf32>
      %swap3A = arith.index_cast %squeeze3A : i32 to index
      %swap3A_55 = arith.constant 0 : index
      %swap3A_56 = tpu.vector_load %arg7[%swap3A, %swap3A_55] {strides = array<i32>} : memref<512x48xf32, #tpu.memory_space<vmem>>, vector<1x16xf32>,
      %swap3A_57 = vector.shape_cast %swap3A_56 : vector<1x16xf32> to vector<16xf32>
      %swap3A_58 = vector.shape_cast %add3A_54 : vector<16xf32> to vector<1x16xf32>
      tpu.vector_store %arg7[%swap3A, %swap3A_55], %swap3A_58 {strides = array<i32>} : memref<512x48xf32, #tpu.memory_space<vmem>>, vector<1x16xf32>,
      %get3A_59 = arith.index_cast %squeeze3A : i32 to index
      %get3A_60 = arith.constant 16 : index
      %get3A_61 = tpu.vector_load %arg7[%get3A_59, %get3A_60] {strides = array<i32>} : memref<512x48xf32, #tpu.memory_space<vmem>>, vector<1x16xf32>,
      %get3A_62 = vector.shape_cast %get3A_61 : vector<1x16xf32> to vector<16xf32>
      %get3A_63 = arith.index_cast %add3A_45 : i32 to index
      %get3A_64 = arith.constant 16 : index
      %get3A_65 = tpu.vector_load %arg5[%get3A_63, %get3A_64] {strides = array<i32>} : memref<256x32xf32, #tpu.memory_space<vmem>>, vector<1x16xf32>,
      %get3A_66 = vector.shape_cast %get3A_65 : vector<1x16xf32> to vector<16xf32>
      %add3A_67 = arith.addf %get3A_62, %get3A_66 : vector<16xf32>
      %swap3A_68 = arith.index_cast %squeeze3A : i32 to index
      %swap3A_69 = arith.constant 16 : index
      %swap3A_70 = tpu.vector_load %arg7[%swap3A_68, %swap3A_69] {strides = array<i32>} : memref<512x48xf32, #tpu.memory_space<vmem>>, vector<1x16xf32>,
      %swap3A_71 = vector.shape_cast %swap3A_70 : vector<1x16xf32> to vector<16xf32>
      %swap3A_72 = vector.shape_cast %add3A_67 : vector<16xf32> to vector<1x16xf32>
      tpu.vector_store %arg7[%swap3A_68, %swap3A_69], %swap3A_72 {strides = array<i32>} : memref<512x48xf32, #tpu.memory_space<vmem>>, vector<1x16xf32>,
      %get3A_73 = arith.index_cast %squeeze3A : i32 to index
      %get3A_74 = arith.constant 32 : index
      %get3A_75 = tpu.vector_load %arg7[%get3A_73, %get3A_74] {strides = array<i32>} : memref<512x48xf32, #tpu.memory_space<vmem>>, vector<1x16xf32>,
      %get3A_76 = vector.shape_cast %get3A_75 : vector<1x16xf32> to vector<16xf32>
      %add3A_77 = arith.addf %get3A_76, %broadcast_in_dim3A_3 : vector<16xf32>
      %swap3A_78 = arith.index_cast %squeeze3A : i32 to index
      %swap3A_79 = arith.constant 32 : index
      %swap3A_80 = tpu.vector_load %arg7[%swap3A_78, %swap3A_79] {strides = array<i32>} : memref<512x48xf32, #tpu.memory_space<vmem>>, vector<1x16xf32>,
      %swap3A_81 = vector.shape_cast %swap3A_80 : vector<1x16xf32> to vector<16xf32>
      %swap3A_82 = vector.shape_cast %add3A_77 : vector<16xf32> to vector<1x16xf32>
      tpu.vector_store %arg7[%swap3A_78, %swap3A_79], %swap3A_82 {strides = array<i32>} : memref<512x48xf32, #tpu.memory_space<vmem>>, vector<1x16xf32>,
      %slice3A_83 = vector.extract_strided_slice %get3A_41 {offsets = [1], sizes = [1], strides = [1]} : vector<16xi32> to vector<1xi32>
      %squeeze3A_84 = vector.extract %slice3A_83[0] : i32 from vector<1xi32>
      %mul3A_85 = arith.constant 16 : i32
      %mul3A_86 = arith.muli %scan3A_32, %mul3A_85 : i32
      %add3A_87 = arith.constant 1 : i32
      %add3A_88 = arith.addi %mul3A_86, %add3A_87 : i32
      %get3A_89 = arith.index_cast %squeeze3A_84 : i32 to index
      %get3A_90 = arith.constant 0 : index
      %get3A_91 = tpu.vector_load %arg7[%get3A_89, %get3A_90] {strides = array<i32>} : memref<512x48xf32, #tpu.memory_space<vmem>>, vector<1x16xf32>,
      %get3A_92 = vector.shape_cast %get3A_91 : vector<1x16xf32> to vector<16xf32>
      %get3A_93 = arith.index_cast %add3A_88 : i32 to index
      %get3A_94 = arith.constant 0 : index
      %get3A_95 = tpu.vector_load %arg5[%get3A_93, %get3A_94] {strides = array<i32>} : memref<256x32xf32, #tpu.memory_space<vmem>>, vector<1x16xf32>,
      %get3A_96 = vector.shape_cast %get3A_95 : vector<1x16xf32> to vector<16xf32>
      %add3A_97 = arith.addf %get3A_92, %get3A_96 : vector<16xf32>
      %swap3A_98 = arith.index_cast %squeeze3A_84 : i32 to index
      %swap3A_99 = arith.constant 0 : index
      %swap3A_100 = tpu.vector_load %arg7[%swap3A_98, %swap3A_99] {strides = array<i32>} : memref<512x48xf32, #tpu.memory_space<vmem>>, vector<1x16xf32>,
      %swap3A_101 = vector.shape_cast %swap3A_100 : vector<1x16xf32> to vector<16xf32>
      %swap3A_102 = vector.shape_cast %add3A_97 : vector<16xf32> to vector<1x16xf32>
      tpu.vector_store %arg7[%swap3A_98, %swap3A_99], %swap3A_102 {strides = array<i32>} : memref<512x48xf32, #tpu.memory_space<vmem>>, vector<1x16xf32>,
      %get3A_103 = arith.index_cast %squeeze3A_84 : i32 to index
      %get3A_104 = arith.constant 16 : index
      %get3A_105 = tpu.vector_load %arg7[%get3A_103, %get3A_104] {strides = array<i32>} : memref<512x48xf32, #tpu.memory_space<vmem>>, vector<1x16xf32>,
      %get3A_106 = vector.shape_cast %get3A_105 : vector<1x16xf32> to vector<16xf32>
      %get3A_107 = arith.index_cast %add3A_88 : i32 to index
      %get3A_108 = arith.constant 16 : index
      %get3A_109 = tpu.vector_load %arg5[%get3A_107, %get3A_108] {strides = array<i32>} : memref<256x32xf32, #tpu.memory_space<vmem>>, vector<1x16xf32>,
      %get3A_110 = vector.shape_cast %get3A_109 : vector<1x16xf32> to vector<16xf32>
      %add3A_111 = arith.addf %get3A_106, %get3A_110 : vector<16xf32>
      %swap3A_112 = arith.index_cast %squeeze3A_84 : i32 to index
      %swap3A_113 = arith.constant 16 : index
      %swap3A_114 = tpu.vector_load %arg7[%swap3A_112, %swap3A_113] {strides = array<i32>} : memref<512x48xf32, #tpu.memory_space<vmem>>, vector<1x16xf32>,
      %swap3A_115 = vector.shape_cast %swap3A_114 : vector<1x16xf32> to vector<16xf32>
      %swap3A_116 = vector.shape_cast %add3A_111 : vector<16xf32> to vector<1x16xf32>
      tpu.vector_store %arg7[%swap3A_112, %swap3A_113], %swap3A_116 {strides = array<i32>} : memref<512x48xf32, #tpu.memory_space<vmem>>, vector<1x16xf32>,
      %get3A_117 = arith.index_cast %squeeze3A_84 : i32 to index
      %get3A_118 = arith.constant 32 : index
      %get3A_119 = tpu.vector_load %arg7[%get3A_117, %get3A_118] {strides = array<i32>} : memref<512x48xf32, #tpu.memory_space<vmem>>, vector<1x16xf32>,
      %get3A_120 = vector.shape_cast %get3A_119 : vector<1x16xf32> to vector<16xf32>
      %add3A_121 = arith.addf %get3A_120, %broadcast_in_dim3A_3 : vector<16xf32>
      %swap3A_122 = arith.index_cast %squeeze3A_84 : i32 to index
      %swap3A_123 = arith.constant 32 : index
      %swap3A_124 = tpu.vector_load %arg7[%swap3A_122, %swap3A_123] {strides = array<i32>} : memref<512x48xf32, #tpu.memory_space<vmem>>, vector<1x16xf32>,
      %swap3A_125 = vector.shape_cast %swap3A_124 : vector<1x16xf32> to vector<16xf32>
      %swap3A_126 = vector.shape_cast %add3A_121 : vector<16xf32> to vector<1x16xf32>
      tpu.vector_store %arg7[%swap3A_122, %swap3A_123], %swap3A_126 {strides = array<i32>} : memref<512x48xf32, #tpu.memory_space<vmem>>, vector<1x16xf32>,
      %slice3A_127 = vector.extract_strided_slice %get3A_41 {offsets = [2], sizes = [1], strides = [1]} : vector<16xi32> to vector<1xi32>
      %squeeze3A_128 = vector.extract %slice3A_127[0] : i32 from vector<1xi32>
      %mul3A_129 = arith.constant 16 : i32
      %mul3A_130 = arith.muli %scan3A_32, %mul3A_129 : i32
      %add3A_131 = arith.constant 2 : i32
      %add3A_132 = arith.addi %mul3A_130, %add3A_131 : i32
      %get3A_133 = arith.index_cast %squeeze3A_128 : i32 to index
      %get3A_134 = arith.constant 0 : index
      %get3A_135 = tpu.vector_load %arg7[%get3A_133, %get3A_134] {strides = array<i32>} : memref<512x48xf32, #tpu.memory_space<vmem>>, vector<1x16xf32>,
      %get3A_136 = vector.shape_cast %get3A_135 : vector<1x16xf32> to vector<16xf32>
      %get3A_137 = arith.index_cast %add3A_132 : i32 to index
      %get3A_138 = arith.constant 0 : index
      %get3A_139 = tpu.vector_load %arg5[%get3A_137, %get3A_138] {strides = array<i32>} : memref<256x32xf32, #tpu.memory_space<vmem>>, vector<1x16xf32>,
      %get3A_140 = vector.shape_cast %get3A_139 : vector<1x16xf32> to vector<16xf32>
      %add3A_141 = arith.addf %get3A_136, %get3A_140 : vector<16xf32>
      %swap3A_142 = arith.index_cast %squeeze3A_128 : i32 to index
      %swap3A_143 = arith.constant 0 : index
      %swap3A_144 = tpu.vector_load %arg7[%swap3A_142, %swap3A_143] {strides = array<i32>} : memref<512x48xf32, #tpu.memory_space<vmem>>, vector<1x16xf32>,
      %swap3A_145 = vector.shape_cast %swap3A_144 : vector<1x16xf32> to vector<16xf32>
      %swap3A_146 = vector.shape_cast %add3A_141 : vector<16xf32> to vector<1x16xf32>
      tpu.vector_store %arg7[%swap3A_142, %swap3A_143], %swap3A_146 {strides = array<i32>} : memref<512x48xf32, #tpu.memory_space<vmem>>, vector<1x16xf32>,
      %get3A_147 = arith.index_cast %squeeze3A_128 : i32 to index
      %get3A_148 = arith.constant 16 : index
      %get3A_149 = tpu.vector_load %arg7[%get3A_147, %get3A_148] {strides = array<i32>} : memref<512x48xf32, #tpu.memory_space<vmem>>, vector<1x16xf32>,
      %get3A_150 = vector.shape_cast %get3A_149 : vector<1x16xf32> to vector<16xf32>
      %get3A_151 = arith.index_cast %add3A_132 : i32 to index
      %get3A_152 = arith.constant 16 : index
      %get3A_153 = tpu.vector_load %arg5[%get3A_151, %get3A_152] {strides = array<i32>} : memref<256x32xf32, #tpu.memory_space<vmem>>, vector<1x16xf32>,
      %get3A_154 = vector.shape_cast %get3A_153 : vector<1x16xf32> to vector<16xf32>
      %add3A_155 = arith.addf %get3A_150, %get3A_154 : vector<16xf32>
      %swap3A_156 = arith.index_cast %squeeze3A_128 : i32 to index
      %swap3A_157 = arith.constant 16 : index
      %swap3A_158 = tpu.vector_load %arg7[%swap3A_156, %swap3A_157] {strides = array<i32>} : memref<512x48xf32, #tpu.memory_space<vmem>>, vector<1x16xf32>,
      %swap3A_159 = vector.shape_cast %swap3A_158 : vector<1x16xf32> to vector<16xf32>
      %swap3A_160 = vector.shape_cast %add3A_155 : vector<16xf32> to vector<1x16xf32>
      tpu.vector_store %arg7[%swap3A_156, %swap3A_157], %swap3A_160 {strides = array<i32>} : memref<512x48xf32, #tpu.memory_space<vmem>>, vector<1x16xf32>,
      %get3A_161 = arith.index_cast %squeeze3A_128 : i32 to index
      %get3A_162 = arith.constant 32 : index
      %get3A_163 = tpu.vector_load %arg7[%get3A_161, %get3A_162] {strides = array<i32>} : memref<512x48xf32, #tpu.memory_space<vmem>>, vector<1x16xf32>,
      %get3A_164 = vector.shape_cast %get3A_163 : vector<1x16xf32> to vector<16xf32>
      %add3A_165 = arith.addf %get3A_164, %broadcast_in_dim3A_3 : vector<16xf32>
      %swap3A_166 = arith.index_cast %squeeze3A_128 : i32 to index
      %swap3A_167 = arith.constant 32 : index
      %swap3A_168 = tpu.vector_load %arg7[%swap3A_166, %swap3A_167] {strides = array<i32>} : memref<512x48xf32, #tpu.memory_space<vmem>>, vector<1x16xf32>,
      %swap3A_169 = vector.shape_cast %swap3A_168 : vector<1x16xf32> to vector<16xf32>
      %swap3A_170 = vector.shape_cast %add3A_165 : vector<16xf32> to vector<1x16xf32>
      tpu.vector_store %arg7[%swap3A_166, %swap3A_167], %swap3A_170 {strides = array<i32>} : memref<512x48xf32, #tpu.memory_space<vmem>>, vector<1x16xf32>,
      %slice3A_171 = vector.extract_strided_slice %get3A_41 {offsets = [3], sizes = [1], strides = [1]} : vector<16xi32> to vector<1xi32>
      %squeeze3A_172 = vector.extract %slice3A_171[0] : i32 from vector<1xi32>
      %mul3A_173 = arith.constant 16 : i32
      %mul3A_174 = arith.muli %scan3A_32, %mul3A_173 : i32
      %add3A_175 = arith.constant 3 : i32
      %add3A_176 = arith.addi %mul3A_174, %add3A_175 : i32
      %get3A_177 = arith.index_cast %squeeze3A_172 : i32 to index
      %get3A_178 = arith.constant 0 : index
      %get3A_179 = tpu.vector_load %arg7[%get3A_177, %get3A_178] {strides = array<i32>} : memref<512x48xf32, #tpu.memory_space<vmem>>, vector<1x16xf32>,
      %get3A_180 = vector.shape_cast %get3A_179 : vector<1x16xf32> to vector<16xf32>
      %get3A_181 = arith.index_cast %add3A_176 : i32 to index
      %get3A_182 = arith.constant 0 : index
      %get3A_183 = tpu.vector_load %arg5[%get3A_181, %get3A_182] {strides = array<i32>} : memref<256x32xf32, #tpu.memory_space<vmem>>, vector<1x16xf32>,
      %get3A_184 = vector.shape_cast %get3A_183 : vector<1x16xf32> to vector<16xf32>
      %add3A_185 = arith.addf %get3A_180, %get3A_184 : vector<16xf32>
      %swap3A_186 = arith.index_cast %squeeze3A_172 : i32 to index
      %swap3A_187 = arith.constant 0 : index
      %swap3A_188 = tpu.vector_load %arg7[%swap3A_186, %swap3A_187] {strides = array<i32>} : memref<512x48xf32, #tpu.memory_space<vmem>>, vector<1x16xf32>,
      %swap3A_189 = vector.shape_cast %swap3A_188 : vector<1x16xf32> to vector<16xf32>
      %swap3A_190 = vector.shape_cast %add3A_185 : vector<16xf32> to vector<1x16xf32>
      tpu.vector_store %arg7[%swap3A_186, %swap3A_187], %swap3A_190 {strides = array<i32>} : memref<512x48xf32, #tpu.memory_space<vmem>>, vector<1x16xf32>,
      %get3A_191 = arith.index_cast %squeeze3A_172 : i32 to index
      %get3A_192 = arith.constant 16 : index
      %get3A_193 = tpu.vector_load %arg7[%get3A_191, %get3A_192] {strides = array<i32>} : memref<512x48xf32, #tpu.memory_space<vmem>>, vector<1x16xf32>,
      %get3A_194 = vector.shape_cast %get3A_193 : vector<1x16xf32> to vector<16xf32>
      %get3A_195 = arith.index_cast %add3A_176 : i32 to index
      %get3A_196 = arith.constant 16 : index
      %get3A_197 = tpu.vector_load %arg5[%get3A_195, %get3A_196] {strides = array<i32>} : memref<256x32xf32, #tpu.memory_space<vmem>>, vector<1x16xf32>,
      %get3A_198 = vector.shape_cast %get3A_197 : vector<1x16xf32> to vector<16xf32>
      %add3A_199 = arith.addf %get3A_194, %get3A_198 : vector<16xf32>
      %swap3A_200 = arith.index_cast %squeeze3A_172 : i32 to index
      %swap3A_201 = arith.constant 16 : index
      %swap3A_202 = tpu.vector_load %arg7[%swap3A_200, %swap3A_201] {strides = array<i32>} : memref<512x48xf32, #tpu.memory_space<vmem>>, vector<1x16xf32>,
      %swap3A_203 = vector.shape_cast %swap3A_202 : vector<1x16xf32> to vector<16xf32>
      %swap3A_204 = vector.shape_cast %add3A_199 : vector<16xf32> to vector<1x16xf32>
      tpu.vector_store %arg7[%swap3A_200, %swap3A_201], %swap3A_204 {strides = array<i32>} : memref<512x48xf32, #tpu.memory_space<vmem>>, vector<1x16xf32>,
      %get3A_205 = arith.index_cast %squeeze3A_172 : i32 to index
      %get3A_206 = arith.constant 32 : index
      %get3A_207 = tpu.vector_load %arg7[%get3A_205, %get3A_206] {strides = array<i32>} : memref<512x48xf32, #tpu.memory_space<vmem>>, vector<1x16xf32>,
      %get3A_208 = vector.shape_cast %get3A_207 : vector<1x16xf32> to vector<16xf32>
      %add3A_209 = arith.addf %get3A_208, %broadcast_in_dim3A_3 : vector<16xf32>
      %swap3A_210 = arith.index_cast %squeeze3A_172 : i32 to index
      %swap3A_211 = arith.constant 32 : index
      %swap3A_212 = tpu.vector_load %arg7[%swap3A_210, %swap3A_211] {strides = array<i32>} : memref<512x48xf32, #tpu.memory_space<vmem>>, vector<1x16xf32>,
      %swap3A_213 = vector.shape_cast %swap3A_212 : vector<1x16xf32> to vector<16xf32>
      %swap3A_214 = vector.shape_cast %add3A_209 : vector<16xf32> to vector<1x16xf32>
      tpu.vector_store %arg7[%swap3A_210, %swap3A_211], %swap3A_214 {strides = array<i32>} : memref<512x48xf32, #tpu.memory_space<vmem>>, vector<1x16xf32>,
      %slice3A_215 = vector.extract_strided_slice %get3A_41 {offsets = [4], sizes = [1], strides = [1]} : vector<16xi32> to vector<1xi32>
      %squeeze3A_216 = vector.extract %slice3A_215[0] : i32 from vector<1xi32>
      %mul3A_217 = arith.constant 16 : i32
      %mul3A_218 = arith.muli %scan3A_32, %mul3A_217 : i32
      %add3A_219 = arith.constant 4 : i32
      %add3A_220 = arith.addi %mul3A_218, %add3A_219 : i32
      %get3A_221 = arith.index_cast %squeeze3A_216 : i32 to index
      %get3A_222 = arith.constant 0 : index
      %get3A_223 = tpu.vector_load %arg7[%get3A_221, %get3A_222] {strides = array<i32>} : memref<512x48xf32, #tpu.memory_space<vmem>>, vector<1x16xf32>,
      %get3A_224 = vector.shape_cast %get3A_223 : vector<1x16xf32> to vector<16xf32>
      %get3A_225 = arith.index_cast %add3A_220 : i32 to index
      %get3A_226 = arith.constant 0 : index
      %get3A_227 = tpu.vector_load %arg5[%get3A_225, %get3A_226] {strides = array<i32>} : memref<256x32xf32, #tpu.memory_space<vmem>>, vector<1x16xf32>,
      %get3A_228 = vector.shape_cast %get3A_227 : vector<1x16xf32> to vector<16xf32>
      %add3A_229 = arith.addf %get3A_224, %get3A_228 : vector<16xf32>
      %swap3A_230 = arith.index_cast %squeeze3A_216 : i32 to index
      %swap3A_231 = arith.constant 0 : index
      %swap3A_232 = tpu.vector_load %arg7[%swap3A_230, %swap3A_231] {strides = array<i32>} : memref<512x48xf32, #tpu.memory_space<vmem>>, vector<1x16xf32>,
      %swap3A_233 = vector.shape_cast %swap3A_232 : vector<1x16xf32> to vector<16xf32>
      %swap3A_234 = vector.shape_cast %add3A_229 : vector<16xf32> to vector<1x16xf32>
      tpu.vector_store %arg7[%swap3A_230, %swap3A_231], %swap3A_234 {strides = array<i32>} : memref<512x48xf32, #tpu.memory_space<vmem>>, vector<1x16xf32>,
      %get3A_235 = arith.index_cast %squeeze3A_216 : i32 to index
      %get3A_236 = arith.constant 16 : index
      %get3A_237 = tpu.vector_load %arg7[%get3A_235, %get3A_236] {strides = array<i32>} : memref<512x48xf32, #tpu.memory_space<vmem>>, vector<1x16xf32>,
      %get3A_238 = vector.shape_cast %get3A_237 : vector<1x16xf32> to vector<16xf32>
      %get3A_239 = arith.index_cast %add3A_220 : i32 to index
      %get3A_240 = arith.constant 16 : index
      %get3A_241 = tpu.vector_load %arg5[%get3A_239, %get3A_240] {strides = array<i32>} : memref<256x32xf32, #tpu.memory_space<vmem>>, vector<1x16xf32>,
      %get3A_242 = vector.shape_cast %get3A_241 : vector<1x16xf32> to vector<16xf32>
      %add3A_243 = arith.addf %get3A_238, %get3A_242 : vector<16xf32>
      %swap3A_244 = arith.index_cast %squeeze3A_216 : i32 to index
      %swap3A_245 = arith.constant 16 : index
      %swap3A_246 = tpu.vector_load %arg7[%swap3A_244, %swap3A_245] {strides = array<i32>} : memref<512x48xf32, #tpu.memory_space<vmem>>, vector<1x16xf32>,
      %swap3A_247 = vector.shape_cast %swap3A_246 : vector<1x16xf32> to vector<16xf32>
      %swap3A_248 = vector.shape_cast %add3A_243 : vector<16xf32> to vector<1x16xf32>
      tpu.vector_store %arg7[%swap3A_244, %swap3A_245], %swap3A_248 {strides = array<i32>} : memref<512x48xf32, #tpu.memory_space<vmem>>, vector<1x16xf32>,
      %get3A_249 = arith.index_cast %squeeze3A_216 : i32 to index
      %get3A_250 = arith.constant 32 : index
      %get3A_251 = tpu.vector_load %arg7[%get3A_249, %get3A_250] {strides = array<i32>} : memref<512x48xf32, #tpu.memory_space<vmem>>, vector<1x16xf32>,
      %get3A_252 = vector.shape_cast %get3A_251 : vector<1x16xf32> to vector<16xf32>
      %add3A_253 = arith.addf %get3A_252, %broadcast_in_dim3A_3 : vector<16xf32>
      %swap3A_254 = arith.index_cast %squeeze3A_216 : i32 to index
      %swap3A_255 = arith.constant 32 : index
      %swap3A_256 = tpu.vector_load %arg7[%swap3A_254, %swap3A_255] {strides = array<i32>} : memref<512x48xf32, #tpu.memory_space<vmem>>, vector<1x16xf32>,
      %swap3A_257 = vector.shape_cast %swap3A_256 : vector<1x16xf32> to vector<16xf32>
      %swap3A_258 = vector.shape_cast %add3A_253 : vector<16xf32> to vector<1x16xf32>
      tpu.vector_store %arg7[%swap3A_254, %swap3A_255], %swap3A_258 {strides = array<i32>} : memref<512x48xf32, #tpu.memory_space<vmem>>, vector<1x16xf32>,
      %slice3A_259 = vector.extract_strided_slice %get3A_41 {offsets = [5], sizes = [1], strides = [1]} : vector<16xi32> to vector<1xi32>
      %squeeze3A_260 = vector.extract %slice3A_259[0] : i32 from vector<1xi32>
      %mul3A_261 = arith.constant 16 : i32
      %mul3A_262 = arith.muli %scan3A_32, %mul3A_261 : i32
      %add3A_263 = arith.constant 5 : i32
      %add3A_264 = arith.addi %mul3A_262, %add3A_263 : i32
      %get3A_265 = arith.index_cast %squeeze3A_260 : i32 to index
      %get3A_266 = arith.constant 0 : index
      %get3A_267 = tpu.vector_load %arg7[%get3A_265, %get3A_266] {strides = array<i32>} : memref<512x48xf32, #tpu.memory_space<vmem>>, vector<1x16xf32>,
      %get3A_268 = vector.shape_cast %get3A_267 : vector<1x16xf32> to vector<16xf32>
      %get3A_269 = arith.index_cast %add3A_264 : i32 to index
      %get3A_270 = arith.constant 0 : index
      %get3A_271 = tpu.vector_load %arg5[%get3A_269, %get3A_270] {strides = array<i32>} : memref<256x32xf32, #tpu.memory_space<vmem>>, vector<1x16xf32>,
      %get3A_272 = vector.shape_cast %get3A_271 : vector<1x16xf32> to vector<16xf32>
      %add3A_273 = arith.addf %get3A_268, %get3A_272 : vector<16xf32>
      %swap3A_274 = arith.index_cast %squeeze3A_260 : i32 to index
      %swap3A_275 = arith.constant 0 : index
      %swap3A_276 = tpu.vector_load %arg7[%swap3A_274, %swap3A_275] {strides = array<i32>} : memref<512x48xf32, #tpu.memory_space<vmem>>, vector<1x16xf32>,
      %swap3A_277 = vector.shape_cast %swap3A_276 : vector<1x16xf32> to vector<16xf32>
      %swap3A_278 = vector.shape_cast %add3A_273 : vector<16xf32> to vector<1x16xf32>
      tpu.vector_store %arg7[%swap3A_274, %swap3A_275], %swap3A_278 {strides = array<i32>} : memref<512x48xf32, #tpu.memory_space<vmem>>, vector<1x16xf32>,
      %get3A_279 = arith.index_cast %squeeze3A_260 : i32 to index
      %get3A_280 = arith.constant 16 : index
      %get3A_281 = tpu.vector_load %arg7[%get3A_279, %get3A_280] {strides = array<i32>} : memref<512x48xf32, #tpu.memory_space<vmem>>, vector<1x16xf32>,
      %get3A_282 = vector.shape_cast %get3A_281 : vector<1x16xf32> to vector<16xf32>
      %get3A_283 = arith.index_cast %add3A_264 : i32 to index
      %get3A_284 = arith.constant 16 : index
      %get3A_285 = tpu.vector_load %arg5[%get3A_283, %get3A_284] {strides = array<i32>} : memref<256x32xf32, #tpu.memory_space<vmem>>, vector<1x16xf32>,
      %get3A_286 = vector.shape_cast %get3A_285 : vector<1x16xf32> to vector<16xf32>
      %add3A_287 = arith.addf %get3A_282, %get3A_286 : vector<16xf32>
      %swap3A_288 = arith.index_cast %squeeze3A_260 : i32 to index
      %swap3A_289 = arith.constant 16 : index
      %swap3A_290 = tpu.vector_load %arg7[%swap3A_288, %swap3A_289] {strides = array<i32>} : memref<512x48xf32, #tpu.memory_space<vmem>>, vector<1x16xf32>,
      %swap3A_291 = vector.shape_cast %swap3A_290 : vector<1x16xf32> to vector<16xf32>
      %swap3A_292 = vector.shape_cast %add3A_287 : vector<16xf32> to vector<1x16xf32>
      tpu.vector_store %arg7[%swap3A_288, %swap3A_289], %swap3A_292 {strides = array<i32>} : memref<512x48xf32, #tpu.memory_space<vmem>>, vector<1x16xf32>,
      %get3A_293 = arith.index_cast %squeeze3A_260 : i32 to index
      %get3A_294 = arith.constant 32 : index
      %get3A_295 = tpu.vector_load %arg7[%get3A_293, %get3A_294] {strides = array<i32>} : memref<512x48xf32, #tpu.memory_space<vmem>>, vector<1x16xf32>,
      %get3A_296 = vector.shape_cast %get3A_295 : vector<1x16xf32> to vector<16xf32>
      %add3A_297 = arith.addf %get3A_296, %broadcast_in_dim3A_3 : vector<16xf32>
      %swap3A_298 = arith.index_cast %squeeze3A_260 : i32 to index
      %swap3A_299 = arith.constant 32 : index
      %swap3A_300 = tpu.vector_load %arg7[%swap3A_298, %swap3A_299] {strides = array<i32>} : memref<512x48xf32, #tpu.memory_space<vmem>>, vector<1x16xf32>,
      %swap3A_301 = vector.shape_cast %swap3A_300 : vector<1x16xf32> to vector<16xf32>
      %swap3A_302 = vector.shape_cast %add3A_297 : vector<16xf32> to vector<1x16xf32>
      tpu.vector_store %arg7[%swap3A_298, %swap3A_299], %swap3A_302 {strides = array<i32>} : memref<512x48xf32, #tpu.memory_space<vmem>>, vector<1x16xf32>,
      %slice3A_303 = vector.extract_strided_slice %get3A_41 {offsets = [6], sizes = [1], strides = [1]} : vector<16xi32> to vector<1xi32>
      %squeeze3A_304 = vector.extract %slice3A_303[0] : i32 from vector<1xi32>
      %mul3A_305 = arith.constant 16 : i32
      %mul3A_306 = arith.muli %scan3A_32, %mul3A_305 : i32
      %add3A_307 = arith.constant 6 : i32
      %add3A_308 = arith.addi %mul3A_306, %add3A_307 : i32
      %get3A_309 = arith.index_cast %squeeze3A_304 : i32 to index
      %get3A_310 = arith.constant 0 : index
      %get3A_311 = tpu.vector_load %arg7[%get3A_309, %get3A_310] {strides = array<i32>} : memref<512x48xf32, #tpu.memory_space<vmem>>, vector<1x16xf32>,
      %get3A_312 = vector.shape_cast %get3A_311 : vector<1x16xf32> to vector<16xf32>
      %get3A_313 = arith.index_cast %add3A_308 : i32 to index
      %get3A_314 = arith.constant 0 : index
      %get3A_315 = tpu.vector_load %arg5[%get3A_313, %get3A_314] {strides = array<i32>} : memref<256x32xf32, #tpu.memory_space<vmem>>, vector<1x16xf32>,
      %get3A_316 = vector.shape_cast %get3A_315 : vector<1x16xf32> to vector<16xf32>
      %add3A_317 = arith.addf %get3A_312, %get3A_316 : vector<16xf32>
      %swap3A_318 = arith.index_cast %squeeze3A_304 : i32 to index
      %swap3A_319 = arith.constant 0 : index
      %swap3A_320 = tpu.vector_load %arg7[%swap3A_318, %swap3A_319] {strides = array<i32>} : memref<512x48xf32, #tpu.memory_space<vmem>>, vector<1x16xf32>,
      %swap3A_321 = vector.shape_cast %swap3A_320 : vector<1x16xf32> to vector<16xf32>
      %swap3A_322 = vector.shape_cast %add3A_317 : vector<16xf32> to vector<1x16xf32>
      tpu.vector_store %arg7[%swap3A_318, %swap3A_319], %swap3A_322 {strides = array<i32>} : memref<512x48xf32, #tpu.memory_space<vmem>>, vector<1x16xf32>,
      %get3A_323 = arith.index_cast %squeeze3A_304 : i32 to index
      %get3A_324 = arith.constant 16 : index
      %get3A_325 = tpu.vector_load %arg7[%get3A_323, %get3A_324] {strides = array<i32>} : memref<512x48xf32, #tpu.memory_space<vmem>>, vector<1x16xf32>,
      %get3A_326 = vector.shape_cast %get3A_325 : vector<1x16xf32> to vector<16xf32>
      %get3A_327 = arith.index_cast %add3A_308 : i32 to index
      %get3A_328 = arith.constant 16 : index
      %get3A_329 = tpu.vector_load %arg5[%get3A_327, %get3A_328] {strides = array<i32>} : memref<256x32xf32, #tpu.memory_space<vmem>>, vector<1x16xf32>,
      %get3A_330 = vector.shape_cast %get3A_329 : vector<1x16xf32> to vector<16xf32>
      %add3A_331 = arith.addf %get3A_326, %get3A_330 : vector<16xf32>
      %swap3A_332 = arith.index_cast %squeeze3A_304 : i32 to index
      %swap3A_333 = arith.constant 16 : index
      %swap3A_334 = tpu.vector_load %arg7[%swap3A_332, %swap3A_333] {strides = array<i32>} : memref<512x48xf32, #tpu.memory_space<vmem>>, vector<1x16xf32>,
      %swap3A_335 = vector.shape_cast %swap3A_334 : vector<1x16xf32> to vector<16xf32>
      %swap3A_336 = vector.shape_cast %add3A_331 : vector<16xf32> to vector<1x16xf32>
      tpu.vector_store %arg7[%swap3A_332, %swap3A_333], %swap3A_336 {strides = array<i32>} : memref<512x48xf32, #tpu.memory_space<vmem>>, vector<1x16xf32>,
      %get3A_337 = arith.index_cast %squeeze3A_304 : i32 to index
      %get3A_338 = arith.constant 32 : index
      %get3A_339 = tpu.vector_load %arg7[%get3A_337, %get3A_338] {strides = array<i32>} : memref<512x48xf32, #tpu.memory_space<vmem>>, vector<1x16xf32>,
      %get3A_340 = vector.shape_cast %get3A_339 : vector<1x16xf32> to vector<16xf32>
      %add3A_341 = arith.addf %get3A_340, %broadcast_in_dim3A_3 : vector<16xf32>
      %swap3A_342 = arith.index_cast %squeeze3A_304 : i32 to index
      %swap3A_343 = arith.constant 32 : index
      %swap3A_344 = tpu.vector_load %arg7[%swap3A_342, %swap3A_343] {strides = array<i32>} : memref<512x48xf32, #tpu.memory_space<vmem>>, vector<1x16xf32>,
      %swap3A_345 = vector.shape_cast %swap3A_344 : vector<1x16xf32> to vector<16xf32>
      %swap3A_346 = vector.shape_cast %add3A_341 : vector<16xf32> to vector<1x16xf32>
      tpu.vector_store %arg7[%swap3A_342, %swap3A_343], %swap3A_346 {strides = array<i32>} : memref<512x48xf32, #tpu.memory_space<vmem>>, vector<1x16xf32>,
      %slice3A_347 = vector.extract_strided_slice %get3A_41 {offsets = [7], sizes = [1], strides = [1]} : vector<16xi32> to vector<1xi32>
      %squeeze3A_348 = vector.extract %slice3A_347[0] : i32 from vector<1xi32>
      %mul3A_349 = arith.constant 16 : i32
      %mul3A_350 = arith.muli %scan3A_32, %mul3A_349 : i32
      %add3A_351 = arith.constant 7 : i32
      %add3A_352 = arith.addi %mul3A_350, %add3A_351 : i32
      %get3A_353 = arith.index_cast %squeeze3A_348 : i32 to index
      %get3A_354 = arith.constant 0 : index
      %get3A_355 = tpu.vector_load %arg7[%get3A_353, %get3A_354] {strides = array<i32>} : memref<512x48xf32, #tpu.memory_space<vmem>>, vector<1x16xf32>,
      %get3A_356 = vector.shape_cast %get3A_355 : vector<1x16xf32> to vector<16xf32>
      %get3A_357 = arith.index_cast %add3A_352 : i32 to index
      %get3A_358 = arith.constant 0 : index
      %get3A_359 = tpu.vector_load %arg5[%get3A_357, %get3A_358] {strides = array<i32>} : memref<256x32xf32, #tpu.memory_space<vmem>>, vector<1x16xf32>,
      %get3A_360 = vector.shape_cast %get3A_359 : vector<1x16xf32> to vector<16xf32>
      %add3A_361 = arith.addf %get3A_356, %get3A_360 : vector<16xf32>
      %swap3A_362 = arith.index_cast %squeeze3A_348 : i32 to index
      %swap3A_363 = arith.constant 0 : index
      %swap3A_364 = tpu.vector_load %arg7[%swap3A_362, %swap3A_363] {strides = array<i32>} : memref<512x48xf32, #tpu.memory_space<vmem>>, vector<1x16xf32>,
      %swap3A_365 = vector.shape_cast %swap3A_364 : vector<1x16xf32> to vector<16xf32>
      %swap3A_366 = vector.shape_cast %add3A_361 : vector<16xf32> to vector<1x16xf32>
      tpu.vector_store %arg7[%swap3A_362, %swap3A_363], %swap3A_366 {strides = array<i32>} : memref<512x48xf32, #tpu.memory_space<vmem>>, vector<1x16xf32>,
      %get3A_367 = arith.index_cast %squeeze3A_348 : i32 to index
      %get3A_368 = arith.constant 16 : index
      %get3A_369 = tpu.vector_load %arg7[%get3A_367, %get3A_368] {strides = array<i32>} : memref<512x48xf32, #tpu.memory_space<vmem>>, vector<1x16xf32>,
      %get3A_370 = vector.shape_cast %get3A_369 : vector<1x16xf32> to vector<16xf32>
      %get3A_371 = arith.index_cast %add3A_352 : i32 to index
      %get3A_372 = arith.constant 16 : index
      %get3A_373 = tpu.vector_load %arg5[%get3A_371, %get3A_372] {strides = array<i32>} : memref<256x32xf32, #tpu.memory_space<vmem>>, vector<1x16xf32>,
      %get3A_374 = vector.shape_cast %get3A_373 : vector<1x16xf32> to vector<16xf32>
      %add3A_375 = arith.addf %get3A_370, %get3A_374 : vector<16xf32>
      %swap3A_376 = arith.index_cast %squeeze3A_348 : i32 to index
      %swap3A_377 = arith.constant 16 : index
      %swap3A_378 = tpu.vector_load %arg7[%swap3A_376, %swap3A_377] {strides = array<i32>} : memref<512x48xf32, #tpu.memory_space<vmem>>, vector<1x16xf32>,
      %swap3A_379 = vector.shape_cast %swap3A_378 : vector<1x16xf32> to vector<16xf32>
      %swap3A_380 = vector.shape_cast %add3A_375 : vector<16xf32> to vector<1x16xf32>
      tpu.vector_store %arg7[%swap3A_376, %swap3A_377], %swap3A_380 {strides = array<i32>} : memref<512x48xf32, #tpu.memory_space<vmem>>, vector<1x16xf32>,
      %get3A_381 = arith.index_cast %squeeze3A_348 : i32 to index
      %get3A_382 = arith.constant 32 : index
      %get3A_383 = tpu.vector_load %arg7[%get3A_381, %get3A_382] {strides = array<i32>} : memref<512x48xf32, #tpu.memory_space<vmem>>, vector<1x16xf32>,
      %get3A_384 = vector.shape_cast %get3A_383 : vector<1x16xf32> to vector<16xf32>
      %add3A_385 = arith.addf %get3A_384, %broadcast_in_dim3A_3 : vector<16xf32>
      %swap3A_386 = arith.index_cast %squeeze3A_348 : i32 to index
      %swap3A_387 = arith.constant 32 : index
      %swap3A_388 = tpu.vector_load %arg7[%swap3A_386, %swap3A_387] {strides = array<i32>} : memref<512x48xf32, #tpu.memory_space<vmem>>, vector<1x16xf32>,
      %swap3A_389 = vector.shape_cast %swap3A_388 : vector<1x16xf32> to vector<16xf32>
      %swap3A_390 = vector.shape_cast %add3A_385 : vector<16xf32> to vector<1x16xf32>
      tpu.vector_store %arg7[%swap3A_386, %swap3A_387], %swap3A_390 {strides = array<i32>} : memref<512x48xf32, #tpu.memory_space<vmem>>, vector<1x16xf32>,
      %slice3A_391 = vector.extract_strided_slice %get3A_41 {offsets = [8], sizes = [1], strides = [1]} : vector<16xi32> to vector<1xi32>
      %squeeze3A_392 = vector.extract %slice3A_391[0] : i32 from vector<1xi32>
      %mul3A_393 = arith.constant 16 : i32
      %mul3A_394 = arith.muli %scan3A_32, %mul3A_393 : i32
      %add3A_395 = arith.constant 8 : i32
      %add3A_396 = arith.addi %mul3A_394, %add3A_395 : i32
      %get3A_397 = arith.index_cast %squeeze3A_392 : i32 to index
      %get3A_398 = arith.constant 0 : index
      %get3A_399 = tpu.vector_load %arg7[%get3A_397, %get3A_398] {strides = array<i32>} : memref<512x48xf32, #tpu.memory_space<vmem>>, vector<1x16xf32>,
      %get3A_400 = vector.shape_cast %get3A_399 : vector<1x16xf32> to vector<16xf32>
      %get3A_401 = arith.index_cast %add3A_396 : i32 to index
      %get3A_402 = arith.constant 0 : index
      %get3A_403 = tpu.vector_load %arg5[%get3A_401, %get3A_402] {strides = array<i32>} : memref<256x32xf32, #tpu.memory_space<vmem>>, vector<1x16xf32>,
      %get3A_404 = vector.shape_cast %get3A_403 : vector<1x16xf32> to vector<16xf32>
      %add3A_405 = arith.addf %get3A_400, %get3A_404 : vector<16xf32>
      %swap3A_406 = arith.index_cast %squeeze3A_392 : i32 to index
      %swap3A_407 = arith.constant 0 : index
      %swap3A_408 = tpu.vector_load %arg7[%swap3A_406, %swap3A_407] {strides = array<i32>} : memref<512x48xf32, #tpu.memory_space<vmem>>, vector<1x16xf32>,
      %swap3A_409 = vector.shape_cast %swap3A_408 : vector<1x16xf32> to vector<16xf32>
      %swap3A_410 = vector.shape_cast %add3A_405 : vector<16xf32> to vector<1x16xf32>
      tpu.vector_store %arg7[%swap3A_406, %swap3A_407], %swap3A_410 {strides = array<i32>} : memref<512x48xf32, #tpu.memory_space<vmem>>, vector<1x16xf32>,
      %get3A_411 = arith.index_cast %squeeze3A_392 : i32 to index
      %get3A_412 = arith.constant 16 : index
      %get3A_413 = tpu.vector_load %arg7[%get3A_411, %get3A_412] {strides = array<i32>} : memref<512x48xf32, #tpu.memory_space<vmem>>, vector<1x16xf32>,
      %get3A_414 = vector.shape_cast %get3A_413 : vector<1x16xf32> to vector<16xf32>
      %get3A_415 = arith.index_cast %add3A_396 : i32 to index
      %get3A_416 = arith.constant 16 : index
      %get3A_417 = tpu.vector_load %arg5[%get3A_415, %get3A_416] {strides = array<i32>} : memref<256x32xf32, #tpu.memory_space<vmem>>, vector<1x16xf32>,
      %get3A_418 = vector.shape_cast %get3A_417 : vector<1x16xf32> to vector<16xf32>
      %add3A_419 = arith.addf %get3A_414, %get3A_418 : vector<16xf32>
      %swap3A_420 = arith.index_cast %squeeze3A_392 : i32 to index
      %swap3A_421 = arith.constant 16 : index
      %swap3A_422 = tpu.vector_load %arg7[%swap3A_420, %swap3A_421] {strides = array<i32>} : memref<512x48xf32, #tpu.memory_space<vmem>>, vector<1x16xf32>,
      %swap3A_423 = vector.shape_cast %swap3A_422 : vector<1x16xf32> to vector<16xf32>
      %swap3A_424 = vector.shape_cast %add3A_419 : vector<16xf32> to vector<1x16xf32>
      tpu.vector_store %arg7[%swap3A_420, %swap3A_421], %swap3A_424 {strides = array<i32>} : memref<512x48xf32, #tpu.memory_space<vmem>>, vector<1x16xf32>,
      %get3A_425 = arith.index_cast %squeeze3A_392 : i32 to index
      %get3A_426 = arith.constant 32 : index
      %get3A_427 = tpu.vector_load %arg7[%get3A_425, %get3A_426] {strides = array<i32>} : memref<512x48xf32, #tpu.memory_space<vmem>>, vector<1x16xf32>,
      %get3A_428 = vector.shape_cast %get3A_427 : vector<1x16xf32> to vector<16xf32>
      %add3A_429 = arith.addf %get3A_428, %broadcast_in_dim3A_3 : vector<16xf32>
      %swap3A_430 = arith.index_cast %squeeze3A_392 : i32 to index
      %swap3A_431 = arith.constant 32 : index
      %swap3A_432 = tpu.vector_load %arg7[%swap3A_430, %swap3A_431] {strides = array<i32>} : memref<512x48xf32, #tpu.memory_space<vmem>>, vector<1x16xf32>,
      %swap3A_433 = vector.shape_cast %swap3A_432 : vector<1x16xf32> to vector<16xf32>
      %swap3A_434 = vector.shape_cast %add3A_429 : vector<16xf32> to vector<1x16xf32>
      tpu.vector_store %arg7[%swap3A_430, %swap3A_431], %swap3A_434 {strides = array<i32>} : memref<512x48xf32, #tpu.memory_space<vmem>>, vector<1x16xf32>,
      %slice3A_435 = vector.extract_strided_slice %get3A_41 {offsets = [9], sizes = [1], strides = [1]} : vector<16xi32> to vector<1xi32>
      %squeeze3A_436 = vector.extract %slice3A_435[0] : i32 from vector<1xi32>
      %mul3A_437 = arith.constant 16 : i32
      %mul3A_438 = arith.muli %scan3A_32, %mul3A_437 : i32
      %add3A_439 = arith.constant 9 : i32
      %add3A_440 = arith.addi %mul3A_438, %add3A_439 : i32
      %get3A_441 = arith.index_cast %squeeze3A_436 : i32 to index
      %get3A_442 = arith.constant 0 : index
      %get3A_443 = tpu.vector_load %arg7[%get3A_441, %get3A_442] {strides = array<i32>} : memref<512x48xf32, #tpu.memory_space<vmem>>, vector<1x16xf32>,
      %get3A_444 = vector.shape_cast %get3A_443 : vector<1x16xf32> to vector<16xf32>
      %get3A_445 = arith.index_cast %add3A_440 : i32 to index
      %get3A_446 = arith.constant 0 : index
      %get3A_447 = tpu.vector_load %arg5[%get3A_445, %get3A_446] {strides = array<i32>} : memref<256x32xf32, #tpu.memory_space<vmem>>, vector<1x16xf32>,
      %get3A_448 = vector.shape_cast %get3A_447 : vector<1x16xf32> to vector<16xf32>
      %add3A_449 = arith.addf %get3A_444, %get3A_448 : vector<16xf32>
      %swap3A_450 = arith.index_cast %squeeze3A_436 : i32 to index
      %swap3A_451 = arith.constant 0 : index
      %swap3A_452 = tpu.vector_load %arg7[%swap3A_450, %swap3A_451] {strides = array<i32>} : memref<512x48xf32, #tpu.memory_space<vmem>>, vector<1x16xf32>,
      %swap3A_453 = vector.shape_cast %swap3A_452 : vector<1x16xf32> to vector<16xf32>
      %swap3A_454 = vector.shape_cast %add3A_449 : vector<16xf32> to vector<1x16xf32>
      tpu.vector_store %arg7[%swap3A_450, %swap3A_451], %swap3A_454 {strides = array<i32>} : memref<512x48xf32, #tpu.memory_space<vmem>>, vector<1x16xf32>,
      %get3A_455 = arith.index_cast %squeeze3A_436 : i32 to index
      %get3A_456 = arith.constant 16 : index
      %get3A_457 = tpu.vector_load %arg7[%get3A_455, %get3A_456] {strides = array<i32>} : memref<512x48xf32, #tpu.memory_space<vmem>>, vector<1x16xf32>,
      %get3A_458 = vector.shape_cast %get3A_457 : vector<1x16xf32> to vector<16xf32>
      %get3A_459 = arith.index_cast %add3A_440 : i32 to index
      %get3A_460 = arith.constant 16 : index
      %get3A_461 = tpu.vector_load %arg5[%get3A_459, %get3A_460] {strides = array<i32>} : memref<256x32xf32, #tpu.memory_space<vmem>>, vector<1x16xf32>,
      %get3A_462 = vector.shape_cast %get3A_461 : vector<1x16xf32> to vector<16xf32>
      %add3A_463 = arith.addf %get3A_458, %get3A_462 : vector<16xf32>
      %swap3A_464 = arith.index_cast %squeeze3A_436 : i32 to index
      %swap3A_465 = arith.constant 16 : index
      %swap3A_466 = tpu.vector_load %arg7[%swap3A_464, %swap3A_465] {strides = array<i32>} : memref<512x48xf32, #tpu.memory_space<vmem>>, vector<1x16xf32>,
      %swap3A_467 = vector.shape_cast %swap3A_466 : vector<1x16xf32> to vector<16xf32>
      %swap3A_468 = vector.shape_cast %add3A_463 : vector<16xf32> to vector<1x16xf32>
      tpu.vector_store %arg7[%swap3A_464, %swap3A_465], %swap3A_468 {strides = array<i32>} : memref<512x48xf32, #tpu.memory_space<vmem>>, vector<1x16xf32>,
      %get3A_469 = arith.index_cast %squeeze3A_436 : i32 to index
      %get3A_470 = arith.constant 32 : index
      %get3A_471 = tpu.vector_load %arg7[%get3A_469, %get3A_470] {strides = array<i32>} : memref<512x48xf32, #tpu.memory_space<vmem>>, vector<1x16xf32>,
      %get3A_472 = vector.shape_cast %get3A_471 : vector<1x16xf32> to vector<16xf32>
      %add3A_473 = arith.addf %get3A_472, %broadcast_in_dim3A_3 : vector<16xf32>
      %swap3A_474 = arith.index_cast %squeeze3A_436 : i32 to index
      %swap3A_475 = arith.constant 32 : index
      %swap3A_476 = tpu.vector_load %arg7[%swap3A_474, %swap3A_475] {strides = array<i32>} : memref<512x48xf32, #tpu.memory_space<vmem>>, vector<1x16xf32>,
      %swap3A_477 = vector.shape_cast %swap3A_476 : vector<1x16xf32> to vector<16xf32>
      %swap3A_478 = vector.shape_cast %add3A_473 : vector<16xf32> to vector<1x16xf32>
      tpu.vector_store %arg7[%swap3A_474, %swap3A_475], %swap3A_478 {strides = array<i32>} : memref<512x48xf32, #tpu.memory_space<vmem>>, vector<1x16xf32>,
      %slice3A_479 = vector.extract_strided_slice %get3A_41 {offsets = [10], sizes = [1], strides = [1]} : vector<16xi32> to vector<1xi32>
      %squeeze3A_480 = vector.extract %slice3A_479[0] : i32 from vector<1xi32>
      %mul3A_481 = arith.constant 16 : i32
      %mul3A_482 = arith.muli %scan3A_32, %mul3A_481 : i32
      %add3A_483 = arith.constant 10 : i32
      %add3A_484 = arith.addi %mul3A_482, %add3A_483 : i32
      %get3A_485 = arith.index_cast %squeeze3A_480 : i32 to index
      %get3A_486 = arith.constant 0 : index
      %get3A_487 = tpu.vector_load %arg7[%get3A_485, %get3A_486] {strides = array<i32>} : memref<512x48xf32, #tpu.memory_space<vmem>>, vector<1x16xf32>,
      %get3A_488 = vector.shape_cast %get3A_487 : vector<1x16xf32> to vector<16xf32>
      %get3A_489 = arith.index_cast %add3A_484 : i32 to index
      %get3A_490 = arith.constant 0 : index
      %get3A_491 = tpu.vector_load %arg5[%get3A_489, %get3A_490] {strides = array<i32>} : memref<256x32xf32, #tpu.memory_space<vmem>>, vector<1x16xf32>,
      %get3A_492 = vector.shape_cast %get3A_491 : vector<1x16xf32> to vector<16xf32>
      %add3A_493 = arith.addf %get3A_488, %get3A_492 : vector<16xf32>
      %swap3A_494 = arith.index_cast %squeeze3A_480 : i32 to index
      %swap3A_495 = arith.constant 0 : index
      %swap3A_496 = tpu.vector_load %arg7[%swap3A_494, %swap3A_495] {strides = array<i32>} : memref<512x48xf32, #tpu.memory_space<vmem>>, vector<1x16xf32>,
      %swap3A_497 = vector.shape_cast %swap3A_496 : vector<1x16xf32> to vector<16xf32>
      %swap3A_498 = vector.shape_cast %add3A_493 : vector<16xf32> to vector<1x16xf32>
      tpu.vector_store %arg7[%swap3A_494, %swap3A_495], %swap3A_498 {strides = array<i32>} : memref<512x48xf32, #tpu.memory_space<vmem>>, vector<1x16xf32>,
      %get3A_499 = arith.index_cast %squeeze3A_480 : i32 to index
      %get3A_500 = arith.constant 16 : index
      %get3A_501 = tpu.vector_load %arg7[%get3A_499, %get3A_500] {strides = array<i32>} : memref<512x48xf32, #tpu.memory_space<vmem>>, vector<1x16xf32>,
      %get3A_502 = vector.shape_cast %get3A_501 : vector<1x16xf32> to vector<16xf32>
      %get3A_503 = arith.index_cast %add3A_484 : i32 to index
      %get3A_504 = arith.constant 16 : index
      %get3A_505 = tpu.vector_load %arg5[%get3A_503, %get3A_504] {strides = array<i32>} : memref<256x32xf32, #tpu.memory_space<vmem>>, vector<1x16xf32>,
      %get3A_506 = vector.shape_cast %get3A_505 : vector<1x16xf32> to vector<16xf32>
      %add3A_507 = arith.addf %get3A_502, %get3A_506 : vector<16xf32>
      %swap3A_508 = arith.index_cast %squeeze3A_480 : i32 to index
      %swap3A_509 = arith.constant 16 : index
      %swap3A_510 = tpu.vector_load %arg7[%swap3A_508, %swap3A_509] {strides = array<i32>} : memref<512x48xf32, #tpu.memory_space<vmem>>, vector<1x16xf32>,
      %swap3A_511 = vector.shape_cast %swap3A_510 : vector<1x16xf32> to vector<16xf32>
      %swap3A_512 = vector.shape_cast %add3A_507 : vector<16xf32> to vector<1x16xf32>
      tpu.vector_store %arg7[%swap3A_508, %swap3A_509], %swap3A_512 {strides = array<i32>} : memref<512x48xf32, #tpu.memory_space<vmem>>, vector<1x16xf32>,
      %get3A_513 = arith.index_cast %squeeze3A_480 : i32 to index
      %get3A_514 = arith.constant 32 : index
      %get3A_515 = tpu.vector_load %arg7[%get3A_513, %get3A_514] {strides = array<i32>} : memref<512x48xf32, #tpu.memory_space<vmem>>, vector<1x16xf32>,
      %get3A_516 = vector.shape_cast %get3A_515 : vector<1x16xf32> to vector<16xf32>
      %add3A_517 = arith.addf %get3A_516, %broadcast_in_dim3A_3 : vector<16xf32>
      %swap3A_518 = arith.index_cast %squeeze3A_480 : i32 to index
      %swap3A_519 = arith.constant 32 : index
      %swap3A_520 = tpu.vector_load %arg7[%swap3A_518, %swap3A_519] {strides = array<i32>} : memref<512x48xf32, #tpu.memory_space<vmem>>, vector<1x16xf32>,
      %swap3A_521 = vector.shape_cast %swap3A_520 : vector<1x16xf32> to vector<16xf32>
      %swap3A_522 = vector.shape_cast %add3A_517 : vector<16xf32> to vector<1x16xf32>
      tpu.vector_store %arg7[%swap3A_518, %swap3A_519], %swap3A_522 {strides = array<i32>} : memref<512x48xf32, #tpu.memory_space<vmem>>, vector<1x16xf32>,
      %slice3A_523 = vector.extract_strided_slice %get3A_41 {offsets = [11], sizes = [1], strides = [1]} : vector<16xi32> to vector<1xi32>
      %squeeze3A_524 = vector.extract %slice3A_523[0] : i32 from vector<1xi32>
      %mul3A_525 = arith.constant 16 : i32
      %mul3A_526 = arith.muli %scan3A_32, %mul3A_525 : i32
      %add3A_527 = arith.constant 11 : i32
      %add3A_528 = arith.addi %mul3A_526, %add3A_527 : i32
      %get3A_529 = arith.index_cast %squeeze3A_524 : i32 to index
      %get3A_530 = arith.constant 0 : index
      %get3A_531 = tpu.vector_load %arg7[%get3A_529, %get3A_530] {strides = array<i32>} : memref<512x48xf32, #tpu.memory_space<vmem>>, vector<1x16xf32>,
      %get3A_532 = vector.shape_cast %get3A_531 : vector<1x16xf32> to vector<16xf32>
      %get3A_533 = arith.index_cast %add3A_528 : i32 to index
      %get3A_534 = arith.constant 0 : index
      %get3A_535 = tpu.vector_load %arg5[%get3A_533, %get3A_534] {strides = array<i32>} : memref<256x32xf32, #tpu.memory_space<vmem>>, vector<1x16xf32>,
      %get3A_536 = vector.shape_cast %get3A_535 : vector<1x16xf32> to vector<16xf32>
      %add3A_537 = arith.addf %get3A_532, %get3A_536 : vector<16xf32>
      %swap3A_538 = arith.index_cast %squeeze3A_524 : i32 to index
      %swap3A_539 = arith.constant 0 : index
      %swap3A_540 = tpu.vector_load %arg7[%swap3A_538, %swap3A_539] {strides = array<i32>} : memref<512x48xf32, #tpu.memory_space<vmem>>, vector<1x16xf32>,
      %swap3A_541 = vector.shape_cast %swap3A_540 : vector<1x16xf32> to vector<16xf32>
      %swap3A_542 = vector.shape_cast %add3A_537 : vector<16xf32> to vector<1x16xf32>
      tpu.vector_store %arg7[%swap3A_538, %swap3A_539], %swap3A_542 {strides = array<i32>} : memref<512x48xf32, #tpu.memory_space<vmem>>, vector<1x16xf32>,
      %get3A_543 = arith.index_cast %squeeze3A_524 : i32 to index
      %get3A_544 = arith.constant 16 : index
      %get3A_545 = tpu.vector_load %arg7[%get3A_543, %get3A_544] {strides = array<i32>} : memref<512x48xf32, #tpu.memory_space<vmem>>, vector<1x16xf32>,
      %get3A_546 = vector.shape_cast %get3A_545 : vector<1x16xf32> to vector<16xf32>
      %get3A_547 = arith.index_cast %add3A_528 : i32 to index
      %get3A_548 = arith.constant 16 : index
      %get3A_549 = tpu.vector_load %arg5[%get3A_547, %get3A_548] {strides = array<i32>} : memref<256x32xf32, #tpu.memory_space<vmem>>, vector<1x16xf32>,
      %get3A_550 = vector.shape_cast %get3A_549 : vector<1x16xf32> to vector<16xf32>
      %add3A_551 = arith.addf %get3A_546, %get3A_550 : vector<16xf32>
      %swap3A_552 = arith.index_cast %squeeze3A_524 : i32 to index
      %swap3A_553 = arith.constant 16 : index
      %swap3A_554 = tpu.vector_load %arg7[%swap3A_552, %swap3A_553] {strides = array<i32>} : memref<512x48xf32, #tpu.memory_space<vmem>>, vector<1x16xf32>,
      %swap3A_555 = vector.shape_cast %swap3A_554 : vector<1x16xf32> to vector<16xf32>
      %swap3A_556 = vector.shape_cast %add3A_551 : vector<16xf32> to vector<1x16xf32>
      tpu.vector_store %arg7[%swap3A_552, %swap3A_553], %swap3A_556 {strides = array<i32>} : memref<512x48xf32, #tpu.memory_space<vmem>>, vector<1x16xf32>,
      %get3A_557 = arith.index_cast %squeeze3A_524 : i32 to index
      %get3A_558 = arith.constant 32 : index
      %get3A_559 = tpu.vector_load %arg7[%get3A_557, %get3A_558] {strides = array<i32>} : memref<512x48xf32, #tpu.memory_space<vmem>>, vector<1x16xf32>,
      %get3A_560 = vector.shape_cast %get3A_559 : vector<1x16xf32> to vector<16xf32>
      %add3A_561 = arith.addf %get3A_560, %broadcast_in_dim3A_3 : vector<16xf32>
      %swap3A_562 = arith.index_cast %squeeze3A_524 : i32 to index
      %swap3A_563 = arith.constant 32 : index
      %swap3A_564 = tpu.vector_load %arg7[%swap3A_562, %swap3A_563] {strides = array<i32>} : memref<512x48xf32, #tpu.memory_space<vmem>>, vector<1x16xf32>,
      %swap3A_565 = vector.shape_cast %swap3A_564 : vector<1x16xf32> to vector<16xf32>
      %swap3A_566 = vector.shape_cast %add3A_561 : vector<16xf32> to vector<1x16xf32>
      tpu.vector_store %arg7[%swap3A_562, %swap3A_563], %swap3A_566 {strides = array<i32>} : memref<512x48xf32, #tpu.memory_space<vmem>>, vector<1x16xf32>,
      %slice3A_567 = vector.extract_strided_slice %get3A_41 {offsets = [12], sizes = [1], strides = [1]} : vector<16xi32> to vector<1xi32>
      %squeeze3A_568 = vector.extract %slice3A_567[0] : i32 from vector<1xi32>
      %mul3A_569 = arith.constant 16 : i32
      %mul3A_570 = arith.muli %scan3A_32, %mul3A_569 : i32
      %add3A_571 = arith.constant 12 : i32
      %add3A_572 = arith.addi %mul3A_570, %add3A_571 : i32
      %get3A_573 = arith.index_cast %squeeze3A_568 : i32 to index
      %get3A_574 = arith.constant 0 : index
      %get3A_575 = tpu.vector_load %arg7[%get3A_573, %get3A_574] {strides = array<i32>} : memref<512x48xf32, #tpu.memory_space<vmem>>, vector<1x16xf32>,
      %get3A_576 = vector.shape_cast %get3A_575 : vector<1x16xf32> to vector<16xf32>
      %get3A_577 = arith.index_cast %add3A_572 : i32 to index
      %get3A_578 = arith.constant 0 : index
      %get3A_579 = tpu.vector_load %arg5[%get3A_577, %get3A_578] {strides = array<i32>} : memref<256x32xf32, #tpu.memory_space<vmem>>, vector<1x16xf32>,
      %get3A_580 = vector.shape_cast %get3A_579 : vector<1x16xf32> to vector<16xf32>
      %add3A_581 = arith.addf %get3A_576, %get3A_580 : vector<16xf32>
      %swap3A_582 = arith.index_cast %squeeze3A_568 : i32 to index
      %swap3A_583 = arith.constant 0 : index
      %swap3A_584 = tpu.vector_load %arg7[%swap3A_582, %swap3A_583] {strides = array<i32>} : memref<512x48xf32, #tpu.memory_space<vmem>>, vector<1x16xf32>,
      %swap3A_585 = vector.shape_cast %swap3A_584 : vector<1x16xf32> to vector<16xf32>
      %swap3A_586 = vector.shape_cast %add3A_581 : vector<16xf32> to vector<1x16xf32>
      tpu.vector_store %arg7[%swap3A_582, %swap3A_583], %swap3A_586 {strides = array<i32>} : memref<512x48xf32, #tpu.memory_space<vmem>>, vector<1x16xf32>,
      %get3A_587 = arith.index_cast %squeeze3A_568 : i32 to index
      %get3A_588 = arith.constant 16 : index
      %get3A_589 = tpu.vector_load %arg7[%get3A_587, %get3A_588] {strides = array<i32>} : memref<512x48xf32, #tpu.memory_space<vmem>>, vector<1x16xf32>,
      %get3A_590 = vector.shape_cast %get3A_589 : vector<1x16xf32> to vector<16xf32>
      %get3A_591 = arith.index_cast %add3A_572 : i32 to index
      %get3A_592 = arith.constant 16 : index
      %get3A_593 = tpu.vector_load %arg5[%get3A_591, %get3A_592] {strides = array<i32>} : memref<256x32xf32, #tpu.memory_space<vmem>>, vector<1x16xf32>,
      %get3A_594 = vector.shape_cast %get3A_593 : vector<1x16xf32> to vector<16xf32>
      %add3A_595 = arith.addf %get3A_590, %get3A_594 : vector<16xf32>
      %swap3A_596 = arith.index_cast %squeeze3A_568 : i32 to index
      %swap3A_597 = arith.constant 16 : index
      %swap3A_598 = tpu.vector_load %arg7[%swap3A_596, %swap3A_597] {strides = array<i32>} : memref<512x48xf32, #tpu.memory_space<vmem>>, vector<1x16xf32>,
      %swap3A_599 = vector.shape_cast %swap3A_598 : vector<1x16xf32> to vector<16xf32>
      %swap3A_600 = vector.shape_cast %add3A_595 : vector<16xf32> to vector<1x16xf32>
      tpu.vector_store %arg7[%swap3A_596, %swap3A_597], %swap3A_600 {strides = array<i32>} : memref<512x48xf32, #tpu.memory_space<vmem>>, vector<1x16xf32>,
      %get3A_601 = arith.index_cast %squeeze3A_568 : i32 to index
      %get3A_602 = arith.constant 32 : index
      %get3A_603 = tpu.vector_load %arg7[%get3A_601, %get3A_602] {strides = array<i32>} : memref<512x48xf32, #tpu.memory_space<vmem>>, vector<1x16xf32>,
      %get3A_604 = vector.shape_cast %get3A_603 : vector<1x16xf32> to vector<16xf32>
      %add3A_605 = arith.addf %get3A_604, %broadcast_in_dim3A_3 : vector<16xf32>
      %swap3A_606 = arith.index_cast %squeeze3A_568 : i32 to index
      %swap3A_607 = arith.constant 32 : index
      %swap3A_608 = tpu.vector_load %arg7[%swap3A_606, %swap3A_607] {strides = array<i32>} : memref<512x48xf32, #tpu.memory_space<vmem>>, vector<1x16xf32>,
      %swap3A_609 = vector.shape_cast %swap3A_608 : vector<1x16xf32> to vector<16xf32>
      %swap3A_610 = vector.shape_cast %add3A_605 : vector<16xf32> to vector<1x16xf32>
      tpu.vector_store %arg7[%swap3A_606, %swap3A_607], %swap3A_610 {strides = array<i32>} : memref<512x48xf32, #tpu.memory_space<vmem>>, vector<1x16xf32>,
      %slice3A_611 = vector.extract_strided_slice %get3A_41 {offsets = [13], sizes = [1], strides = [1]} : vector<16xi32> to vector<1xi32>
      %squeeze3A_612 = vector.extract %slice3A_611[0] : i32 from vector<1xi32>
      %mul3A_613 = arith.constant 16 : i32
      %mul3A_614 = arith.muli %scan3A_32, %mul3A_613 : i32
      %add3A_615 = arith.constant 13 : i32
      %add3A_616 = arith.addi %mul3A_614, %add3A_615 : i32
      %get3A_617 = arith.index_cast %squeeze3A_612 : i32 to index
      %get3A_618 = arith.constant 0 : index
      %get3A_619 = tpu.vector_load %arg7[%get3A_617, %get3A_618] {strides = array<i32>} : memref<512x48xf32, #tpu.memory_space<vmem>>, vector<1x16xf32>,
      %get3A_620 = vector.shape_cast %get3A_619 : vector<1x16xf32> to vector<16xf32>
      %get3A_621 = arith.index_cast %add3A_616 : i32 to index
      %get3A_622 = arith.constant 0 : index
      %get3A_623 = tpu.vector_load %arg5[%get3A_621, %get3A_622] {strides = array<i32>} : memref<256x32xf32, #tpu.memory_space<vmem>>, vector<1x16xf32>,
      %get3A_624 = vector.shape_cast %get3A_623 : vector<1x16xf32> to vector<16xf32>
      %add3A_625 = arith.addf %get3A_620, %get3A_624 : vector<16xf32>
      %swap3A_626 = arith.index_cast %squeeze3A_612 : i32 to index
      %swap3A_627 = arith.constant 0 : index
      %swap3A_628 = tpu.vector_load %arg7[%swap3A_626, %swap3A_627] {strides = array<i32>} : memref<512x48xf32, #tpu.memory_space<vmem>>, vector<1x16xf32>,
      %swap3A_629 = vector.shape_cast %swap3A_628 : vector<1x16xf32> to vector<16xf32>
      %swap3A_630 = vector.shape_cast %add3A_625 : vector<16xf32> to vector<1x16xf32>
      tpu.vector_store %arg7[%swap3A_626, %swap3A_627], %swap3A_630 {strides = array<i32>} : memref<512x48xf32, #tpu.memory_space<vmem>>, vector<1x16xf32>,
      %get3A_631 = arith.index_cast %squeeze3A_612 : i32 to index
      %get3A_632 = arith.constant 16 : index
      %get3A_633 = tpu.vector_load %arg7[%get3A_631, %get3A_632] {strides = array<i32>} : memref<512x48xf32, #tpu.memory_space<vmem>>, vector<1x16xf32>,
      %get3A_634 = vector.shape_cast %get3A_633 : vector<1x16xf32> to vector<16xf32>
      %get3A_635 = arith.index_cast %add3A_616 : i32 to index
      %get3A_636 = arith.constant 16 : index
      %get3A_637 = tpu.vector_load %arg5[%get3A_635, %get3A_636] {strides = array<i32>} : memref<256x32xf32, #tpu.memory_space<vmem>>, vector<1x16xf32>,
      %get3A_638 = vector.shape_cast %get3A_637 : vector<1x16xf32> to vector<16xf32>
      %add3A_639 = arith.addf %get3A_634, %get3A_638 : vector<16xf32>
      %swap3A_640 = arith.index_cast %squeeze3A_612 : i32 to index
      %swap3A_641 = arith.constant 16 : index
      %swap3A_642 = tpu.vector_load %arg7[%swap3A_640, %swap3A_641] {strides = array<i32>} : memref<512x48xf32, #tpu.memory_space<vmem>>, vector<1x16xf32>,
      %swap3A_643 = vector.shape_cast %swap3A_642 : vector<1x16xf32> to vector<16xf32>
      %swap3A_644 = vector.shape_cast %add3A_639 : vector<16xf32> to vector<1x16xf32>
      tpu.vector_store %arg7[%swap3A_640, %swap3A_641], %swap3A_644 {strides = array<i32>} : memref<512x48xf32, #tpu.memory_space<vmem>>, vector<1x16xf32>,
      %get3A_645 = arith.index_cast %squeeze3A_612 : i32 to index
      %get3A_646 = arith.constant 32 : index
      %get3A_647 = tpu.vector_load %arg7[%get3A_645, %get3A_646] {strides = array<i32>} : memref<512x48xf32, #tpu.memory_space<vmem>>, vector<1x16xf32>,
      %get3A_648 = vector.shape_cast %get3A_647 : vector<1x16xf32> to vector<16xf32>
      %add3A_649 = arith.addf %get3A_648, %broadcast_in_dim3A_3 : vector<16xf32>
      %swap3A_650 = arith.index_cast %squeeze3A_612 : i32 to index
      %swap3A_651 = arith.constant 32 : index
      %swap3A_652 = tpu.vector_load %arg7[%swap3A_650, %swap3A_651] {strides = array<i32>} : memref<512x48xf32, #tpu.memory_space<vmem>>, vector<1x16xf32>,
      %swap3A_653 = vector.shape_cast %swap3A_652 : vector<1x16xf32> to vector<16xf32>
      %swap3A_654 = vector.shape_cast %add3A_649 : vector<16xf32> to vector<1x16xf32>
      tpu.vector_store %arg7[%swap3A_650, %swap3A_651], %swap3A_654 {strides = array<i32>} : memref<512x48xf32, #tpu.memory_space<vmem>>, vector<1x16xf32>,
      %slice3A_655 = vector.extract_strided_slice %get3A_41 {offsets = [14], sizes = [1], strides = [1]} : vector<16xi32> to vector<1xi32>
      %squeeze3A_656 = vector.extract %slice3A_655[0] : i32 from vector<1xi32>
      %mul3A_657 = arith.constant 16 : i32
      %mul3A_658 = arith.muli %scan3A_32, %mul3A_657 : i32
      %add3A_659 = arith.constant 14 : i32
      %add3A_660 = arith.addi %mul3A_658, %add3A_659 : i32
      %get3A_661 = arith.index_cast %squeeze3A_656 : i32 to index
      %get3A_662 = arith.constant 0 : index
      %get3A_663 = tpu.vector_load %arg7[%get3A_661, %get3A_662] {strides = array<i32>} : memref<512x48xf32, #tpu.memory_space<vmem>>, vector<1x16xf32>,
      %get3A_664 = vector.shape_cast %get3A_663 : vector<1x16xf32> to vector<16xf32>
      %get3A_665 = arith.index_cast %add3A_660 : i32 to index
      %get3A_666 = arith.constant 0 : index
      %get3A_667 = tpu.vector_load %arg5[%get3A_665, %get3A_666] {strides = array<i32>} : memref<256x32xf32, #tpu.memory_space<vmem>>, vector<1x16xf32>,
      %get3A_668 = vector.shape_cast %get3A_667 : vector<1x16xf32> to vector<16xf32>
      %add3A_669 = arith.addf %get3A_664, %get3A_668 : vector<16xf32>
      %swap3A_670 = arith.index_cast %squeeze3A_656 : i32 to index
      %swap3A_671 = arith.constant 0 : index
      %swap3A_672 = tpu.vector_load %arg7[%swap3A_670, %swap3A_671] {strides = array<i32>} : memref<512x48xf32, #tpu.memory_space<vmem>>, vector<1x16xf32>,
      %swap3A_673 = vector.shape_cast %swap3A_672 : vector<1x16xf32> to vector<16xf32>
      %swap3A_674 = vector.shape_cast %add3A_669 : vector<16xf32> to vector<1x16xf32>
      tpu.vector_store %arg7[%swap3A_670, %swap3A_671], %swap3A_674 {strides = array<i32>} : memref<512x48xf32, #tpu.memory_space<vmem>>, vector<1x16xf32>,
      %get3A_675 = arith.index_cast %squeeze3A_656 : i32 to index
      %get3A_676 = arith.constant 16 : index
      %get3A_677 = tpu.vector_load %arg7[%get3A_675, %get3A_676] {strides = array<i32>} : memref<512x48xf32, #tpu.memory_space<vmem>>, vector<1x16xf32>,
      %get3A_678 = vector.shape_cast %get3A_677 : vector<1x16xf32> to vector<16xf32>
      %get3A_679 = arith.index_cast %add3A_660 : i32 to index
      %get3A_680 = arith.constant 16 : index
      %get3A_681 = tpu.vector_load %arg5[%get3A_679, %get3A_680] {strides = array<i32>} : memref<256x32xf32, #tpu.memory_space<vmem>>, vector<1x16xf32>,
      %get3A_682 = vector.shape_cast %get3A_681 : vector<1x16xf32> to vector<16xf32>
      %add3A_683 = arith.addf %get3A_678, %get3A_682 : vector<16xf32>
      %swap3A_684 = arith.index_cast %squeeze3A_656 : i32 to index
      %swap3A_685 = arith.constant 16 : index
      %swap3A_686 = tpu.vector_load %arg7[%swap3A_684, %swap3A_685] {strides = array<i32>} : memref<512x48xf32, #tpu.memory_space<vmem>>, vector<1x16xf32>,
      %swap3A_687 = vector.shape_cast %swap3A_686 : vector<1x16xf32> to vector<16xf32>
      %swap3A_688 = vector.shape_cast %add3A_683 : vector<16xf32> to vector<1x16xf32>
      tpu.vector_store %arg7[%swap3A_684, %swap3A_685], %swap3A_688 {strides = array<i32>} : memref<512x48xf32, #tpu.memory_space<vmem>>, vector<1x16xf32>,
      %get3A_689 = arith.index_cast %squeeze3A_656 : i32 to index
      %get3A_690 = arith.constant 32 : index
      %get3A_691 = tpu.vector_load %arg7[%get3A_689, %get3A_690] {strides = array<i32>} : memref<512x48xf32, #tpu.memory_space<vmem>>, vector<1x16xf32>,
      %get3A_692 = vector.shape_cast %get3A_691 : vector<1x16xf32> to vector<16xf32>
      %add3A_693 = arith.addf %get3A_692, %broadcast_in_dim3A_3 : vector<16xf32>
      %swap3A_694 = arith.index_cast %squeeze3A_656 : i32 to index
      %swap3A_695 = arith.constant 32 : index
      %swap3A_696 = tpu.vector_load %arg7[%swap3A_694, %swap3A_695] {strides = array<i32>} : memref<512x48xf32, #tpu.memory_space<vmem>>, vector<1x16xf32>,
      %swap3A_697 = vector.shape_cast %swap3A_696 : vector<1x16xf32> to vector<16xf32>
      %swap3A_698 = vector.shape_cast %add3A_693 : vector<16xf32> to vector<1x16xf32>
      tpu.vector_store %arg7[%swap3A_694, %swap3A_695], %swap3A_698 {strides = array<i32>} : memref<512x48xf32, #tpu.memory_space<vmem>>, vector<1x16xf32>,
      %slice3A_699 = vector.extract_strided_slice %get3A_41 {offsets = [15], sizes = [1], strides = [1]} : vector<16xi32> to vector<1xi32>
      %squeeze3A_700 = vector.extract %slice3A_699[0] : i32 from vector<1xi32>
      %mul3A_701 = arith.constant 16 : i32
      %mul3A_702 = arith.muli %scan3A_32, %mul3A_701 : i32
      %add3A_703 = arith.constant 15 : i32
      %add3A_704 = arith.addi %mul3A_702, %add3A_703 : i32
      %get3A_705 = arith.index_cast %squeeze3A_700 : i32 to index
      %get3A_706 = arith.constant 0 : index
      %get3A_707 = tpu.vector_load %arg7[%get3A_705, %get3A_706] {strides = array<i32>} : memref<512x48xf32, #tpu.memory_space<vmem>>, vector<1x16xf32>,
      %get3A_708 = vector.shape_cast %get3A_707 : vector<1x16xf32> to vector<16xf32>
      %get3A_709 = arith.index_cast %add3A_704 : i32 to index
      %get3A_710 = arith.constant 0 : index
      %get3A_711 = tpu.vector_load %arg5[%get3A_709, %get3A_710] {strides = array<i32>} : memref<256x32xf32, #tpu.memory_space<vmem>>, vector<1x16xf32>,
      %get3A_712 = vector.shape_cast %get3A_711 : vector<1x16xf32> to vector<16xf32>
      %add3A_713 = arith.addf %get3A_708, %get3A_712 : vector<16xf32>
      %swap3A_714 = arith.index_cast %squeeze3A_700 : i32 to index
      %swap3A_715 = arith.constant 0 : index
      %swap3A_716 = tpu.vector_load %arg7[%swap3A_714, %swap3A_715] {strides = array<i32>} : memref<512x48xf32, #tpu.memory_space<vmem>>, vector<1x16xf32>,
      %swap3A_717 = vector.shape_cast %swap3A_716 : vector<1x16xf32> to vector<16xf32>
      %swap3A_718 = vector.shape_cast %add3A_713 : vector<16xf32> to vector<1x16xf32>
      tpu.vector_store %arg7[%swap3A_714, %swap3A_715], %swap3A_718 {strides = array<i32>} : memref<512x48xf32, #tpu.memory_space<vmem>>, vector<1x16xf32>,
      %get3A_719 = arith.index_cast %squeeze3A_700 : i32 to index
      %get3A_720 = arith.constant 16 : index
      %get3A_721 = tpu.vector_load %arg7[%get3A_719, %get3A_720] {strides = array<i32>} : memref<512x48xf32, #tpu.memory_space<vmem>>, vector<1x16xf32>,
      %get3A_722 = vector.shape_cast %get3A_721 : vector<1x16xf32> to vector<16xf32>
      %get3A_723 = arith.index_cast %add3A_704 : i32 to index
      %get3A_724 = arith.constant 16 : index
      %get3A_725 = tpu.vector_load %arg5[%get3A_723, %get3A_724] {strides = array<i32>} : memref<256x32xf32, #tpu.memory_space<vmem>>, vector<1x16xf32>,
      %get3A_726 = vector.shape_cast %get3A_725 : vector<1x16xf32> to vector<16xf32>
      %add3A_727 = arith.addf %get3A_722, %get3A_726 : vector<16xf32>
      %swap3A_728 = arith.index_cast %squeeze3A_700 : i32 to index
      %swap3A_729 = arith.constant 16 : index
      %swap3A_730 = tpu.vector_load %arg7[%swap3A_728, %swap3A_729] {strides = array<i32>} : memref<512x48xf32, #tpu.memory_space<vmem>>, vector<1x16xf32>,
      %swap3A_731 = vector.shape_cast %swap3A_730 : vector<1x16xf32> to vector<16xf32>
      %swap3A_732 = vector.shape_cast %add3A_727 : vector<16xf32> to vector<1x16xf32>
      tpu.vector_store %arg7[%swap3A_728, %swap3A_729], %swap3A_732 {strides = array<i32>} : memref<512x48xf32, #tpu.memory_space<vmem>>, vector<1x16xf32>,
      %get3A_733 = arith.index_cast %squeeze3A_700 : i32 to index
      %get3A_734 = arith.constant 32 : index
      %get3A_735 = tpu.vector_load %arg7[%get3A_733, %get3A_734] {strides = array<i32>} : memref<512x48xf32, #tpu.memory_space<vmem>>, vector<1x16xf32>,
      %get3A_736 = vector.shape_cast %get3A_735 : vector<1x16xf32> to vector<16xf32>
      %add3A_737 = arith.addf %get3A_736, %broadcast_in_dim3A_3 : vector<16xf32>
      %swap3A_738 = arith.index_cast %squeeze3A_700 : i32 to index
      %swap3A_739 = arith.constant 32 : index
      %swap3A_740 = tpu.vector_load %arg7[%swap3A_738, %swap3A_739] {strides = array<i32>} : memref<512x48xf32, #tpu.memory_space<vmem>>, vector<1x16xf32>,
      %swap3A_741 = vector.shape_cast %swap3A_740 : vector<1x16xf32> to vector<16xf32>
      %swap3A_742 = vector.shape_cast %add3A_737 : vector<16xf32> to vector<1x16xf32>
      tpu.vector_store %arg7[%swap3A_738, %swap3A_739], %swap3A_742 {strides = array<i32>} : memref<512x48xf32, #tpu.memory_space<vmem>>, vector<1x16xf32>,
      %scan3A_743 = arith.constant 0 : i32
      scf.yield %scan3A_743 : i32
    }
    %scan3A_20 = arith.constant 16 : i32
    %mul3A_21 = arith.constant 512 : i32
    %mul3A_22 = arith.muli %add3A, %mul3A_21 : i32
    %add3A_23 = arith.constant 256 : i32
    %add3A_24 = arith.addi %mul3A_22, %add3A_23 : i32
    "tpu.region"() ({
      %run_scoped3A = tpu.sem_alloc : memref<!tpu.dma_semaphore, #tpu.memory_space<semaphore_mem>>
      %dma_start3A = arith.constant 0 : i32
      %dma_start3A_32 = tpu.memref_slice %arg2[%add3A_24, %dma_start3A] : memref<16384x32xf32, #tpu.memory_space<hbm>> -> memref<256x32xf32, #tpu.memory_space<hbm>>
      %dma_start3A_33 = arith.constant 0 : i32
      %dma_start3A_34 = tpu.memref_slice %arg2[%add3A_24, %dma_start3A_33] : memref<16384x32xf32, #tpu.memory_space<hbm>> -> memref<256x32xf32, #tpu.memory_space<hbm>>
      tpu.enqueue_dma source(%dma_start3A_34 : memref<256x32xf32, #tpu.memory_space<hbm>>) target(%arg5 : memref<256x32xf32, #tpu.memory_space<vmem>>) target_semaphore(%run_scoped3A : memref<!tpu.dma_semaphore, #tpu.memory_space<semaphore_mem>>)
      %dma_wait3A = arith.constant 0 : i32
      %dma_wait3A_35 = tpu.memref_slice %arg2[%add3A_24, %dma_wait3A] : memref<16384x32xf32, #tpu.memory_space<hbm>> -> memref<256x32xf32, #tpu.memory_space<hbm>>
      %dma_wait3A_36 = arith.constant 0 : i32
      %dma_wait3A_37 = tpu.memref_slice %arg2[%add3A_24, %dma_wait3A_36] : memref<16384x32xf32, #tpu.memory_space<hbm>> -> memref<256x32xf32, #tpu.memory_space<hbm>>
      tpu.wait_dma2 semaphore(%run_scoped3A : memref<!tpu.dma_semaphore, #tpu.memory_space<semaphore_mem>>) src(%dma_wait3A_37 : memref<256x32xf32, #tpu.memory_space<hbm>>) dst(%arg5 : memref<256x32xf32, #tpu.memory_space<vmem>>)
      tpu.yield
    }) : () -> ()
    %scan3A_25 = arith.constant 0 : i32
    %scan3A_26 = arith.constant 0 : i32
    %scan3A_27 = arith.constant 16 : i32
    %scan3A_28 = arith.addi %scan3A_26, %scan3A_27 : i32
    %scan3A_29 = arith.constant 1 : i32
    %scan3A_30 = scf.for %scan3A_32 = %scan3A_26 to %scan3A_28 step %scan3A_29 iter_args(%scan3A_33 = %scan3A_25) -> (i32)  : i32 {
      %mul3A_34 = arith.constant 16 : i32
      %mul3A_35 = arith.muli %scan3A_32, %mul3A_34 : i32
      %add3A_36 = arith.constant 256 : i32
      %add3A_37 = arith.addi %add3A_36, %mul3A_35 : i32
      %get3A = arith.constant 0 : i32
      %get3A_38 = arith.index_cast %get3A : i32 to index
      %get3A_39 = arith.index_cast %add3A_37 : i32 to index
      %get3A_40 = tpu.vector_load %arg6[%get3A_38, %get3A_39] {strides = array<i32>} : memref<1x512xi32, #tpu.memory_space<vmem>>, vector<1x16xi32>,
      %get3A_41 = vector.shape_cast %get3A_40 : vector<1x16xi32> to vector<16xi32>
      %slice3A = vector.extract_strided_slice %get3A_41 {offsets = [0], sizes = [1], strides = [1]} : vector<16xi32> to vector<1xi32>
      %squeeze3A = vector.extract %slice3A[0] : i32 from vector<1xi32>
      %mul3A_42 = arith.constant 16 : i32
      %mul3A_43 = arith.muli %scan3A_32, %mul3A_42 : i32
      %add3A_44 = arith.constant 0 : i32
      %add3A_45 = arith.addi %mul3A_43, %add3A_44 : i32
      %get3A_46 = arith.index_cast %squeeze3A : i32 to index
      %get3A_47 = arith.constant 0 : index
      %get3A_48 = tpu.vector_load %arg7[%get3A_46, %get3A_47] {strides = array<i32>} : memref<512x48xf32, #tpu.memory_space<vmem>>, vector<1x16xf32>,
      %get3A_49 = vector.shape_cast %get3A_48 : vector<1x16xf32> to vector<16xf32>
      %get3A_50 = arith.index_cast %add3A_45 : i32 to index
      %get3A_51 = arith.constant 0 : index
      %get3A_52 = tpu.vector_load %arg5[%get3A_50, %get3A_51] {strides = array<i32>} : memref<256x32xf32, #tpu.memory_space<vmem>>, vector<1x16xf32>,
      %get3A_53 = vector.shape_cast %get3A_52 : vector<1x16xf32> to vector<16xf32>
      %add3A_54 = arith.addf %get3A_49, %get3A_53 : vector<16xf32>
      %swap3A = arith.index_cast %squeeze3A : i32 to index
      %swap3A_55 = arith.constant 0 : index
      %swap3A_56 = tpu.vector_load %arg7[%swap3A, %swap3A_55] {strides = array<i32>} : memref<512x48xf32, #tpu.memory_space<vmem>>, vector<1x16xf32>,
      %swap3A_57 = vector.shape_cast %swap3A_56 : vector<1x16xf32> to vector<16xf32>
      %swap3A_58 = vector.shape_cast %add3A_54 : vector<16xf32> to vector<1x16xf32>
      tpu.vector_store %arg7[%swap3A, %swap3A_55], %swap3A_58 {strides = array<i32>} : memref<512x48xf32, #tpu.memory_space<vmem>>, vector<1x16xf32>,
      %get3A_59 = arith.index_cast %squeeze3A : i32 to index
      %get3A_60 = arith.constant 16 : index
      %get3A_61 = tpu.vector_load %arg7[%get3A_59, %get3A_60] {strides = array<i32>} : memref<512x48xf32, #tpu.memory_space<vmem>>, vector<1x16xf32>,
      %get3A_62 = vector.shape_cast %get3A_61 : vector<1x16xf32> to vector<16xf32>
      %get3A_63 = arith.index_cast %add3A_45 : i32 to index
      %get3A_64 = arith.constant 16 : index
      %get3A_65 = tpu.vector_load %arg5[%get3A_63, %get3A_64] {strides = array<i32>} : memref<256x32xf32, #tpu.memory_space<vmem>>, vector<1x16xf32>,
      %get3A_66 = vector.shape_cast %get3A_65 : vector<1x16xf32> to vector<16xf32>
      %add3A_67 = arith.addf %get3A_62, %get3A_66 : vector<16xf32>
      %swap3A_68 = arith.index_cast %squeeze3A : i32 to index
      %swap3A_69 = arith.constant 16 : index
      %swap3A_70 = tpu.vector_load %arg7[%swap3A_68, %swap3A_69] {strides = array<i32>} : memref<512x48xf32, #tpu.memory_space<vmem>>, vector<1x16xf32>,
      %swap3A_71 = vector.shape_cast %swap3A_70 : vector<1x16xf32> to vector<16xf32>
      %swap3A_72 = vector.shape_cast %add3A_67 : vector<16xf32> to vector<1x16xf32>
      tpu.vector_store %arg7[%swap3A_68, %swap3A_69], %swap3A_72 {strides = array<i32>} : memref<512x48xf32, #tpu.memory_space<vmem>>, vector<1x16xf32>,
      %get3A_73 = arith.index_cast %squeeze3A : i32 to index
      %get3A_74 = arith.constant 32 : index
      %get3A_75 = tpu.vector_load %arg7[%get3A_73, %get3A_74] {strides = array<i32>} : memref<512x48xf32, #tpu.memory_space<vmem>>, vector<1x16xf32>,
      %get3A_76 = vector.shape_cast %get3A_75 : vector<1x16xf32> to vector<16xf32>
      %add3A_77 = arith.addf %get3A_76, %broadcast_in_dim3A_3 : vector<16xf32>
      %swap3A_78 = arith.index_cast %squeeze3A : i32 to index
      %swap3A_79 = arith.constant 32 : index
      %swap3A_80 = tpu.vector_load %arg7[%swap3A_78, %swap3A_79] {strides = array<i32>} : memref<512x48xf32, #tpu.memory_space<vmem>>, vector<1x16xf32>,
      %swap3A_81 = vector.shape_cast %swap3A_80 : vector<1x16xf32> to vector<16xf32>
      %swap3A_82 = vector.shape_cast %add3A_77 : vector<16xf32> to vector<1x16xf32>
      tpu.vector_store %arg7[%swap3A_78, %swap3A_79], %swap3A_82 {strides = array<i32>} : memref<512x48xf32, #tpu.memory_space<vmem>>, vector<1x16xf32>,
      %slice3A_83 = vector.extract_strided_slice %get3A_41 {offsets = [1], sizes = [1], strides = [1]} : vector<16xi32> to vector<1xi32>
      %squeeze3A_84 = vector.extract %slice3A_83[0] : i32 from vector<1xi32>
      %mul3A_85 = arith.constant 16 : i32
      %mul3A_86 = arith.muli %scan3A_32, %mul3A_85 : i32
      %add3A_87 = arith.constant 1 : i32
      %add3A_88 = arith.addi %mul3A_86, %add3A_87 : i32
      %get3A_89 = arith.index_cast %squeeze3A_84 : i32 to index
      %get3A_90 = arith.constant 0 : index
      %get3A_91 = tpu.vector_load %arg7[%get3A_89, %get3A_90] {strides = array<i32>} : memref<512x48xf32, #tpu.memory_space<vmem>>, vector<1x16xf32>,
      %get3A_92 = vector.shape_cast %get3A_91 : vector<1x16xf32> to vector<16xf32>
      %get3A_93 = arith.index_cast %add3A_88 : i32 to index
      %get3A_94 = arith.constant 0 : index
      %get3A_95 = tpu.vector_load %arg5[%get3A_93, %get3A_94] {strides = array<i32>} : memref<256x32xf32, #tpu.memory_space<vmem>>, vector<1x16xf32>,
      %get3A_96 = vector.shape_cast %get3A_95 : vector<1x16xf32> to vector<16xf32>
      %add3A_97 = arith.addf %get3A_92, %get3A_96 : vector<16xf32>
      %swap3A_98 = arith.index_cast %squeeze3A_84 : i32 to index
      %swap3A_99 = arith.constant 0 : index
      %swap3A_100 = tpu.vector_load %arg7[%swap3A_98, %swap3A_99] {strides = array<i32>} : memref<512x48xf32, #tpu.memory_space<vmem>>, vector<1x16xf32>,
      %swap3A_101 = vector.shape_cast %swap3A_100 : vector<1x16xf32> to vector<16xf32>
      %swap3A_102 = vector.shape_cast %add3A_97 : vector<16xf32> to vector<1x16xf32>
      tpu.vector_store %arg7[%swap3A_98, %swap3A_99], %swap3A_102 {strides = array<i32>} : memref<512x48xf32, #tpu.memory_space<vmem>>, vector<1x16xf32>,
      %get3A_103 = arith.index_cast %squeeze3A_84 : i32 to index
      %get3A_104 = arith.constant 16 : index
      %get3A_105 = tpu.vector_load %arg7[%get3A_103, %get3A_104] {strides = array<i32>} : memref<512x48xf32, #tpu.memory_space<vmem>>, vector<1x16xf32>,
      %get3A_106 = vector.shape_cast %get3A_105 : vector<1x16xf32> to vector<16xf32>
      %get3A_107 = arith.index_cast %add3A_88 : i32 to index
      %get3A_108 = arith.constant 16 : index
      %get3A_109 = tpu.vector_load %arg5[%get3A_107, %get3A_108] {strides = array<i32>} : memref<256x32xf32, #tpu.memory_space<vmem>>, vector<1x16xf32>,
      %get3A_110 = vector.shape_cast %get3A_109 : vector<1x16xf32> to vector<16xf32>
      %add3A_111 = arith.addf %get3A_106, %get3A_110 : vector<16xf32>
      %swap3A_112 = arith.index_cast %squeeze3A_84 : i32 to index
      %swap3A_113 = arith.constant 16 : index
      %swap3A_114 = tpu.vector_load %arg7[%swap3A_112, %swap3A_113] {strides = array<i32>} : memref<512x48xf32, #tpu.memory_space<vmem>>, vector<1x16xf32>,
      %swap3A_115 = vector.shape_cast %swap3A_114 : vector<1x16xf32> to vector<16xf32>
      %swap3A_116 = vector.shape_cast %add3A_111 : vector<16xf32> to vector<1x16xf32>
      tpu.vector_store %arg7[%swap3A_112, %swap3A_113], %swap3A_116 {strides = array<i32>} : memref<512x48xf32, #tpu.memory_space<vmem>>, vector<1x16xf32>,
      %get3A_117 = arith.index_cast %squeeze3A_84 : i32 to index
      %get3A_118 = arith.constant 32 : index
      %get3A_119 = tpu.vector_load %arg7[%get3A_117, %get3A_118] {strides = array<i32>} : memref<512x48xf32, #tpu.memory_space<vmem>>, vector<1x16xf32>,
      %get3A_120 = vector.shape_cast %get3A_119 : vector<1x16xf32> to vector<16xf32>
      %add3A_121 = arith.addf %get3A_120, %broadcast_in_dim3A_3 : vector<16xf32>
      %swap3A_122 = arith.index_cast %squeeze3A_84 : i32 to index
      %swap3A_123 = arith.constant 32 : index
      %swap3A_124 = tpu.vector_load %arg7[%swap3A_122, %swap3A_123] {strides = array<i32>} : memref<512x48xf32, #tpu.memory_space<vmem>>, vector<1x16xf32>,
      %swap3A_125 = vector.shape_cast %swap3A_124 : vector<1x16xf32> to vector<16xf32>
      %swap3A_126 = vector.shape_cast %add3A_121 : vector<16xf32> to vector<1x16xf32>
      tpu.vector_store %arg7[%swap3A_122, %swap3A_123], %swap3A_126 {strides = array<i32>} : memref<512x48xf32, #tpu.memory_space<vmem>>, vector<1x16xf32>,
      %slice3A_127 = vector.extract_strided_slice %get3A_41 {offsets = [2], sizes = [1], strides = [1]} : vector<16xi32> to vector<1xi32>
      %squeeze3A_128 = vector.extract %slice3A_127[0] : i32 from vector<1xi32>
      %mul3A_129 = arith.constant 16 : i32
      %mul3A_130 = arith.muli %scan3A_32, %mul3A_129 : i32
      %add3A_131 = arith.constant 2 : i32
      %add3A_132 = arith.addi %mul3A_130, %add3A_131 : i32
      %get3A_133 = arith.index_cast %squeeze3A_128 : i32 to index
      %get3A_134 = arith.constant 0 : index
      %get3A_135 = tpu.vector_load %arg7[%get3A_133, %get3A_134] {strides = array<i32>} : memref<512x48xf32, #tpu.memory_space<vmem>>, vector<1x16xf32>,
      %get3A_136 = vector.shape_cast %get3A_135 : vector<1x16xf32> to vector<16xf32>
      %get3A_137 = arith.index_cast %add3A_132 : i32 to index
      %get3A_138 = arith.constant 0 : index
      %get3A_139 = tpu.vector_load %arg5[%get3A_137, %get3A_138] {strides = array<i32>} : memref<256x32xf32, #tpu.memory_space<vmem>>, vector<1x16xf32>,
      %get3A_140 = vector.shape_cast %get3A_139 : vector<1x16xf32> to vector<16xf32>
      %add3A_141 = arith.addf %get3A_136, %get3A_140 : vector<16xf32>
      %swap3A_142 = arith.index_cast %squeeze3A_128 : i32 to index
      %swap3A_143 = arith.constant 0 : index
      %swap3A_144 = tpu.vector_load %arg7[%swap3A_142, %swap3A_143] {strides = array<i32>} : memref<512x48xf32, #tpu.memory_space<vmem>>, vector<1x16xf32>,
      %swap3A_145 = vector.shape_cast %swap3A_144 : vector<1x16xf32> to vector<16xf32>
      %swap3A_146 = vector.shape_cast %add3A_141 : vector<16xf32> to vector<1x16xf32>
      tpu.vector_store %arg7[%swap3A_142, %swap3A_143], %swap3A_146 {strides = array<i32>} : memref<512x48xf32, #tpu.memory_space<vmem>>, vector<1x16xf32>,
      %get3A_147 = arith.index_cast %squeeze3A_128 : i32 to index
      %get3A_148 = arith.constant 16 : index
      %get3A_149 = tpu.vector_load %arg7[%get3A_147, %get3A_148] {strides = array<i32>} : memref<512x48xf32, #tpu.memory_space<vmem>>, vector<1x16xf32>,
      %get3A_150 = vector.shape_cast %get3A_149 : vector<1x16xf32> to vector<16xf32>
      %get3A_151 = arith.index_cast %add3A_132 : i32 to index
      %get3A_152 = arith.constant 16 : index
      %get3A_153 = tpu.vector_load %arg5[%get3A_151, %get3A_152] {strides = array<i32>} : memref<256x32xf32, #tpu.memory_space<vmem>>, vector<1x16xf32>,
      %get3A_154 = vector.shape_cast %get3A_153 : vector<1x16xf32> to vector<16xf32>
      %add3A_155 = arith.addf %get3A_150, %get3A_154 : vector<16xf32>
      %swap3A_156 = arith.index_cast %squeeze3A_128 : i32 to index
      %swap3A_157 = arith.constant 16 : index
      %swap3A_158 = tpu.vector_load %arg7[%swap3A_156, %swap3A_157] {strides = array<i32>} : memref<512x48xf32, #tpu.memory_space<vmem>>, vector<1x16xf32>,
      %swap3A_159 = vector.shape_cast %swap3A_158 : vector<1x16xf32> to vector<16xf32>
      %swap3A_160 = vector.shape_cast %add3A_155 : vector<16xf32> to vector<1x16xf32>
      tpu.vector_store %arg7[%swap3A_156, %swap3A_157], %swap3A_160 {strides = array<i32>} : memref<512x48xf32, #tpu.memory_space<vmem>>, vector<1x16xf32>,
      %get3A_161 = arith.index_cast %squeeze3A_128 : i32 to index
      %get3A_162 = arith.constant 32 : index
      %get3A_163 = tpu.vector_load %arg7[%get3A_161, %get3A_162] {strides = array<i32>} : memref<512x48xf32, #tpu.memory_space<vmem>>, vector<1x16xf32>,
      %get3A_164 = vector.shape_cast %get3A_163 : vector<1x16xf32> to vector<16xf32>
      %add3A_165 = arith.addf %get3A_164, %broadcast_in_dim3A_3 : vector<16xf32>
      %swap3A_166 = arith.index_cast %squeeze3A_128 : i32 to index
      %swap3A_167 = arith.constant 32 : index
      %swap3A_168 = tpu.vector_load %arg7[%swap3A_166, %swap3A_167] {strides = array<i32>} : memref<512x48xf32, #tpu.memory_space<vmem>>, vector<1x16xf32>,
      %swap3A_169 = vector.shape_cast %swap3A_168 : vector<1x16xf32> to vector<16xf32>
      %swap3A_170 = vector.shape_cast %add3A_165 : vector<16xf32> to vector<1x16xf32>
      tpu.vector_store %arg7[%swap3A_166, %swap3A_167], %swap3A_170 {strides = array<i32>} : memref<512x48xf32, #tpu.memory_space<vmem>>, vector<1x16xf32>,
      %slice3A_171 = vector.extract_strided_slice %get3A_41 {offsets = [3], sizes = [1], strides = [1]} : vector<16xi32> to vector<1xi32>
      %squeeze3A_172 = vector.extract %slice3A_171[0] : i32 from vector<1xi32>
      %mul3A_173 = arith.constant 16 : i32
      %mul3A_174 = arith.muli %scan3A_32, %mul3A_173 : i32
      %add3A_175 = arith.constant 3 : i32
      %add3A_176 = arith.addi %mul3A_174, %add3A_175 : i32
      %get3A_177 = arith.index_cast %squeeze3A_172 : i32 to index
      %get3A_178 = arith.constant 0 : index
      %get3A_179 = tpu.vector_load %arg7[%get3A_177, %get3A_178] {strides = array<i32>} : memref<512x48xf32, #tpu.memory_space<vmem>>, vector<1x16xf32>,
      %get3A_180 = vector.shape_cast %get3A_179 : vector<1x16xf32> to vector<16xf32>
      %get3A_181 = arith.index_cast %add3A_176 : i32 to index
      %get3A_182 = arith.constant 0 : index
      %get3A_183 = tpu.vector_load %arg5[%get3A_181, %get3A_182] {strides = array<i32>} : memref<256x32xf32, #tpu.memory_space<vmem>>, vector<1x16xf32>,
      %get3A_184 = vector.shape_cast %get3A_183 : vector<1x16xf32> to vector<16xf32>
      %add3A_185 = arith.addf %get3A_180, %get3A_184 : vector<16xf32>
      %swap3A_186 = arith.index_cast %squeeze3A_172 : i32 to index
      %swap3A_187 = arith.constant 0 : index
      %swap3A_188 = tpu.vector_load %arg7[%swap3A_186, %swap3A_187] {strides = array<i32>} : memref<512x48xf32, #tpu.memory_space<vmem>>, vector<1x16xf32>,
      %swap3A_189 = vector.shape_cast %swap3A_188 : vector<1x16xf32> to vector<16xf32>
      %swap3A_190 = vector.shape_cast %add3A_185 : vector<16xf32> to vector<1x16xf32>
      tpu.vector_store %arg7[%swap3A_186, %swap3A_187], %swap3A_190 {strides = array<i32>} : memref<512x48xf32, #tpu.memory_space<vmem>>, vector<1x16xf32>,
      %get3A_191 = arith.index_cast %squeeze3A_172 : i32 to index
      %get3A_192 = arith.constant 16 : index
      %get3A_193 = tpu.vector_load %arg7[%get3A_191, %get3A_192] {strides = array<i32>} : memref<512x48xf32, #tpu.memory_space<vmem>>, vector<1x16xf32>,
      %get3A_194 = vector.shape_cast %get3A_193 : vector<1x16xf32> to vector<16xf32>
      %get3A_195 = arith.index_cast %add3A_176 : i32 to index
      %get3A_196 = arith.constant 16 : index
      %get3A_197 = tpu.vector_load %arg5[%get3A_195, %get3A_196] {strides = array<i32>} : memref<256x32xf32, #tpu.memory_space<vmem>>, vector<1x16xf32>,
      %get3A_198 = vector.shape_cast %get3A_197 : vector<1x16xf32> to vector<16xf32>
      %add3A_199 = arith.addf %get3A_194, %get3A_198 : vector<16xf32>
      %swap3A_200 = arith.index_cast %squeeze3A_172 : i32 to index
      %swap3A_201 = arith.constant 16 : index
      %swap3A_202 = tpu.vector_load %arg7[%swap3A_200, %swap3A_201] {strides = array<i32>} : memref<512x48xf32, #tpu.memory_space<vmem>>, vector<1x16xf32>,
      %swap3A_203 = vector.shape_cast %swap3A_202 : vector<1x16xf32> to vector<16xf32>
      %swap3A_204 = vector.shape_cast %add3A_199 : vector<16xf32> to vector<1x16xf32>
      tpu.vector_store %arg7[%swap3A_200, %swap3A_201], %swap3A_204 {strides = array<i32>} : memref<512x48xf32, #tpu.memory_space<vmem>>, vector<1x16xf32>,
      %get3A_205 = arith.index_cast %squeeze3A_172 : i32 to index
      %get3A_206 = arith.constant 32 : index
      %get3A_207 = tpu.vector_load %arg7[%get3A_205, %get3A_206] {strides = array<i32>} : memref<512x48xf32, #tpu.memory_space<vmem>>, vector<1x16xf32>,
      %get3A_208 = vector.shape_cast %get3A_207 : vector<1x16xf32> to vector<16xf32>
      %add3A_209 = arith.addf %get3A_208, %broadcast_in_dim3A_3 : vector<16xf32>
      %swap3A_210 = arith.index_cast %squeeze3A_172 : i32 to index
      %swap3A_211 = arith.constant 32 : index
      %swap3A_212 = tpu.vector_load %arg7[%swap3A_210, %swap3A_211] {strides = array<i32>} : memref<512x48xf32, #tpu.memory_space<vmem>>, vector<1x16xf32>,
      %swap3A_213 = vector.shape_cast %swap3A_212 : vector<1x16xf32> to vector<16xf32>
      %swap3A_214 = vector.shape_cast %add3A_209 : vector<16xf32> to vector<1x16xf32>
      tpu.vector_store %arg7[%swap3A_210, %swap3A_211], %swap3A_214 {strides = array<i32>} : memref<512x48xf32, #tpu.memory_space<vmem>>, vector<1x16xf32>,
      %slice3A_215 = vector.extract_strided_slice %get3A_41 {offsets = [4], sizes = [1], strides = [1]} : vector<16xi32> to vector<1xi32>
      %squeeze3A_216 = vector.extract %slice3A_215[0] : i32 from vector<1xi32>
      %mul3A_217 = arith.constant 16 : i32
      %mul3A_218 = arith.muli %scan3A_32, %mul3A_217 : i32
      %add3A_219 = arith.constant 4 : i32
      %add3A_220 = arith.addi %mul3A_218, %add3A_219 : i32
      %get3A_221 = arith.index_cast %squeeze3A_216 : i32 to index
      %get3A_222 = arith.constant 0 : index
      %get3A_223 = tpu.vector_load %arg7[%get3A_221, %get3A_222] {strides = array<i32>} : memref<512x48xf32, #tpu.memory_space<vmem>>, vector<1x16xf32>,
      %get3A_224 = vector.shape_cast %get3A_223 : vector<1x16xf32> to vector<16xf32>
      %get3A_225 = arith.index_cast %add3A_220 : i32 to index
      %get3A_226 = arith.constant 0 : index
      %get3A_227 = tpu.vector_load %arg5[%get3A_225, %get3A_226] {strides = array<i32>} : memref<256x32xf32, #tpu.memory_space<vmem>>, vector<1x16xf32>,
      %get3A_228 = vector.shape_cast %get3A_227 : vector<1x16xf32> to vector<16xf32>
      %add3A_229 = arith.addf %get3A_224, %get3A_228 : vector<16xf32>
      %swap3A_230 = arith.index_cast %squeeze3A_216 : i32 to index
      %swap3A_231 = arith.constant 0 : index
      %swap3A_232 = tpu.vector_load %arg7[%swap3A_230, %swap3A_231] {strides = array<i32>} : memref<512x48xf32, #tpu.memory_space<vmem>>, vector<1x16xf32>,
      %swap3A_233 = vector.shape_cast %swap3A_232 : vector<1x16xf32> to vector<16xf32>
      %swap3A_234 = vector.shape_cast %add3A_229 : vector<16xf32> to vector<1x16xf32>
      tpu.vector_store %arg7[%swap3A_230, %swap3A_231], %swap3A_234 {strides = array<i32>} : memref<512x48xf32, #tpu.memory_space<vmem>>, vector<1x16xf32>,
      %get3A_235 = arith.index_cast %squeeze3A_216 : i32 to index
      %get3A_236 = arith.constant 16 : index
      %get3A_237 = tpu.vector_load %arg7[%get3A_235, %get3A_236] {strides = array<i32>} : memref<512x48xf32, #tpu.memory_space<vmem>>, vector<1x16xf32>,
      %get3A_238 = vector.shape_cast %get3A_237 : vector<1x16xf32> to vector<16xf32>
      %get3A_239 = arith.index_cast %add3A_220 : i32 to index
      %get3A_240 = arith.constant 16 : index
      %get3A_241 = tpu.vector_load %arg5[%get3A_239, %get3A_240] {strides = array<i32>} : memref<256x32xf32, #tpu.memory_space<vmem>>, vector<1x16xf32>,
      %get3A_242 = vector.shape_cast %get3A_241 : vector<1x16xf32> to vector<16xf32>
      %add3A_243 = arith.addf %get3A_238, %get3A_242 : vector<16xf32>
      %swap3A_244 = arith.index_cast %squeeze3A_216 : i32 to index
      %swap3A_245 = arith.constant 16 : index
      %swap3A_246 = tpu.vector_load %arg7[%swap3A_244, %swap3A_245] {strides = array<i32>} : memref<512x48xf32, #tpu.memory_space<vmem>>, vector<1x16xf32>,
      %swap3A_247 = vector.shape_cast %swap3A_246 : vector<1x16xf32> to vector<16xf32>
      %swap3A_248 = vector.shape_cast %add3A_243 : vector<16xf32> to vector<1x16xf32>
      tpu.vector_store %arg7[%swap3A_244, %swap3A_245], %swap3A_248 {strides = array<i32>} : memref<512x48xf32, #tpu.memory_space<vmem>>, vector<1x16xf32>,
      %get3A_249 = arith.index_cast %squeeze3A_216 : i32 to index
      %get3A_250 = arith.constant 32 : index
      %get3A_251 = tpu.vector_load %arg7[%get3A_249, %get3A_250] {strides = array<i32>} : memref<512x48xf32, #tpu.memory_space<vmem>>, vector<1x16xf32>,
      %get3A_252 = vector.shape_cast %get3A_251 : vector<1x16xf32> to vector<16xf32>
      %add3A_253 = arith.addf %get3A_252, %broadcast_in_dim3A_3 : vector<16xf32>
      %swap3A_254 = arith.index_cast %squeeze3A_216 : i32 to index
      %swap3A_255 = arith.constant 32 : index
      %swap3A_256 = tpu.vector_load %arg7[%swap3A_254, %swap3A_255] {strides = array<i32>} : memref<512x48xf32, #tpu.memory_space<vmem>>, vector<1x16xf32>,
      %swap3A_257 = vector.shape_cast %swap3A_256 : vector<1x16xf32> to vector<16xf32>
      %swap3A_258 = vector.shape_cast %add3A_253 : vector<16xf32> to vector<1x16xf32>
      tpu.vector_store %arg7[%swap3A_254, %swap3A_255], %swap3A_258 {strides = array<i32>} : memref<512x48xf32, #tpu.memory_space<vmem>>, vector<1x16xf32>,
      %slice3A_259 = vector.extract_strided_slice %get3A_41 {offsets = [5], sizes = [1], strides = [1]} : vector<16xi32> to vector<1xi32>
      %squeeze3A_260 = vector.extract %slice3A_259[0] : i32 from vector<1xi32>
      %mul3A_261 = arith.constant 16 : i32
      %mul3A_262 = arith.muli %scan3A_32, %mul3A_261 : i32
      %add3A_263 = arith.constant 5 : i32
      %add3A_264 = arith.addi %mul3A_262, %add3A_263 : i32
      %get3A_265 = arith.index_cast %squeeze3A_260 : i32 to index
      %get3A_266 = arith.constant 0 : index
      %get3A_267 = tpu.vector_load %arg7[%get3A_265, %get3A_266] {strides = array<i32>} : memref<512x48xf32, #tpu.memory_space<vmem>>, vector<1x16xf32>,
      %get3A_268 = vector.shape_cast %get3A_267 : vector<1x16xf32> to vector<16xf32>
      %get3A_269 = arith.index_cast %add3A_264 : i32 to index
      %get3A_270 = arith.constant 0 : index
      %get3A_271 = tpu.vector_load %arg5[%get3A_269, %get3A_270] {strides = array<i32>} : memref<256x32xf32, #tpu.memory_space<vmem>>, vector<1x16xf32>,
      %get3A_272 = vector.shape_cast %get3A_271 : vector<1x16xf32> to vector<16xf32>
      %add3A_273 = arith.addf %get3A_268, %get3A_272 : vector<16xf32>
      %swap3A_274 = arith.index_cast %squeeze3A_260 : i32 to index
      %swap3A_275 = arith.constant 0 : index
      %swap3A_276 = tpu.vector_load %arg7[%swap3A_274, %swap3A_275] {strides = array<i32>} : memref<512x48xf32, #tpu.memory_space<vmem>>, vector<1x16xf32>,
      %swap3A_277 = vector.shape_cast %swap3A_276 : vector<1x16xf32> to vector<16xf32>
      %swap3A_278 = vector.shape_cast %add3A_273 : vector<16xf32> to vector<1x16xf32>
      tpu.vector_store %arg7[%swap3A_274, %swap3A_275], %swap3A_278 {strides = array<i32>} : memref<512x48xf32, #tpu.memory_space<vmem>>, vector<1x16xf32>,
      %get3A_279 = arith.index_cast %squeeze3A_260 : i32 to index
      %get3A_280 = arith.constant 16 : index
      %get3A_281 = tpu.vector_load %arg7[%get3A_279, %get3A_280] {strides = array<i32>} : memref<512x48xf32, #tpu.memory_space<vmem>>, vector<1x16xf32>,
      %get3A_282 = vector.shape_cast %get3A_281 : vector<1x16xf32> to vector<16xf32>
      %get3A_283 = arith.index_cast %add3A_264 : i32 to index
      %get3A_284 = arith.constant 16 : index
      %get3A_285 = tpu.vector_load %arg5[%get3A_283, %get3A_284] {strides = array<i32>} : memref<256x32xf32, #tpu.memory_space<vmem>>, vector<1x16xf32>,
      %get3A_286 = vector.shape_cast %get3A_285 : vector<1x16xf32> to vector<16xf32>
      %add3A_287 = arith.addf %get3A_282, %get3A_286 : vector<16xf32>
      %swap3A_288 = arith.index_cast %squeeze3A_260 : i32 to index
      %swap3A_289 = arith.constant 16 : index
      %swap3A_290 = tpu.vector_load %arg7[%swap3A_288, %swap3A_289] {strides = array<i32>} : memref<512x48xf32, #tpu.memory_space<vmem>>, vector<1x16xf32>,
      %swap3A_291 = vector.shape_cast %swap3A_290 : vector<1x16xf32> to vector<16xf32>
      %swap3A_292 = vector.shape_cast %add3A_287 : vector<16xf32> to vector<1x16xf32>
      tpu.vector_store %arg7[%swap3A_288, %swap3A_289], %swap3A_292 {strides = array<i32>} : memref<512x48xf32, #tpu.memory_space<vmem>>, vector<1x16xf32>,
      %get3A_293 = arith.index_cast %squeeze3A_260 : i32 to index
      %get3A_294 = arith.constant 32 : index
      %get3A_295 = tpu.vector_load %arg7[%get3A_293, %get3A_294] {strides = array<i32>} : memref<512x48xf32, #tpu.memory_space<vmem>>, vector<1x16xf32>,
      %get3A_296 = vector.shape_cast %get3A_295 : vector<1x16xf32> to vector<16xf32>
      %add3A_297 = arith.addf %get3A_296, %broadcast_in_dim3A_3 : vector<16xf32>
      %swap3A_298 = arith.index_cast %squeeze3A_260 : i32 to index
      %swap3A_299 = arith.constant 32 : index
      %swap3A_300 = tpu.vector_load %arg7[%swap3A_298, %swap3A_299] {strides = array<i32>} : memref<512x48xf32, #tpu.memory_space<vmem>>, vector<1x16xf32>,
      %swap3A_301 = vector.shape_cast %swap3A_300 : vector<1x16xf32> to vector<16xf32>
      %swap3A_302 = vector.shape_cast %add3A_297 : vector<16xf32> to vector<1x16xf32>
      tpu.vector_store %arg7[%swap3A_298, %swap3A_299], %swap3A_302 {strides = array<i32>} : memref<512x48xf32, #tpu.memory_space<vmem>>, vector<1x16xf32>,
      %slice3A_303 = vector.extract_strided_slice %get3A_41 {offsets = [6], sizes = [1], strides = [1]} : vector<16xi32> to vector<1xi32>
      %squeeze3A_304 = vector.extract %slice3A_303[0] : i32 from vector<1xi32>
      %mul3A_305 = arith.constant 16 : i32
      %mul3A_306 = arith.muli %scan3A_32, %mul3A_305 : i32
      %add3A_307 = arith.constant 6 : i32
      %add3A_308 = arith.addi %mul3A_306, %add3A_307 : i32
      %get3A_309 = arith.index_cast %squeeze3A_304 : i32 to index
      %get3A_310 = arith.constant 0 : index
      %get3A_311 = tpu.vector_load %arg7[%get3A_309, %get3A_310] {strides = array<i32>} : memref<512x48xf32, #tpu.memory_space<vmem>>, vector<1x16xf32>,
      %get3A_312 = vector.shape_cast %get3A_311 : vector<1x16xf32> to vector<16xf32>
      %get3A_313 = arith.index_cast %add3A_308 : i32 to index
      %get3A_314 = arith.constant 0 : index
      %get3A_315 = tpu.vector_load %arg5[%get3A_313, %get3A_314] {strides = array<i32>} : memref<256x32xf32, #tpu.memory_space<vmem>>, vector<1x16xf32>,
      %get3A_316 = vector.shape_cast %get3A_315 : vector<1x16xf32> to vector<16xf32>
      %add3A_317 = arith.addf %get3A_312, %get3A_316 : vector<16xf32>
      %swap3A_318 = arith.index_cast %squeeze3A_304 : i32 to index
      %swap3A_319 = arith.constant 0 : index
      %swap3A_320 = tpu.vector_load %arg7[%swap3A_318, %swap3A_319] {strides = array<i32>} : memref<512x48xf32, #tpu.memory_space<vmem>>, vector<1x16xf32>,
      %swap3A_321 = vector.shape_cast %swap3A_320 : vector<1x16xf32> to vector<16xf32>
      %swap3A_322 = vector.shape_cast %add3A_317 : vector<16xf32> to vector<1x16xf32>
      tpu.vector_store %arg7[%swap3A_318, %swap3A_319], %swap3A_322 {strides = array<i32>} : memref<512x48xf32, #tpu.memory_space<vmem>>, vector<1x16xf32>,
      %get3A_323 = arith.index_cast %squeeze3A_304 : i32 to index
      %get3A_324 = arith.constant 16 : index
      %get3A_325 = tpu.vector_load %arg7[%get3A_323, %get3A_324] {strides = array<i32>} : memref<512x48xf32, #tpu.memory_space<vmem>>, vector<1x16xf32>,
      %get3A_326 = vector.shape_cast %get3A_325 : vector<1x16xf32> to vector<16xf32>
      %get3A_327 = arith.index_cast %add3A_308 : i32 to index
      %get3A_328 = arith.constant 16 : index
      %get3A_329 = tpu.vector_load %arg5[%get3A_327, %get3A_328] {strides = array<i32>} : memref<256x32xf32, #tpu.memory_space<vmem>>, vector<1x16xf32>,
      %get3A_330 = vector.shape_cast %get3A_329 : vector<1x16xf32> to vector<16xf32>
      %add3A_331 = arith.addf %get3A_326, %get3A_330 : vector<16xf32>
      %swap3A_332 = arith.index_cast %squeeze3A_304 : i32 to index
      %swap3A_333 = arith.constant 16 : index
      %swap3A_334 = tpu.vector_load %arg7[%swap3A_332, %swap3A_333] {strides = array<i32>} : memref<512x48xf32, #tpu.memory_space<vmem>>, vector<1x16xf32>,
      %swap3A_335 = vector.shape_cast %swap3A_334 : vector<1x16xf32> to vector<16xf32>
      %swap3A_336 = vector.shape_cast %add3A_331 : vector<16xf32> to vector<1x16xf32>
      tpu.vector_store %arg7[%swap3A_332, %swap3A_333], %swap3A_336 {strides = array<i32>} : memref<512x48xf32, #tpu.memory_space<vmem>>, vector<1x16xf32>,
      %get3A_337 = arith.index_cast %squeeze3A_304 : i32 to index
      %get3A_338 = arith.constant 32 : index
      %get3A_339 = tpu.vector_load %arg7[%get3A_337, %get3A_338] {strides = array<i32>} : memref<512x48xf32, #tpu.memory_space<vmem>>, vector<1x16xf32>,
      %get3A_340 = vector.shape_cast %get3A_339 : vector<1x16xf32> to vector<16xf32>
      %add3A_341 = arith.addf %get3A_340, %broadcast_in_dim3A_3 : vector<16xf32>
      %swap3A_342 = arith.index_cast %squeeze3A_304 : i32 to index
      %swap3A_343 = arith.constant 32 : index
      %swap3A_344 = tpu.vector_load %arg7[%swap3A_342, %swap3A_343] {strides = array<i32>} : memref<512x48xf32, #tpu.memory_space<vmem>>, vector<1x16xf32>,
      %swap3A_345 = vector.shape_cast %swap3A_344 : vector<1x16xf32> to vector<16xf32>
      %swap3A_346 = vector.shape_cast %add3A_341 : vector<16xf32> to vector<1x16xf32>
      tpu.vector_store %arg7[%swap3A_342, %swap3A_343], %swap3A_346 {strides = array<i32>} : memref<512x48xf32, #tpu.memory_space<vmem>>, vector<1x16xf32>,
      %slice3A_347 = vector.extract_strided_slice %get3A_41 {offsets = [7], sizes = [1], strides = [1]} : vector<16xi32> to vector<1xi32>
      %squeeze3A_348 = vector.extract %slice3A_347[0] : i32 from vector<1xi32>
      %mul3A_349 = arith.constant 16 : i32
      %mul3A_350 = arith.muli %scan3A_32, %mul3A_349 : i32
      %add3A_351 = arith.constant 7 : i32
      %add3A_352 = arith.addi %mul3A_350, %add3A_351 : i32
      %get3A_353 = arith.index_cast %squeeze3A_348 : i32 to index
      %get3A_354 = arith.constant 0 : index
      %get3A_355 = tpu.vector_load %arg7[%get3A_353, %get3A_354] {strides = array<i32>} : memref<512x48xf32, #tpu.memory_space<vmem>>, vector<1x16xf32>,
      %get3A_356 = vector.shape_cast %get3A_355 : vector<1x16xf32> to vector<16xf32>
      %get3A_357 = arith.index_cast %add3A_352 : i32 to index
      %get3A_358 = arith.constant 0 : index
      %get3A_359 = tpu.vector_load %arg5[%get3A_357, %get3A_358] {strides = array<i32>} : memref<256x32xf32, #tpu.memory_space<vmem>>, vector<1x16xf32>,
      %get3A_360 = vector.shape_cast %get3A_359 : vector<1x16xf32> to vector<16xf32>
      %add3A_361 = arith.addf %get3A_356, %get3A_360 : vector<16xf32>
      %swap3A_362 = arith.index_cast %squeeze3A_348 : i32 to index
      %swap3A_363 = arith.constant 0 : index
      %swap3A_364 = tpu.vector_load %arg7[%swap3A_362, %swap3A_363] {strides = array<i32>} : memref<512x48xf32, #tpu.memory_space<vmem>>, vector<1x16xf32>,
      %swap3A_365 = vector.shape_cast %swap3A_364 : vector<1x16xf32> to vector<16xf32>
      %swap3A_366 = vector.shape_cast %add3A_361 : vector<16xf32> to vector<1x16xf32>
      tpu.vector_store %arg7[%swap3A_362, %swap3A_363], %swap3A_366 {strides = array<i32>} : memref<512x48xf32, #tpu.memory_space<vmem>>, vector<1x16xf32>,
      %get3A_367 = arith.index_cast %squeeze3A_348 : i32 to index
      %get3A_368 = arith.constant 16 : index
      %get3A_369 = tpu.vector_load %arg7[%get3A_367, %get3A_368] {strides = array<i32>} : memref<512x48xf32, #tpu.memory_space<vmem>>, vector<1x16xf32>,
      %get3A_370 = vector.shape_cast %get3A_369 : vector<1x16xf32> to vector<16xf32>
      %get3A_371 = arith.index_cast %add3A_352 : i32 to index
      %get3A_372 = arith.constant 16 : index
      %get3A_373 = tpu.vector_load %arg5[%get3A_371, %get3A_372] {strides = array<i32>} : memref<256x32xf32, #tpu.memory_space<vmem>>, vector<1x16xf32>,
      %get3A_374 = vector.shape_cast %get3A_373 : vector<1x16xf32> to vector<16xf32>
      %add3A_375 = arith.addf %get3A_370, %get3A_374 : vector<16xf32>
      %swap3A_376 = arith.index_cast %squeeze3A_348 : i32 to index
      %swap3A_377 = arith.constant 16 : index
      %swap3A_378 = tpu.vector_load %arg7[%swap3A_376, %swap3A_377] {strides = array<i32>} : memref<512x48xf32, #tpu.memory_space<vmem>>, vector<1x16xf32>,
      %swap3A_379 = vector.shape_cast %swap3A_378 : vector<1x16xf32> to vector<16xf32>
      %swap3A_380 = vector.shape_cast %add3A_375 : vector<16xf32> to vector<1x16xf32>
      tpu.vector_store %arg7[%swap3A_376, %swap3A_377], %swap3A_380 {strides = array<i32>} : memref<512x48xf32, #tpu.memory_space<vmem>>, vector<1x16xf32>,
      %get3A_381 = arith.index_cast %squeeze3A_348 : i32 to index
      %get3A_382 = arith.constant 32 : index
      %get3A_383 = tpu.vector_load %arg7[%get3A_381, %get3A_382] {strides = array<i32>} : memref<512x48xf32, #tpu.memory_space<vmem>>, vector<1x16xf32>,
      %get3A_384 = vector.shape_cast %get3A_383 : vector<1x16xf32> to vector<16xf32>
      %add3A_385 = arith.addf %get3A_384, %broadcast_in_dim3A_3 : vector<16xf32>
      %swap3A_386 = arith.index_cast %squeeze3A_348 : i32 to index
      %swap3A_387 = arith.constant 32 : index
      %swap3A_388 = tpu.vector_load %arg7[%swap3A_386, %swap3A_387] {strides = array<i32>} : memref<512x48xf32, #tpu.memory_space<vmem>>, vector<1x16xf32>,
      %swap3A_389 = vector.shape_cast %swap3A_388 : vector<1x16xf32> to vector<16xf32>
      %swap3A_390 = vector.shape_cast %add3A_385 : vector<16xf32> to vector<1x16xf32>
      tpu.vector_store %arg7[%swap3A_386, %swap3A_387], %swap3A_390 {strides = array<i32>} : memref<512x48xf32, #tpu.memory_space<vmem>>, vector<1x16xf32>,
      %slice3A_391 = vector.extract_strided_slice %get3A_41 {offsets = [8], sizes = [1], strides = [1]} : vector<16xi32> to vector<1xi32>
      %squeeze3A_392 = vector.extract %slice3A_391[0] : i32 from vector<1xi32>
      %mul3A_393 = arith.constant 16 : i32
      %mul3A_394 = arith.muli %scan3A_32, %mul3A_393 : i32
      %add3A_395 = arith.constant 8 : i32
      %add3A_396 = arith.addi %mul3A_394, %add3A_395 : i32
      %get3A_397 = arith.index_cast %squeeze3A_392 : i32 to index
      %get3A_398 = arith.constant 0 : index
      %get3A_399 = tpu.vector_load %arg7[%get3A_397, %get3A_398] {strides = array<i32>} : memref<512x48xf32, #tpu.memory_space<vmem>>, vector<1x16xf32>,
      %get3A_400 = vector.shape_cast %get3A_399 : vector<1x16xf32> to vector<16xf32>
      %get3A_401 = arith.index_cast %add3A_396 : i32 to index
      %get3A_402 = arith.constant 0 : index
      %get3A_403 = tpu.vector_load %arg5[%get3A_401, %get3A_402] {strides = array<i32>} : memref<256x32xf32, #tpu.memory_space<vmem>>, vector<1x16xf32>,
      %get3A_404 = vector.shape_cast %get3A_403 : vector<1x16xf32> to vector<16xf32>
      %add3A_405 = arith.addf %get3A_400, %get3A_404 : vector<16xf32>
      %swap3A_406 = arith.index_cast %squeeze3A_392 : i32 to index
      %swap3A_407 = arith.constant 0 : index
      %swap3A_408 = tpu.vector_load %arg7[%swap3A_406, %swap3A_407] {strides = array<i32>} : memref<512x48xf32, #tpu.memory_space<vmem>>, vector<1x16xf32>,
      %swap3A_409 = vector.shape_cast %swap3A_408 : vector<1x16xf32> to vector<16xf32>
      %swap3A_410 = vector.shape_cast %add3A_405 : vector<16xf32> to vector<1x16xf32>
      tpu.vector_store %arg7[%swap3A_406, %swap3A_407], %swap3A_410 {strides = array<i32>} : memref<512x48xf32, #tpu.memory_space<vmem>>, vector<1x16xf32>,
      %get3A_411 = arith.index_cast %squeeze3A_392 : i32 to index
      %get3A_412 = arith.constant 16 : index
      %get3A_413 = tpu.vector_load %arg7[%get3A_411, %get3A_412] {strides = array<i32>} : memref<512x48xf32, #tpu.memory_space<vmem>>, vector<1x16xf32>,
      %get3A_414 = vector.shape_cast %get3A_413 : vector<1x16xf32> to vector<16xf32>
      %get3A_415 = arith.index_cast %add3A_396 : i32 to index
      %get3A_416 = arith.constant 16 : index
      %get3A_417 = tpu.vector_load %arg5[%get3A_415, %get3A_416] {strides = array<i32>} : memref<256x32xf32, #tpu.memory_space<vmem>>, vector<1x16xf32>,
      %get3A_418 = vector.shape_cast %get3A_417 : vector<1x16xf32> to vector<16xf32>
      %add3A_419 = arith.addf %get3A_414, %get3A_418 : vector<16xf32>
      %swap3A_420 = arith.index_cast %squeeze3A_392 : i32 to index
      %swap3A_421 = arith.constant 16 : index
      %swap3A_422 = tpu.vector_load %arg7[%swap3A_420, %swap3A_421] {strides = array<i32>} : memref<512x48xf32, #tpu.memory_space<vmem>>, vector<1x16xf32>,
      %swap3A_423 = vector.shape_cast %swap3A_422 : vector<1x16xf32> to vector<16xf32>
      %swap3A_424 = vector.shape_cast %add3A_419 : vector<16xf32> to vector<1x16xf32>
      tpu.vector_store %arg7[%swap3A_420, %swap3A_421], %swap3A_424 {strides = array<i32>} : memref<512x48xf32, #tpu.memory_space<vmem>>, vector<1x16xf32>,
      %get3A_425 = arith.index_cast %squeeze3A_392 : i32 to index
      %get3A_426 = arith.constant 32 : index
      %get3A_427 = tpu.vector_load %arg7[%get3A_425, %get3A_426] {strides = array<i32>} : memref<512x48xf32, #tpu.memory_space<vmem>>, vector<1x16xf32>,
      %get3A_428 = vector.shape_cast %get3A_427 : vector<1x16xf32> to vector<16xf32>
      %add3A_429 = arith.addf %get3A_428, %broadcast_in_dim3A_3 : vector<16xf32>
      %swap3A_430 = arith.index_cast %squeeze3A_392 : i32 to index
      %swap3A_431 = arith.constant 32 : index
      %swap3A_432 = tpu.vector_load %arg7[%swap3A_430, %swap3A_431] {strides = array<i32>} : memref<512x48xf32, #tpu.memory_space<vmem>>, vector<1x16xf32>,
      %swap3A_433 = vector.shape_cast %swap3A_432 : vector<1x16xf32> to vector<16xf32>
      %swap3A_434 = vector.shape_cast %add3A_429 : vector<16xf32> to vector<1x16xf32>
      tpu.vector_store %arg7[%swap3A_430, %swap3A_431], %swap3A_434 {strides = array<i32>} : memref<512x48xf32, #tpu.memory_space<vmem>>, vector<1x16xf32>,
      %slice3A_435 = vector.extract_strided_slice %get3A_41 {offsets = [9], sizes = [1], strides = [1]} : vector<16xi32> to vector<1xi32>
      %squeeze3A_436 = vector.extract %slice3A_435[0] : i32 from vector<1xi32>
      %mul3A_437 = arith.constant 16 : i32
      %mul3A_438 = arith.muli %scan3A_32, %mul3A_437 : i32
      %add3A_439 = arith.constant 9 : i32
      %add3A_440 = arith.addi %mul3A_438, %add3A_439 : i32
      %get3A_441 = arith.index_cast %squeeze3A_436 : i32 to index
      %get3A_442 = arith.constant 0 : index
      %get3A_443 = tpu.vector_load %arg7[%get3A_441, %get3A_442] {strides = array<i32>} : memref<512x48xf32, #tpu.memory_space<vmem>>, vector<1x16xf32>,
      %get3A_444 = vector.shape_cast %get3A_443 : vector<1x16xf32> to vector<16xf32>
      %get3A_445 = arith.index_cast %add3A_440 : i32 to index
      %get3A_446 = arith.constant 0 : index
      %get3A_447 = tpu.vector_load %arg5[%get3A_445, %get3A_446] {strides = array<i32>} : memref<256x32xf32, #tpu.memory_space<vmem>>, vector<1x16xf32>,
      %get3A_448 = vector.shape_cast %get3A_447 : vector<1x16xf32> to vector<16xf32>
      %add3A_449 = arith.addf %get3A_444, %get3A_448 : vector<16xf32>
      %swap3A_450 = arith.index_cast %squeeze3A_436 : i32 to index
      %swap3A_451 = arith.constant 0 : index
      %swap3A_452 = tpu.vector_load %arg7[%swap3A_450, %swap3A_451] {strides = array<i32>} : memref<512x48xf32, #tpu.memory_space<vmem>>, vector<1x16xf32>,
      %swap3A_453 = vector.shape_cast %swap3A_452 : vector<1x16xf32> to vector<16xf32>
      %swap3A_454 = vector.shape_cast %add3A_449 : vector<16xf32> to vector<1x16xf32>
      tpu.vector_store %arg7[%swap3A_450, %swap3A_451], %swap3A_454 {strides = array<i32>} : memref<512x48xf32, #tpu.memory_space<vmem>>, vector<1x16xf32>,
      %get3A_455 = arith.index_cast %squeeze3A_436 : i32 to index
      %get3A_456 = arith.constant 16 : index
      %get3A_457 = tpu.vector_load %arg7[%get3A_455, %get3A_456] {strides = array<i32>} : memref<512x48xf32, #tpu.memory_space<vmem>>, vector<1x16xf32>,
      %get3A_458 = vector.shape_cast %get3A_457 : vector<1x16xf32> to vector<16xf32>
      %get3A_459 = arith.index_cast %add3A_440 : i32 to index
      %get3A_460 = arith.constant 16 : index
      %get3A_461 = tpu.vector_load %arg5[%get3A_459, %get3A_460] {strides = array<i32>} : memref<256x32xf32, #tpu.memory_space<vmem>>, vector<1x16xf32>,
      %get3A_462 = vector.shape_cast %get3A_461 : vector<1x16xf32> to vector<16xf32>
      %add3A_463 = arith.addf %get3A_458, %get3A_462 : vector<16xf32>
      %swap3A_464 = arith.index_cast %squeeze3A_436 : i32 to index
      %swap3A_465 = arith.constant 16 : index
      %swap3A_466 = tpu.vector_load %arg7[%swap3A_464, %swap3A_465] {strides = array<i32>} : memref<512x48xf32, #tpu.memory_space<vmem>>, vector<1x16xf32>,
      %swap3A_467 = vector.shape_cast %swap3A_466 : vector<1x16xf32> to vector<16xf32>
      %swap3A_468 = vector.shape_cast %add3A_463 : vector<16xf32> to vector<1x16xf32>
      tpu.vector_store %arg7[%swap3A_464, %swap3A_465], %swap3A_468 {strides = array<i32>} : memref<512x48xf32, #tpu.memory_space<vmem>>, vector<1x16xf32>,
      %get3A_469 = arith.index_cast %squeeze3A_436 : i32 to index
      %get3A_470 = arith.constant 32 : index
      %get3A_471 = tpu.vector_load %arg7[%get3A_469, %get3A_470] {strides = array<i32>} : memref<512x48xf32, #tpu.memory_space<vmem>>, vector<1x16xf32>,
      %get3A_472 = vector.shape_cast %get3A_471 : vector<1x16xf32> to vector<16xf32>
      %add3A_473 = arith.addf %get3A_472, %broadcast_in_dim3A_3 : vector<16xf32>
      %swap3A_474 = arith.index_cast %squeeze3A_436 : i32 to index
      %swap3A_475 = arith.constant 32 : index
      %swap3A_476 = tpu.vector_load %arg7[%swap3A_474, %swap3A_475] {strides = array<i32>} : memref<512x48xf32, #tpu.memory_space<vmem>>, vector<1x16xf32>,
      %swap3A_477 = vector.shape_cast %swap3A_476 : vector<1x16xf32> to vector<16xf32>
      %swap3A_478 = vector.shape_cast %add3A_473 : vector<16xf32> to vector<1x16xf32>
      tpu.vector_store %arg7[%swap3A_474, %swap3A_475], %swap3A_478 {strides = array<i32>} : memref<512x48xf32, #tpu.memory_space<vmem>>, vector<1x16xf32>,
      %slice3A_479 = vector.extract_strided_slice %get3A_41 {offsets = [10], sizes = [1], strides = [1]} : vector<16xi32> to vector<1xi32>
      %squeeze3A_480 = vector.extract %slice3A_479[0] : i32 from vector<1xi32>
      %mul3A_481 = arith.constant 16 : i32
      %mul3A_482 = arith.muli %scan3A_32, %mul3A_481 : i32
      %add3A_483 = arith.constant 10 : i32
      %add3A_484 = arith.addi %mul3A_482, %add3A_483 : i32
      %get3A_485 = arith.index_cast %squeeze3A_480 : i32 to index
      %get3A_486 = arith.constant 0 : index
      %get3A_487 = tpu.vector_load %arg7[%get3A_485, %get3A_486] {strides = array<i32>} : memref<512x48xf32, #tpu.memory_space<vmem>>, vector<1x16xf32>,
      %get3A_488 = vector.shape_cast %get3A_487 : vector<1x16xf32> to vector<16xf32>
      %get3A_489 = arith.index_cast %add3A_484 : i32 to index
      %get3A_490 = arith.constant 0 : index
      %get3A_491 = tpu.vector_load %arg5[%get3A_489, %get3A_490] {strides = array<i32>} : memref<256x32xf32, #tpu.memory_space<vmem>>, vector<1x16xf32>,
      %get3A_492 = vector.shape_cast %get3A_491 : vector<1x16xf32> to vector<16xf32>
      %add3A_493 = arith.addf %get3A_488, %get3A_492 : vector<16xf32>
      %swap3A_494 = arith.index_cast %squeeze3A_480 : i32 to index
      %swap3A_495 = arith.constant 0 : index
      %swap3A_496 = tpu.vector_load %arg7[%swap3A_494, %swap3A_495] {strides = array<i32>} : memref<512x48xf32, #tpu.memory_space<vmem>>, vector<1x16xf32>,
      %swap3A_497 = vector.shape_cast %swap3A_496 : vector<1x16xf32> to vector<16xf32>
      %swap3A_498 = vector.shape_cast %add3A_493 : vector<16xf32> to vector<1x16xf32>
      tpu.vector_store %arg7[%swap3A_494, %swap3A_495], %swap3A_498 {strides = array<i32>} : memref<512x48xf32, #tpu.memory_space<vmem>>, vector<1x16xf32>,
      %get3A_499 = arith.index_cast %squeeze3A_480 : i32 to index
      %get3A_500 = arith.constant 16 : index
      %get3A_501 = tpu.vector_load %arg7[%get3A_499, %get3A_500] {strides = array<i32>} : memref<512x48xf32, #tpu.memory_space<vmem>>, vector<1x16xf32>,
      %get3A_502 = vector.shape_cast %get3A_501 : vector<1x16xf32> to vector<16xf32>
      %get3A_503 = arith.index_cast %add3A_484 : i32 to index
      %get3A_504 = arith.constant 16 : index
      %get3A_505 = tpu.vector_load %arg5[%get3A_503, %get3A_504] {strides = array<i32>} : memref<256x32xf32, #tpu.memory_space<vmem>>, vector<1x16xf32>,
      %get3A_506 = vector.shape_cast %get3A_505 : vector<1x16xf32> to vector<16xf32>
      %add3A_507 = arith.addf %get3A_502, %get3A_506 : vector<16xf32>
      %swap3A_508 = arith.index_cast %squeeze3A_480 : i32 to index
      %swap3A_509 = arith.constant 16 : index
      %swap3A_510 = tpu.vector_load %arg7[%swap3A_508, %swap3A_509] {strides = array<i32>} : memref<512x48xf32, #tpu.memory_space<vmem>>, vector<1x16xf32>,
      %swap3A_511 = vector.shape_cast %swap3A_510 : vector<1x16xf32> to vector<16xf32>
      %swap3A_512 = vector.shape_cast %add3A_507 : vector<16xf32> to vector<1x16xf32>
      tpu.vector_store %arg7[%swap3A_508, %swap3A_509], %swap3A_512 {strides = array<i32>} : memref<512x48xf32, #tpu.memory_space<vmem>>, vector<1x16xf32>,
      %get3A_513 = arith.index_cast %squeeze3A_480 : i32 to index
      %get3A_514 = arith.constant 32 : index
      %get3A_515 = tpu.vector_load %arg7[%get3A_513, %get3A_514] {strides = array<i32>} : memref<512x48xf32, #tpu.memory_space<vmem>>, vector<1x16xf32>,
      %get3A_516 = vector.shape_cast %get3A_515 : vector<1x16xf32> to vector<16xf32>
      %add3A_517 = arith.addf %get3A_516, %broadcast_in_dim3A_3 : vector<16xf32>
      %swap3A_518 = arith.index_cast %squeeze3A_480 : i32 to index
      %swap3A_519 = arith.constant 32 : index
      %swap3A_520 = tpu.vector_load %arg7[%swap3A_518, %swap3A_519] {strides = array<i32>} : memref<512x48xf32, #tpu.memory_space<vmem>>, vector<1x16xf32>,
      %swap3A_521 = vector.shape_cast %swap3A_520 : vector<1x16xf32> to vector<16xf32>
      %swap3A_522 = vector.shape_cast %add3A_517 : vector<16xf32> to vector<1x16xf32>
      tpu.vector_store %arg7[%swap3A_518, %swap3A_519], %swap3A_522 {strides = array<i32>} : memref<512x48xf32, #tpu.memory_space<vmem>>, vector<1x16xf32>,
      %slice3A_523 = vector.extract_strided_slice %get3A_41 {offsets = [11], sizes = [1], strides = [1]} : vector<16xi32> to vector<1xi32>
      %squeeze3A_524 = vector.extract %slice3A_523[0] : i32 from vector<1xi32>
      %mul3A_525 = arith.constant 16 : i32
      %mul3A_526 = arith.muli %scan3A_32, %mul3A_525 : i32
      %add3A_527 = arith.constant 11 : i32
      %add3A_528 = arith.addi %mul3A_526, %add3A_527 : i32
      %get3A_529 = arith.index_cast %squeeze3A_524 : i32 to index
      %get3A_530 = arith.constant 0 : index
      %get3A_531 = tpu.vector_load %arg7[%get3A_529, %get3A_530] {strides = array<i32>} : memref<512x48xf32, #tpu.memory_space<vmem>>, vector<1x16xf32>,
      %get3A_532 = vector.shape_cast %get3A_531 : vector<1x16xf32> to vector<16xf32>
      %get3A_533 = arith.index_cast %add3A_528 : i32 to index
      %get3A_534 = arith.constant 0 : index
      %get3A_535 = tpu.vector_load %arg5[%get3A_533, %get3A_534] {strides = array<i32>} : memref<256x32xf32, #tpu.memory_space<vmem>>, vector<1x16xf32>,
      %get3A_536 = vector.shape_cast %get3A_535 : vector<1x16xf32> to vector<16xf32>
      %add3A_537 = arith.addf %get3A_532, %get3A_536 : vector<16xf32>
      %swap3A_538 = arith.index_cast %squeeze3A_524 : i32 to index
      %swap3A_539 = arith.constant 0 : index
      %swap3A_540 = tpu.vector_load %arg7[%swap3A_538, %swap3A_539] {strides = array<i32>} : memref<512x48xf32, #tpu.memory_space<vmem>>, vector<1x16xf32>,
      %swap3A_541 = vector.shape_cast %swap3A_540 : vector<1x16xf32> to vector<16xf32>
      %swap3A_542 = vector.shape_cast %add3A_537 : vector<16xf32> to vector<1x16xf32>
      tpu.vector_store %arg7[%swap3A_538, %swap3A_539], %swap3A_542 {strides = array<i32>} : memref<512x48xf32, #tpu.memory_space<vmem>>, vector<1x16xf32>,
      %get3A_543 = arith.index_cast %squeeze3A_524 : i32 to index
      %get3A_544 = arith.constant 16 : index
      %get3A_545 = tpu.vector_load %arg7[%get3A_543, %get3A_544] {strides = array<i32>} : memref<512x48xf32, #tpu.memory_space<vmem>>, vector<1x16xf32>,
      %get3A_546 = vector.shape_cast %get3A_545 : vector<1x16xf32> to vector<16xf32>
      %get3A_547 = arith.index_cast %add3A_528 : i32 to index
      %get3A_548 = arith.constant 16 : index
      %get3A_549 = tpu.vector_load %arg5[%get3A_547, %get3A_548] {strides = array<i32>} : memref<256x32xf32, #tpu.memory_space<vmem>>, vector<1x16xf32>,
      %get3A_550 = vector.shape_cast %get3A_549 : vector<1x16xf32> to vector<16xf32>
      %add3A_551 = arith.addf %get3A_546, %get3A_550 : vector<16xf32>
      %swap3A_552 = arith.index_cast %squeeze3A_524 : i32 to index
      %swap3A_553 = arith.constant 16 : index
      %swap3A_554 = tpu.vector_load %arg7[%swap3A_552, %swap3A_553] {strides = array<i32>} : memref<512x48xf32, #tpu.memory_space<vmem>>, vector<1x16xf32>,
      %swap3A_555 = vector.shape_cast %swap3A_554 : vector<1x16xf32> to vector<16xf32>
      %swap3A_556 = vector.shape_cast %add3A_551 : vector<16xf32> to vector<1x16xf32>
      tpu.vector_store %arg7[%swap3A_552, %swap3A_553], %swap3A_556 {strides = array<i32>} : memref<512x48xf32, #tpu.memory_space<vmem>>, vector<1x16xf32>,
      %get3A_557 = arith.index_cast %squeeze3A_524 : i32 to index
      %get3A_558 = arith.constant 32 : index
      %get3A_559 = tpu.vector_load %arg7[%get3A_557, %get3A_558] {strides = array<i32>} : memref<512x48xf32, #tpu.memory_space<vmem>>, vector<1x16xf32>,
      %get3A_560 = vector.shape_cast %get3A_559 : vector<1x16xf32> to vector<16xf32>
      %add3A_561 = arith.addf %get3A_560, %broadcast_in_dim3A_3 : vector<16xf32>
      %swap3A_562 = arith.index_cast %squeeze3A_524 : i32 to index
      %swap3A_563 = arith.constant 32 : index
      %swap3A_564 = tpu.vector_load %arg7[%swap3A_562, %swap3A_563] {strides = array<i32>} : memref<512x48xf32, #tpu.memory_space<vmem>>, vector<1x16xf32>,
      %swap3A_565 = vector.shape_cast %swap3A_564 : vector<1x16xf32> to vector<16xf32>
      %swap3A_566 = vector.shape_cast %add3A_561 : vector<16xf32> to vector<1x16xf32>
      tpu.vector_store %arg7[%swap3A_562, %swap3A_563], %swap3A_566 {strides = array<i32>} : memref<512x48xf32, #tpu.memory_space<vmem>>, vector<1x16xf32>,
      %slice3A_567 = vector.extract_strided_slice %get3A_41 {offsets = [12], sizes = [1], strides = [1]} : vector<16xi32> to vector<1xi32>
      %squeeze3A_568 = vector.extract %slice3A_567[0] : i32 from vector<1xi32>
      %mul3A_569 = arith.constant 16 : i32
      %mul3A_570 = arith.muli %scan3A_32, %mul3A_569 : i32
      %add3A_571 = arith.constant 12 : i32
      %add3A_572 = arith.addi %mul3A_570, %add3A_571 : i32
      %get3A_573 = arith.index_cast %squeeze3A_568 : i32 to index
      %get3A_574 = arith.constant 0 : index
      %get3A_575 = tpu.vector_load %arg7[%get3A_573, %get3A_574] {strides = array<i32>} : memref<512x48xf32, #tpu.memory_space<vmem>>, vector<1x16xf32>,
      %get3A_576 = vector.shape_cast %get3A_575 : vector<1x16xf32> to vector<16xf32>
      %get3A_577 = arith.index_cast %add3A_572 : i32 to index
      %get3A_578 = arith.constant 0 : index
      %get3A_579 = tpu.vector_load %arg5[%get3A_577, %get3A_578] {strides = array<i32>} : memref<256x32xf32, #tpu.memory_space<vmem>>, vector<1x16xf32>,
      %get3A_580 = vector.shape_cast %get3A_579 : vector<1x16xf32> to vector<16xf32>
      %add3A_581 = arith.addf %get3A_576, %get3A_580 : vector<16xf32>
      %swap3A_582 = arith.index_cast %squeeze3A_568 : i32 to index
      %swap3A_583 = arith.constant 0 : index
      %swap3A_584 = tpu.vector_load %arg7[%swap3A_582, %swap3A_583] {strides = array<i32>} : memref<512x48xf32, #tpu.memory_space<vmem>>, vector<1x16xf32>,
      %swap3A_585 = vector.shape_cast %swap3A_584 : vector<1x16xf32> to vector<16xf32>
      %swap3A_586 = vector.shape_cast %add3A_581 : vector<16xf32> to vector<1x16xf32>
      tpu.vector_store %arg7[%swap3A_582, %swap3A_583], %swap3A_586 {strides = array<i32>} : memref<512x48xf32, #tpu.memory_space<vmem>>, vector<1x16xf32>,
      %get3A_587 = arith.index_cast %squeeze3A_568 : i32 to index
      %get3A_588 = arith.constant 16 : index
      %get3A_589 = tpu.vector_load %arg7[%get3A_587, %get3A_588] {strides = array<i32>} : memref<512x48xf32, #tpu.memory_space<vmem>>, vector<1x16xf32>,
      %get3A_590 = vector.shape_cast %get3A_589 : vector<1x16xf32> to vector<16xf32>
      %get3A_591 = arith.index_cast %add3A_572 : i32 to index
      %get3A_592 = arith.constant 16 : index
      %get3A_593 = tpu.vector_load %arg5[%get3A_591, %get3A_592] {strides = array<i32>} : memref<256x32xf32, #tpu.memory_space<vmem>>, vector<1x16xf32>,
      %get3A_594 = vector.shape_cast %get3A_593 : vector<1x16xf32> to vector<16xf32>
      %add3A_595 = arith.addf %get3A_590, %get3A_594 : vector<16xf32>
      %swap3A_596 = arith.index_cast %squeeze3A_568 : i32 to index
      %swap3A_597 = arith.constant 16 : index
      %swap3A_598 = tpu.vector_load %arg7[%swap3A_596, %swap3A_597] {strides = array<i32>} : memref<512x48xf32, #tpu.memory_space<vmem>>, vector<1x16xf32>,
      %swap3A_599 = vector.shape_cast %swap3A_598 : vector<1x16xf32> to vector<16xf32>
      %swap3A_600 = vector.shape_cast %add3A_595 : vector<16xf32> to vector<1x16xf32>
      tpu.vector_store %arg7[%swap3A_596, %swap3A_597], %swap3A_600 {strides = array<i32>} : memref<512x48xf32, #tpu.memory_space<vmem>>, vector<1x16xf32>,
      %get3A_601 = arith.index_cast %squeeze3A_568 : i32 to index
      %get3A_602 = arith.constant 32 : index
      %get3A_603 = tpu.vector_load %arg7[%get3A_601, %get3A_602] {strides = array<i32>} : memref<512x48xf32, #tpu.memory_space<vmem>>, vector<1x16xf32>,
      %get3A_604 = vector.shape_cast %get3A_603 : vector<1x16xf32> to vector<16xf32>
      %add3A_605 = arith.addf %get3A_604, %broadcast_in_dim3A_3 : vector<16xf32>
      %swap3A_606 = arith.index_cast %squeeze3A_568 : i32 to index
      %swap3A_607 = arith.constant 32 : index
      %swap3A_608 = tpu.vector_load %arg7[%swap3A_606, %swap3A_607] {strides = array<i32>} : memref<512x48xf32, #tpu.memory_space<vmem>>, vector<1x16xf32>,
      %swap3A_609 = vector.shape_cast %swap3A_608 : vector<1x16xf32> to vector<16xf32>
      %swap3A_610 = vector.shape_cast %add3A_605 : vector<16xf32> to vector<1x16xf32>
      tpu.vector_store %arg7[%swap3A_606, %swap3A_607], %swap3A_610 {strides = array<i32>} : memref<512x48xf32, #tpu.memory_space<vmem>>, vector<1x16xf32>,
      %slice3A_611 = vector.extract_strided_slice %get3A_41 {offsets = [13], sizes = [1], strides = [1]} : vector<16xi32> to vector<1xi32>
      %squeeze3A_612 = vector.extract %slice3A_611[0] : i32 from vector<1xi32>
      %mul3A_613 = arith.constant 16 : i32
      %mul3A_614 = arith.muli %scan3A_32, %mul3A_613 : i32
      %add3A_615 = arith.constant 13 : i32
      %add3A_616 = arith.addi %mul3A_614, %add3A_615 : i32
      %get3A_617 = arith.index_cast %squeeze3A_612 : i32 to index
      %get3A_618 = arith.constant 0 : index
      %get3A_619 = tpu.vector_load %arg7[%get3A_617, %get3A_618] {strides = array<i32>} : memref<512x48xf32, #tpu.memory_space<vmem>>, vector<1x16xf32>,
      %get3A_620 = vector.shape_cast %get3A_619 : vector<1x16xf32> to vector<16xf32>
      %get3A_621 = arith.index_cast %add3A_616 : i32 to index
      %get3A_622 = arith.constant 0 : index
      %get3A_623 = tpu.vector_load %arg5[%get3A_621, %get3A_622] {strides = array<i32>} : memref<256x32xf32, #tpu.memory_space<vmem>>, vector<1x16xf32>,
      %get3A_624 = vector.shape_cast %get3A_623 : vector<1x16xf32> to vector<16xf32>
      %add3A_625 = arith.addf %get3A_620, %get3A_624 : vector<16xf32>
      %swap3A_626 = arith.index_cast %squeeze3A_612 : i32 to index
      %swap3A_627 = arith.constant 0 : index
      %swap3A_628 = tpu.vector_load %arg7[%swap3A_626, %swap3A_627] {strides = array<i32>} : memref<512x48xf32, #tpu.memory_space<vmem>>, vector<1x16xf32>,
      %swap3A_629 = vector.shape_cast %swap3A_628 : vector<1x16xf32> to vector<16xf32>
      %swap3A_630 = vector.shape_cast %add3A_625 : vector<16xf32> to vector<1x16xf32>
      tpu.vector_store %arg7[%swap3A_626, %swap3A_627], %swap3A_630 {strides = array<i32>} : memref<512x48xf32, #tpu.memory_space<vmem>>, vector<1x16xf32>,
      %get3A_631 = arith.index_cast %squeeze3A_612 : i32 to index
      %get3A_632 = arith.constant 16 : index
      %get3A_633 = tpu.vector_load %arg7[%get3A_631, %get3A_632] {strides = array<i32>} : memref<512x48xf32, #tpu.memory_space<vmem>>, vector<1x16xf32>,
      %get3A_634 = vector.shape_cast %get3A_633 : vector<1x16xf32> to vector<16xf32>
      %get3A_635 = arith.index_cast %add3A_616 : i32 to index
      %get3A_636 = arith.constant 16 : index
      %get3A_637 = tpu.vector_load %arg5[%get3A_635, %get3A_636] {strides = array<i32>} : memref<256x32xf32, #tpu.memory_space<vmem>>, vector<1x16xf32>,
      %get3A_638 = vector.shape_cast %get3A_637 : vector<1x16xf32> to vector<16xf32>
      %add3A_639 = arith.addf %get3A_634, %get3A_638 : vector<16xf32>
      %swap3A_640 = arith.index_cast %squeeze3A_612 : i32 to index
      %swap3A_641 = arith.constant 16 : index
      %swap3A_642 = tpu.vector_load %arg7[%swap3A_640, %swap3A_641] {strides = array<i32>} : memref<512x48xf32, #tpu.memory_space<vmem>>, vector<1x16xf32>,
      %swap3A_643 = vector.shape_cast %swap3A_642 : vector<1x16xf32> to vector<16xf32>
      %swap3A_644 = vector.shape_cast %add3A_639 : vector<16xf32> to vector<1x16xf32>
      tpu.vector_store %arg7[%swap3A_640, %swap3A_641], %swap3A_644 {strides = array<i32>} : memref<512x48xf32, #tpu.memory_space<vmem>>, vector<1x16xf32>,
      %get3A_645 = arith.index_cast %squeeze3A_612 : i32 to index
      %get3A_646 = arith.constant 32 : index
      %get3A_647 = tpu.vector_load %arg7[%get3A_645, %get3A_646] {strides = array<i32>} : memref<512x48xf32, #tpu.memory_space<vmem>>, vector<1x16xf32>,
      %get3A_648 = vector.shape_cast %get3A_647 : vector<1x16xf32> to vector<16xf32>
      %add3A_649 = arith.addf %get3A_648, %broadcast_in_dim3A_3 : vector<16xf32>
      %swap3A_650 = arith.index_cast %squeeze3A_612 : i32 to index
      %swap3A_651 = arith.constant 32 : index
      %swap3A_652 = tpu.vector_load %arg7[%swap3A_650, %swap3A_651] {strides = array<i32>} : memref<512x48xf32, #tpu.memory_space<vmem>>, vector<1x16xf32>,
      %swap3A_653 = vector.shape_cast %swap3A_652 : vector<1x16xf32> to vector<16xf32>
      %swap3A_654 = vector.shape_cast %add3A_649 : vector<16xf32> to vector<1x16xf32>
      tpu.vector_store %arg7[%swap3A_650, %swap3A_651], %swap3A_654 {strides = array<i32>} : memref<512x48xf32, #tpu.memory_space<vmem>>, vector<1x16xf32>,
      %slice3A_655 = vector.extract_strided_slice %get3A_41 {offsets = [14], sizes = [1], strides = [1]} : vector<16xi32> to vector<1xi32>
      %squeeze3A_656 = vector.extract %slice3A_655[0] : i32 from vector<1xi32>
      %mul3A_657 = arith.constant 16 : i32
      %mul3A_658 = arith.muli %scan3A_32, %mul3A_657 : i32
      %add3A_659 = arith.constant 14 : i32
      %add3A_660 = arith.addi %mul3A_658, %add3A_659 : i32
      %get3A_661 = arith.index_cast %squeeze3A_656 : i32 to index
      %get3A_662 = arith.constant 0 : index
      %get3A_663 = tpu.vector_load %arg7[%get3A_661, %get3A_662] {strides = array<i32>} : memref<512x48xf32, #tpu.memory_space<vmem>>, vector<1x16xf32>,
      %get3A_664 = vector.shape_cast %get3A_663 : vector<1x16xf32> to vector<16xf32>
      %get3A_665 = arith.index_cast %add3A_660 : i32 to index
      %get3A_666 = arith.constant 0 : index
      %get3A_667 = tpu.vector_load %arg5[%get3A_665, %get3A_666] {strides = array<i32>} : memref<256x32xf32, #tpu.memory_space<vmem>>, vector<1x16xf32>,
      %get3A_668 = vector.shape_cast %get3A_667 : vector<1x16xf32> to vector<16xf32>
      %add3A_669 = arith.addf %get3A_664, %get3A_668 : vector<16xf32>
      %swap3A_670 = arith.index_cast %squeeze3A_656 : i32 to index
      %swap3A_671 = arith.constant 0 : index
      %swap3A_672 = tpu.vector_load %arg7[%swap3A_670, %swap3A_671] {strides = array<i32>} : memref<512x48xf32, #tpu.memory_space<vmem>>, vector<1x16xf32>,
      %swap3A_673 = vector.shape_cast %swap3A_672 : vector<1x16xf32> to vector<16xf32>
      %swap3A_674 = vector.shape_cast %add3A_669 : vector<16xf32> to vector<1x16xf32>
      tpu.vector_store %arg7[%swap3A_670, %swap3A_671], %swap3A_674 {strides = array<i32>} : memref<512x48xf32, #tpu.memory_space<vmem>>, vector<1x16xf32>,
      %get3A_675 = arith.index_cast %squeeze3A_656 : i32 to index
      %get3A_676 = arith.constant 16 : index
      %get3A_677 = tpu.vector_load %arg7[%get3A_675, %get3A_676] {strides = array<i32>} : memref<512x48xf32, #tpu.memory_space<vmem>>, vector<1x16xf32>,
      %get3A_678 = vector.shape_cast %get3A_677 : vector<1x16xf32> to vector<16xf32>
      %get3A_679 = arith.index_cast %add3A_660 : i32 to index
      %get3A_680 = arith.constant 16 : index
      %get3A_681 = tpu.vector_load %arg5[%get3A_679, %get3A_680] {strides = array<i32>} : memref<256x32xf32, #tpu.memory_space<vmem>>, vector<1x16xf32>,
      %get3A_682 = vector.shape_cast %get3A_681 : vector<1x16xf32> to vector<16xf32>
      %add3A_683 = arith.addf %get3A_678, %get3A_682 : vector<16xf32>
      %swap3A_684 = arith.index_cast %squeeze3A_656 : i32 to index
      %swap3A_685 = arith.constant 16 : index
      %swap3A_686 = tpu.vector_load %arg7[%swap3A_684, %swap3A_685] {strides = array<i32>} : memref<512x48xf32, #tpu.memory_space<vmem>>, vector<1x16xf32>,
      %swap3A_687 = vector.shape_cast %swap3A_686 : vector<1x16xf32> to vector<16xf32>
      %swap3A_688 = vector.shape_cast %add3A_683 : vector<16xf32> to vector<1x16xf32>
      tpu.vector_store %arg7[%swap3A_684, %swap3A_685], %swap3A_688 {strides = array<i32>} : memref<512x48xf32, #tpu.memory_space<vmem>>, vector<1x16xf32>,
      %get3A_689 = arith.index_cast %squeeze3A_656 : i32 to index
      %get3A_690 = arith.constant 32 : index
      %get3A_691 = tpu.vector_load %arg7[%get3A_689, %get3A_690] {strides = array<i32>} : memref<512x48xf32, #tpu.memory_space<vmem>>, vector<1x16xf32>,
      %get3A_692 = vector.shape_cast %get3A_691 : vector<1x16xf32> to vector<16xf32>
      %add3A_693 = arith.addf %get3A_692, %broadcast_in_dim3A_3 : vector<16xf32>
      %swap3A_694 = arith.index_cast %squeeze3A_656 : i32 to index
      %swap3A_695 = arith.constant 32 : index
      %swap3A_696 = tpu.vector_load %arg7[%swap3A_694, %swap3A_695] {strides = array<i32>} : memref<512x48xf32, #tpu.memory_space<vmem>>, vector<1x16xf32>,
      %swap3A_697 = vector.shape_cast %swap3A_696 : vector<1x16xf32> to vector<16xf32>
      %swap3A_698 = vector.shape_cast %add3A_693 : vector<16xf32> to vector<1x16xf32>
      tpu.vector_store %arg7[%swap3A_694, %swap3A_695], %swap3A_698 {strides = array<i32>} : memref<512x48xf32, #tpu.memory_space<vmem>>, vector<1x16xf32>,
      %slice3A_699 = vector.extract_strided_slice %get3A_41 {offsets = [15], sizes = [1], strides = [1]} : vector<16xi32> to vector<1xi32>
      %squeeze3A_700 = vector.extract %slice3A_699[0] : i32 from vector<1xi32>
      %mul3A_701 = arith.constant 16 : i32
      %mul3A_702 = arith.muli %scan3A_32, %mul3A_701 : i32
      %add3A_703 = arith.constant 15 : i32
      %add3A_704 = arith.addi %mul3A_702, %add3A_703 : i32
      %get3A_705 = arith.index_cast %squeeze3A_700 : i32 to index
      %get3A_706 = arith.constant 0 : index
      %get3A_707 = tpu.vector_load %arg7[%get3A_705, %get3A_706] {strides = array<i32>} : memref<512x48xf32, #tpu.memory_space<vmem>>, vector<1x16xf32>,
      %get3A_708 = vector.shape_cast %get3A_707 : vector<1x16xf32> to vector<16xf32>
      %get3A_709 = arith.index_cast %add3A_704 : i32 to index
      %get3A_710 = arith.constant 0 : index
      %get3A_711 = tpu.vector_load %arg5[%get3A_709, %get3A_710] {strides = array<i32>} : memref<256x32xf32, #tpu.memory_space<vmem>>, vector<1x16xf32>,
      %get3A_712 = vector.shape_cast %get3A_711 : vector<1x16xf32> to vector<16xf32>
      %add3A_713 = arith.addf %get3A_708, %get3A_712 : vector<16xf32>
      %swap3A_714 = arith.index_cast %squeeze3A_700 : i32 to index
      %swap3A_715 = arith.constant 0 : index
      %swap3A_716 = tpu.vector_load %arg7[%swap3A_714, %swap3A_715] {strides = array<i32>} : memref<512x48xf32, #tpu.memory_space<vmem>>, vector<1x16xf32>,
      %swap3A_717 = vector.shape_cast %swap3A_716 : vector<1x16xf32> to vector<16xf32>
      %swap3A_718 = vector.shape_cast %add3A_713 : vector<16xf32> to vector<1x16xf32>
      tpu.vector_store %arg7[%swap3A_714, %swap3A_715], %swap3A_718 {strides = array<i32>} : memref<512x48xf32, #tpu.memory_space<vmem>>, vector<1x16xf32>,
      %get3A_719 = arith.index_cast %squeeze3A_700 : i32 to index
      %get3A_720 = arith.constant 16 : index
      %get3A_721 = tpu.vector_load %arg7[%get3A_719, %get3A_720] {strides = array<i32>} : memref<512x48xf32, #tpu.memory_space<vmem>>, vector<1x16xf32>,
      %get3A_722 = vector.shape_cast %get3A_721 : vector<1x16xf32> to vector<16xf32>
      %get3A_723 = arith.index_cast %add3A_704 : i32 to index
      %get3A_724 = arith.constant 16 : index
      %get3A_725 = tpu.vector_load %arg5[%get3A_723, %get3A_724] {strides = array<i32>} : memref<256x32xf32, #tpu.memory_space<vmem>>, vector<1x16xf32>,
      %get3A_726 = vector.shape_cast %get3A_725 : vector<1x16xf32> to vector<16xf32>
      %add3A_727 = arith.addf %get3A_722, %get3A_726 : vector<16xf32>
      %swap3A_728 = arith.index_cast %squeeze3A_700 : i32 to index
      %swap3A_729 = arith.constant 16 : index
      %swap3A_730 = tpu.vector_load %arg7[%swap3A_728, %swap3A_729] {strides = array<i32>} : memref<512x48xf32, #tpu.memory_space<vmem>>, vector<1x16xf32>,
      %swap3A_731 = vector.shape_cast %swap3A_730 : vector<1x16xf32> to vector<16xf32>
      %swap3A_732 = vector.shape_cast %add3A_727 : vector<16xf32> to vector<1x16xf32>
      tpu.vector_store %arg7[%swap3A_728, %swap3A_729], %swap3A_732 {strides = array<i32>} : memref<512x48xf32, #tpu.memory_space<vmem>>, vector<1x16xf32>,
      %get3A_733 = arith.index_cast %squeeze3A_700 : i32 to index
      %get3A_734 = arith.constant 32 : index
      %get3A_735 = tpu.vector_load %arg7[%get3A_733, %get3A_734] {strides = array<i32>} : memref<512x48xf32, #tpu.memory_space<vmem>>, vector<1x16xf32>,
      %get3A_736 = vector.shape_cast %get3A_735 : vector<1x16xf32> to vector<16xf32>
      %add3A_737 = arith.addf %get3A_736, %broadcast_in_dim3A_3 : vector<16xf32>
      %swap3A_738 = arith.index_cast %squeeze3A_700 : i32 to index
      %swap3A_739 = arith.constant 32 : index
      %swap3A_740 = tpu.vector_load %arg7[%swap3A_738, %swap3A_739] {strides = array<i32>} : memref<512x48xf32, #tpu.memory_space<vmem>>, vector<1x16xf32>,
      %swap3A_741 = vector.shape_cast %swap3A_740 : vector<1x16xf32> to vector<16xf32>
      %swap3A_742 = vector.shape_cast %add3A_737 : vector<16xf32> to vector<1x16xf32>
      tpu.vector_store %arg7[%swap3A_738, %swap3A_739], %swap3A_742 {strides = array<i32>} : memref<512x48xf32, #tpu.memory_space<vmem>>, vector<1x16xf32>,
      %scan3A_743 = arith.constant 0 : i32
      scf.yield %scan3A_743 : i32
    }
    %scan3A_31 = arith.constant 16 : i32
    "tpu.region"() ({
      %run_scoped3A = tpu.sem_alloc : memref<!tpu.dma_semaphore, #tpu.memory_space<semaphore_mem>>
      %dma_start3A = arith.constant 0 : i32
      %dma_start3A_32 = arith.constant 0 : i32
      %dma_start3A_33 = tpu.memref_slice %arg4[%add3A, %dma_start3A, %dma_start3A_32] : memref<32x512x48xf32, #tpu.memory_space<hbm>> -> memref<1x512x48xf32, #tpu.memory_space<hbm>>
      %dma_start3A_34 = tpu.memref_squeeze %dma_start3A_33 : memref<1x512x48xf32, #tpu.memory_space<hbm>> -> memref<512x48xf32, #tpu.memory_space<hbm>>
      %dma_start3A_35 = arith.constant 0 : i32
      %dma_start3A_36 = arith.constant 0 : i32
      %dma_start3A_37 = tpu.memref_slice %arg4[%add3A, %dma_start3A_35, %dma_start3A_36] : memref<32x512x48xf32, #tpu.memory_space<hbm>> -> memref<1x512x48xf32, #tpu.memory_space<hbm>>
      %dma_start3A_38 = tpu.memref_squeeze %dma_start3A_37 : memref<1x512x48xf32, #tpu.memory_space<hbm>> -> memref<512x48xf32, #tpu.memory_space<hbm>>
      tpu.enqueue_dma source(%arg7 : memref<512x48xf32, #tpu.memory_space<vmem>>) target(%dma_start3A_38 : memref<512x48xf32, #tpu.memory_space<hbm>>) target_semaphore(%run_scoped3A : memref<!tpu.dma_semaphore, #tpu.memory_space<semaphore_mem>>)
      %dma_wait3A = arith.constant 0 : i32
      %dma_wait3A_39 = arith.constant 0 : i32
      %dma_wait3A_40 = tpu.memref_slice %arg4[%add3A, %dma_wait3A, %dma_wait3A_39] : memref<32x512x48xf32, #tpu.memory_space<hbm>> -> memref<1x512x48xf32, #tpu.memory_space<hbm>>
      %dma_wait3A_41 = tpu.memref_squeeze %dma_wait3A_40 : memref<1x512x48xf32, #tpu.memory_space<hbm>> -> memref<512x48xf32, #tpu.memory_space<hbm>>
      %dma_wait3A_42 = arith.constant 0 : i32
      %dma_wait3A_43 = arith.constant 0 : i32
      %dma_wait3A_44 = tpu.memref_slice %arg4[%add3A, %dma_wait3A_42, %dma_wait3A_43] : memref<32x512x48xf32, #tpu.memory_space<hbm>> -> memref<1x512x48xf32, #tpu.memory_space<hbm>>
      %dma_wait3A_45 = tpu.memref_squeeze %dma_wait3A_44 : memref<1x512x48xf32, #tpu.memory_space<hbm>> -> memref<512x48xf32, #tpu.memory_space<hbm>>
      tpu.wait_dma2 semaphore(%run_scoped3A : memref<!tpu.dma_semaphore, #tpu.memory_space<semaphore_mem>>) src(%arg7 : memref<512x48xf32, #tpu.memory_space<vmem>>) dst(%dma_wait3A_45 : memref<512x48xf32, #tpu.memory_space<hbm>>)
      tpu.yield
    }) : () -> ()
    return
  }
}

module attributes {stable_mosaic.version = 14 : i64} {
  func.func @_dense_body(%arg0: memref<16384x32xf32, #tpu.memory_space<vmem>>, %arg1: memref<32x512xi32, #tpu.memory_space<vmem>>, %arg2: memref<32x512x48xf32, #tpu.memory_space<vmem>>, %arg3: memref<1x1xf32, #tpu.memory_space<smem>>) attributes {dimension_semantics = [], scalar_prefetch = 0 : i64, scratch_operands = 0 : i64, tpu.core_type = #tpu.core_type<tc>} {
    %broadcast_in_dim3A = arith.constant 0.000000e+00 : f32
    %broadcast_in_dim3A_0 = vector.broadcast %broadcast_in_dim3A : f32 to vector<512x48xf32>
    %scan3A = arith.constant 0 : i32
    %scan3A_1 = arith.constant 32 : i32
    %scan3A_2 = arith.addi %scan3A, %scan3A_1 : i32
    %scan3A_3 = arith.constant 1 : i32
    %scan3A_4 = scf.for %scan3A_53 = %scan3A to %scan3A_2 step %scan3A_3 iter_args(%scan3A_54 = %broadcast_in_dim3A_0) -> (vector<512x48xf32>)  : i32 {
      %get3A = arith.index_cast %scan3A_53 : i32 to index
      %get3A_55 = arith.constant 0 : index
      %get3A_56 = arith.constant 0 : index
      %get3A_57 = vector.load %arg2[%get3A, %get3A_55, %get3A_56] : memref<32x512x48xf32, #tpu.memory_space<vmem>>, vector<1x512x48xf32>
      %get3A_58 = vector.shape_cast %get3A_57 : vector<1x512x48xf32> to vector<512x48xf32>
      %add3A_59 = arith.addf %scan3A_54, %get3A_58 : vector<512x48xf32>
      scf.yield %add3A_59 : vector<512x48xf32>
    }
    %scan3A_5 = arith.constant 32 : i32
    %slice3A = vector.extract_strided_slice %scan3A_4 {offsets = [0, 0], sizes = [512, 32], strides = [1, 1]} : vector<512x48xf32> to vector<512x32xf32>
    %slice3A_6 = vector.extract_strided_slice %scan3A_4 {offsets = [0, 32], sizes = [512, 16], strides = [1, 1]} : vector<512x48xf32> to vector<512x16xf32>
    %reduce_sum3A = arith.constant dense<0.000000e+00> : vector<512xf32>
    %reduce_sum3A_7 = vector.multi_reduction <add>, %slice3A_6, %reduce_sum3A [1] : vector<512x16xf32> to vector<512xf32>
    %broadcast_in_dim3A_8 = vector.shape_cast %reduce_sum3A_7 : vector<512xf32> to vector<512x1xf32>
    %mul3A = arith.constant 6.250000e-02 : f32
    %mul3A_9 = vector.broadcast %mul3A : f32 to vector<512x1xf32>
    %mul3A_10 = arith.mulf %broadcast_in_dim3A_8, %mul3A_9 : vector<512x1xf32>
    %mul3A_11 = arith.constant 1.30173719 : f32
    %mul3A_12 = vector.broadcast %mul3A_11 : f32 to vector<512x1xf32>
    %mul3A_13 = arith.mulf %mul3A_12, %mul3A_10 : vector<512x1xf32>
    %max3A = arith.constant 9.99999997E-7 : f32
    %max3A_14 = vector.broadcast %max3A : f32 to vector<512x1xf32>
    %max3A_15 = arith.maximumf %mul3A_13, %max3A_14 : vector<512x1xf32>
    %mul3A_16 = arith.constant 1.30173719 : f32
    %mul3A_17 = vector.broadcast %mul3A_16 : f32 to vector<512x32xf32>
    %mul3A_18 = arith.mulf %mul3A_17, %slice3A : vector<512x32xf32>
    %div3A = vector.broadcast %max3A_15 : vector<512x1xf32> to vector<512x32xf32>
    %div3A_19 = arith.divf %mul3A_18, %div3A : vector<512x32xf32>
    %mul3A_20 = arith.mulf %div3A_19, %div3A_19 : vector<512x32xf32>
    %reduce_sum3A_21 = arith.constant dense<0.000000e+00> : vector<512xf32>
    %reduce_sum3A_22 = vector.multi_reduction <add>, %mul3A_20, %reduce_sum3A_21 [1] : vector<512x32xf32> to vector<512xf32>
    %broadcast_in_dim3A_23 = vector.shape_cast %reduce_sum3A_22 : vector<512xf32> to vector<512x1xf32>
    %add3A = arith.constant 9.99999997E-7 : f32
    %add3A_24 = vector.broadcast %add3A : f32 to vector<512x1xf32>
    %add3A_25 = arith.addf %broadcast_in_dim3A_23, %add3A_24 : vector<512x1xf32>
    %gt3A = arith.constant 0.000000e+00 : f32
    %gt3A_26 = vector.broadcast %gt3A : f32 to vector<512x1xf32>
    %gt3A_27 = arith.cmpf ogt, %mul3A_10, %gt3A_26 : vector<512x1xf32>
    %convert_element_type3A = arith.extui %gt3A_27 : vector<512x1xi1> to vector<512x1xi32>
    %convert_element_type3A_28 = arith.sitofp %convert_element_type3A : vector<512x1xi32> to vector<512x1xf32>
    %mul3A_29 = arith.constant -2.000000e+00 : f32
    %mul3A_30 = vector.broadcast %mul3A_29 : f32 to vector<512x32xf32>
    %mul3A_31 = arith.mulf %mul3A_30, %div3A_19 : vector<512x32xf32>
    %broadcast_in_dim3A_32 = arith.constant 1.000000e+00 : f32
    %broadcast_in_dim3A_33 = vector.broadcast %broadcast_in_dim3A_32 : f32 to vector<512x1xf32>
    %concatenate3A = tpu.concatenate %mul3A_31, %add3A_25, %broadcast_in_dim3A_33 in 1 : vector<512x32xf32>, vector<512x1xf32>, vector<512x1xf32> -> vector<512x34xf32>
    %broadcast_in_dim3A_34 = arith.constant 1.000000e+00 : f32
    %broadcast_in_dim3A_35 = vector.broadcast %broadcast_in_dim3A_34 : f32 to vector<512x1xf32>
    %iota3A = tpu.iota {dimensions = array<i32: 0>} : vector<512x512xi32>
    %broadcast_in_dim3A_36 = arith.constant 0.000000e+00 : f32
    %broadcast_in_dim3A_37 = vector.broadcast %broadcast_in_dim3A_36 : f32 to vector<1x512xf32>
    %scan3A_38 = arith.constant 0 : i32
    %scan3A_39 = arith.constant 32 : i32
    %scan3A_40 = arith.addi %scan3A_38, %scan3A_39 : i32
    %scan3A_41 = arith.constant 1 : i32
    %scan3A_42 = scf.for %scan3A_53 = %scan3A_38 to %scan3A_40 step %scan3A_41 iter_args(%scan3A_54 = %broadcast_in_dim3A_37) -> (vector<1x512xf32>)  : i32 {
      %mul3A_55 = arith.constant 512 : i32
      %mul3A_56 = arith.muli %scan3A_53, %mul3A_55 : i32
      %get3A = arith.index_cast %mul3A_56 : i32 to index
      %get3A_57 = arith.constant 0 : index
      %get3A_58 = vector.load %arg0[%get3A, %get3A_57] : memref<16384x32xf32, #tpu.memory_space<vmem>>, vector<512x32xf32>
      %get3A_59 = arith.index_cast %scan3A_53 : i32 to index
      %get3A_60 = arith.constant 0 : index
      %get3A_61 = vector.load %arg1[%get3A_59, %get3A_60] : memref<32x512xi32, #tpu.memory_space<vmem>>, vector<1x512xi32>
      %eq3A = vector.broadcast %get3A_61 : vector<1x512xi32> to vector<512x512xi32>
      %eq3A_62 = arith.cmpi eq, %iota3A, %eq3A : vector<512x512xi32>
      %mul3A_63 = arith.mulf %get3A_58, %get3A_58 : vector<512x32xf32>
      %reduce_sum3A_64 = arith.constant dense<0.000000e+00> : vector<512xf32>
      %reduce_sum3A_65 = vector.multi_reduction <add>, %mul3A_63, %reduce_sum3A_64 [1] : vector<512x32xf32> to vector<512xf32>
      %broadcast_in_dim3A_66 = vector.shape_cast %reduce_sum3A_65 : vector<512xf32> to vector<512x1xf32>
      %concatenate3A_67 = tpu.concatenate %get3A_58, %broadcast_in_dim3A_35, %broadcast_in_dim3A_66 in 1 : vector<512x32xf32>, vector<512x1xf32>, vector<512x1xf32> -> vector<512x34xf32>
      %dot_general3A = arith.constant dense<0.000000e+00> : vector<512x512xf32>
      %dot_general3A_68 = tpu.matmul %concatenate3A, %concatenate3A_67, %dot_general3A {dimension_numbers = #tpu.dot_dimension_numbers<[1], [1], [0], [0], [0, 0, 1, 0], [], []>, transpose_lhs_hint = false} : vector<512x34xf32>, vector<512x34xf32>, vector<512x512xf32> -> vector<512x512xf32>
      %max3A_69 = arith.constant 9.99999971E-10 : f32
      %max3A_70 = vector.broadcast %max3A_69 : f32 to vector<512x512xf32>
      %max3A_71 = arith.maximumf %dot_general3A_68, %max3A_70 : vector<512x512xf32>
      %rsqrt3A = math.rsqrt %max3A_71 : vector<512x512xf32>
      %mul3A_72 = arith.mulf %max3A_71, %rsqrt3A : vector<512x512xf32>
      %sub3A = arith.constant 1.000000e+00 : f32
      %sub3A_73 = vector.broadcast %sub3A : f32 to vector<512x512xf32>
      %sub3A_74 = arith.subf %sub3A_73, %mul3A_72 : vector<512x512xf32>
      %max3A_75 = arith.constant 0.000000e+00 : f32
      %max3A_76 = vector.broadcast %max3A_75 : f32 to vector<512x512xf32>
      %max3A_77 = arith.maximumf %max3A_76, %sub3A_74 : vector<512x512xf32>
      %select_n3A = arith.select %eq3A_62, %max3A_71, %max3A_77 : vector<512x512xi1>, vector<512x512xf32>
      %dot_general3A_78 = arith.constant dense<0.000000e+00> : vector<1x512xf32>
      %dot_general3A_79 = tpu.matmul %convert_element_type3A_28, %select_n3A, %dot_general3A_78 {dimension_numbers = #tpu.dot_dimension_numbers<[0], [0], [1], [1], [0, 1, 1, 1], [], []>, transpose_lhs_hint = false} : vector<512x1xf32>, vector<512x512xf32>, vector<1x512xf32> -> vector<1x512xf32>
      %add3A_80 = arith.addf %scan3A_54, %dot_general3A_79 : vector<1x512xf32>
      scf.yield %add3A_80 : vector<1x512xf32>
    }
    %scan3A_43 = arith.constant 32 : i32
    %reduce_sum3A_44 = vector.shape_cast %scan3A_42 : vector<1x512xf32> to vector<1x1x512xf32>
    %reduce_sum3A_45 = arith.constant dense<0.000000e+00> : vector<1xf32>
    %reduce_sum3A_46 = vector.multi_reduction <add>, %reduce_sum3A_44, %reduce_sum3A_45 [1, 2] : vector<1x1x512xf32> to vector<1xf32>
    %reduce_sum3A_47 = vector.shape_cast %reduce_sum3A_46 : vector<1xf32> to vector<1x1x1xf32>
    %reduce_sum3A_48 = vector.extract %reduce_sum3A_47[0, 0, 0] : f32 from vector<1x1x1xf32>
    %mul3A_49 = arith.constant 1.03425285E-4 : f32
    %mul3A_50 = arith.mulf %reduce_sum3A_48, %mul3A_49 : f32
    %swap3A = arith.constant 0 : index
    %swap3A_51 = arith.constant 0 : index
    %swap3A_52 = memref.load %arg3[%swap3A, %swap3A_51] : memref<1x1xf32, #tpu.memory_space<smem>>
    memref.store %mul3A_50, %arg3[%swap3A, %swap3A_51] : memref<1x1xf32, #tpu.memory_space<smem>>
    return
  }
}

</mosaic_0001>

<sc_bundles>
// kernel: kernel.4.cloned.1.call-start
scs
__scs_entry_jumppad:
0x0: {  	(pc) =	sbr.rel $0x88, $3  }
0x1: {  	(tag) =	ssettag $0x0;
	lr =	simm.s32 $0x1  }
0x2: {  	[smem:$0x3F9F] =	sst lr;
	_ =	strace $0xD0000000  }
0x3: {  	_ = 	snop  }
0x4: {  	_ = 	snop  }
0x5: {  	_ = 	snop  }
0x6: {  	_ = 	snop  }
0x7: {  	_ = 	snop  }
__scs_overlays_trampoline_lowered:
0x8: {  	[smem:$0x3FAE] =	sst s0  }
0x9: {  	[smem:$0x3FAF] =	sst s1  }
0xa: {  	[smem:$0x3FB0] =	sst s2  }
0xb: {  	[smem:$0x3FB1] =	sst s3  }
0xc: {  	[smem:$0x3FB2] =	sst s4  }
0xd: {  	[smem:$0x3FB3] =	sst s5  }
0xe: {  	[smem:$0x3FB4] =	sst s6  }
0xf: {  	[smem:$0x3FB5] =	sst s7  }
0x10: {  	[smem:$0x3FB6] =	sst s8  }
0x11: {  	[smem:$0x3FB7] =	sst s9;
	s0 =	simm.s32 @!p0 $0x0  }
0x12: {  	s1 =	sld [smem:$0x3F9D];
	s0 =	simm.s32 @p0 $0x1  }
0x13: {  	[smem:$0x3FB8] =	sst s0;
	s0 =	simm.s32 @!p1 $0x0  }
0x14: {  	s2 =	sld [smem:$0x3F9C];
	s0 =	simm.s32 @p1 $0x1  }
0x15: {  	[smem:$0x3FB9] =	sst s0;
	s0 =	simm.s32 @!p2 $0x0  }
0x16: {  	s3 =	sld [smem:$0x3FDB];
	s0 =	simm.s32 @p2 $0x1  }
0x17: {  	s4 =	simm.s32 $0x1BF5;
	[smem:$0x3FBB] =	sst s0  }
0x18: {  	s0 =	sld [smem:$0x3F9E];
	_ =	swait.ge [sflag:s4], $0x0  }
0x19: {  	s7 =	sld [smem:$0x3F9F]  }
0x1a: {  	s8 =	sadd.s32 $0xFFFFE003, lr  }
0x1b: {  	s9 =	sadd.s32 $0xFFFFFEF7, lr;
	s5 =	simm.s32 $0xFFFFFFFF;
	p2 =	slt.u32 s8, $0xFFFFF086  }
0x1c: {  	p1 =	slt.u32 s9, $0xF7A;
	s5 =	simm.s32 @!p2 $0x0  }
0x1d: {  	s5 =	simm.s32 @p1 $0x1;
	p0 =	seq.s32 s7, s2  }
0x1e: {  	s7 =	smul.u32 @!p0 $0xF7A, s2;
	p2 =	seq.s32 @!p0 s5, $0x0  }
0x1f: {  	s9 =	smul.u32 $0xF7A, s1;
	s8 =	simm.s32 @!p0 $0x1BF5;
	p2 =	por !p2, p0  }
0x20: {  	[sflag:s8] =	ssyncset.s32 @!p0 $0xFFFFF086;
	s6 =	sadd.s32 @!p0 s3, s7;
	s7 =	simm.s32 @!p0 $0x108  }
0x21: {  	s3 =	sadd.s32 s3, s9;
	s6 =	sadd.s32 @!p0 $0x88, s6;
	s7 =	simm.s32 @p2 $0x1082  }
0x22: {  	[simem:s7], [sflag:s8] =	dma.local @!p0 [hbm:s6], $0xF7A  }
0x23: {  	s9 =	sor.u32 $0xD0000000, s2;
	s6 =	simm.s32 $0x108;
	_ =	swait.ge @!p0 [sflag:s8], $0x0  }
0x24: {  	s3 =	sadd.s32 $0x88, s3;
	s6 =	simm.s32 @!p1 $0x1082;
	[sflag:s4] =	ssyncset.s32 $0xFFFFF086  }
0x25: {  	[simem:s6], [sflag:s4] =	dma.local [hbm:s3], $0xF7A  }
0x26: {  	[smem:$0x3F9F] =	sst s1;
	(tag) =	ssettag s2;
	_ =	strace s9  }
0x27: {  	s1 =	sld [smem:$0x3FAF]  }
0x28: {  	s2 =	sld [smem:$0x3FB0]  }
0x29: {  	s4 =	sld [smem:$0x3FB2]  }
0x2a: {  	p0 =	seq.s32 s5, $0x0;
	s5 =	sld [smem:$0x3FB3]  }
0x2b: {  	s6 =	sld [smem:$0x3FB4]  }
0x2c: {  	s7 =	sld [smem:$0x3FB5]  }
0x2d: {  	s3 =	simm.s32 $0x108;
	s8 =	sld [smem:$0x3FB6]  }
0x2e: {  	s3 =	simm.s32 @!p0 $0x1082;
	s9 =	sld [smem:$0x3FB7]  }
0x2f: {  	lr =	sadd.s32 s0, s3;
	s0 =	sld [smem:$0x3FAE]  }
0x30: {  	s3 =	sld [smem:$0x3FB1]  }
0x31: {  	[smem:$0x3FBA] =	sst s10  }
0x32: {  	s10 =	sld [smem:$0x3FB8];
	_ =	sdelay $0x3  }
0x33: {  	p0 =	seq.s32 s10, $0x1;
	s10 =	sld [smem:$0x3FBA];
	_ =	sdelay $0x3  }
0x34: {  	[smem:$0x3FBA] =	sst s10  }
0x35: {  	s10 =	sld [smem:$0x3FB9];
	_ =	sdelay $0x3  }
0x36: {  	p1 =	seq.s32 s10, $0x1;
	s10 =	sld [smem:$0x3FBA];
	_ =	sdelay $0x3  }
0x37: {  	[smem:$0x3FBA] =	sst s10  }
0x38: {  	s10 =	sld [smem:$0x3FBB]  }
0x39: {  	_ = 	snop;
	(pc) =	sbr.ind lr, $3  }
0x3a: {  	_ = 	snop  }
0x3b: {  	_ = 	snop  }
0x3c: {  	p2 =	seq.s32 s10, $0x1;
	s10 =	sld [smem:$0x3FBA]  }
0x3d: {  	_ =	shalt  }
0x3e: {  	_ =	shalt  }
0x3f: {  	_ =	shalt  }
0x40: {  	_ =	shalt  }
0x41: {  	_ =	shalt  }
0x42: {  	_ =	shalt  }
0x43: {  	_ =	shalt  }
0x44: {  	_ =	shalt  }
0x45: {  	_ =	shalt  }
0x46: {  	_ =	shalt  }
0x47: {  	_ =	shalt  }
0x48: {  	_ =	shalt  }
0x49: {  	_ =	shalt  }
0x4a: {  	_ =	shalt  }
0x4b: {  	_ =	shalt  }
0x4c: {  	_ =	shalt  }
0x4d: {  	_ =	shalt  }
0x4e: {  	_ =	shalt  }
0x4f: {  	_ =	shalt  }
0x50: {  	_ =	shalt  }
0x51: {  	_ =	shalt  }
0x52: {  	_ =	shalt  }
0x53: {  	_ =	shalt  }
0x54: {  	_ =	shalt  }
0x55: {  	_ =	shalt  }
0x56: {  	_ =	shalt  }
0x57: {  	_ =	shalt  }
0x58: {  	_ =	shalt  }
0x59: {  	_ =	shalt  }
0x5a: {  	_ =	shalt  }
0x5b: {  	_ =	shalt  }
0x5c: {  	_ =	shalt  }
0x5d: {  	_ =	shalt  }
0x5e: {  	_ =	shalt  }
0x5f: {  	_ =	shalt  }
0x60: {  	_ =	shalt  }
0x61: {  	_ =	shalt  }
0x62: {  	_ =	shalt  }
0x63: {  	_ =	shalt  }
0x64: {  	_ =	shalt  }
0x65: {  	_ =	shalt  }
0x66: {  	_ =	shalt  }
0x67: {  	_ =	shalt  }
0x68: {  	_ =	shalt  }
0x69: {  	_ =	shalt  }
0x6a: {  	_ =	shalt  }
0x6b: {  	_ =	shalt  }
0x6c: {  	_ =	shalt  }
0x6d: {  	_ =	shalt  }
0x6e: {  	_ =	shalt  }
0x6f: {  	_ =	shalt  }
0x70: {  	_ =	shalt  }
0x71: {  	_ =	shalt  }
0x72: {  	_ =	shalt  }
0x73: {  	_ =	shalt  }
0x74: {  	_ =	shalt  }
0x75: {  	_ =	shalt  }
0x76: {  	_ =	shalt  }
0x77: {  	_ =	shalt  }
0x78: {  	_ =	shalt  }
0x79: {  	_ =	shalt  }
0x7a: {  	_ =	shalt  }
0x7b: {  	_ =	shalt  }
0x7c: {  	_ =	shalt  }
0x7d: {  	_ =	shalt  }
0x7e: {  	_ =	shalt  }
0x7f: {  	_ =	shalt  }
0x80: {  	_ =	shalt  }
0x81: {  	_ =	shalt  }
0x82: {  	_ =	shalt  }
0x83: {  	_ =	shalt  }
0x84: {  	_ =	shalt  }
0x85: {  	_ =	shalt  }
0x86: {  	_ =	shalt  }
0x87: {  	_ =	shalt  }
.Lfunc_end0:
.L_simem_size_0:
called_computation_lowered:
.L_overlay_start_0:
0x88: {  	s2 =	sld [smem:$0x3FD9]  }
0x89: {  	s3 =	sld [smem:$0x3FFE];
	_ =	sdelay $0x1  }
0x8a: {  	s1 =	srdreg.scid  }
0x8b: {  	s0 =	sand.u32 $0x1, s1  }
0x8c: {  	s16 =	sshll.u32 s0, $0xA;
	s2 =	sadd.s32 s3, s2  }
0x8d: {  	s2 =	sadd.s32 s2, s16  }
0x8e: {  	[smem:$0x3FC6] =	sst s2  }
0x8f: {  	_ = 	snop  }
0x90: {  	(tm) =	ssettm $0x1  }
0x91: {  	s17 =	sld [smem:$0x3FFB];
	_ =	sdelay $0x3  }
0x92: {  	_ =	strace s17  }
0x93: {  	s2 =	sld [smem:$0x3FFC];
	_ =	sdelay $0x3  }
0x94: {  	_ =	strace s2  }
0x95: {  	s2 =	sld [smem:$0x3FFD];
	_ =	sdelay $0x3  }
0x96: {  	_ =	strace s2  }
0x97: {  	_ =	strace $0x8FFFFFFF  }
0x98: {  	s18 =	sld [smem:$0x3FDB];
	_ =	sdelay $0x1  }
0x99: {  	s19 =	simm.s32 $_scs_section_size  }
0x9a: {  	s4 =	simm.s32 $_size__tile_overlayer_lowered;
	s5 =	simm.s32 $_tile_overlayer_lowered  }
0x9b: {  	s22 =	simm.s32 $0x1BFF;
	s21 =	sshll.u32 s5, $0x1;
	s2 =	sadd.s32 s19, s18  }
0x9c: {  	s6 =	simm.s32 $0x0;
	s20 =	sshll.u32 s4, $0x1;
	s4 =	sadd.s32 s21, s2  }
0x9d: {  	[timem:s6], [sflag:s22] =	dma.local [hbm:s4], s20  }
0x9e: {  	_ =	swait.ge [sflag:s22], s20  }
0x9f: {  	s3 =	ssub.s32 $0x0, s20;
	[sflag:s22] =	ssyncset.done $0x0  }
0xa0: {  	[sflag:s22] =	ssyncadd.s32 s3;
	_ =	sdelay $0x1  }
0xa1: {  	s23 =	simm.s32 $0x1B8B  }
0xa2: {  	_ =	swait.ge [sflag:s23], $0x1  }
0xa3: {  	[sflag:s23] =	ssyncset.done $0x0  }
0xa4: {  	s25 =	simm.s32 $0x1B8E;
	s24 =	sld [smem:$0x3FFE];
	[sflag:s23] =	ssyncadd.s32 $0xFFFFFFFF  }
0xa5: {  	s26 =	simm.s32 $execute0_lowered;
	[smem:$0x3FD2] =	sst s25  }
0xa6: {  	s4 =	sshll.u32 s26, $0x1;
	_ =	strace $0x80000046;
	[dreg:$0x1] =	wrdreg $0xFFFFFFFF  }
0xa7: {  	s28 =	simm.s32 $_size_execute0_lowered;
	s2 =	sadd.s32 s2, s4;
	[dreg:$0x0] =	wrdreg $0x0  }
0xa8: {  	s4 =	sshll.u32 s28, $0x1;
	[dreg:$0x2] =	wrdreg s2  }
0xa9: {  	[dreg:$0x3] =	wrdreg s4  }
0xaa: {  	[dreg:$0x4] =	wrdreg $0xC0  }
0xab: {  	_ =	task [dreg:s6], $0x5FFFF  }
0xac: {  	[dreg:$0x1] =	wrdreg $0xFFFFFFFF  }
0xad: {  	[dreg:$0x0] =	wrdreg $0x60  }
0xae: {  	[dreg:$0x2] =	wrdreg s24  }
0xaf: {  	[dreg:$0x3] =	wrdreg $0x9  }
0xb0: {  	_ =	task.clear_ibuf [dreg:s6], $0x4FFFF;
	_ =	strace $0x90000046  }
0xb1: {  	s29 =	simm.s32 $0x9;
	_ =	strace $0x80000048  }
0xb2: {  	_ =	swait.ge [sflag:s29], $0x1  }
0xb3: {  	[sflag:s29] =	ssyncadd.s32 $0xFFFFFFFF  }
0xb4: {  	_ =	strace $0x90000048  }
0xb5: {  	_ =	sfence  }
0xb6: {  	s30 =	sld [smem:$0x0];
	_ =	sdelay $0x2  }
0xb7: {  	s31 =	sshll.u32 s1, $0xD;
	s1 =	sshrl.u32 s1, $0x2  }
0xb8: {  	s3 =	sand.u32 $0x4000, s31;
	s1 =	sadd.s32 s1, s30  }
0xb9: {  	s0 =	sor.u32 s3, s0;
	s1 =	sshll.u32 s1, $0x11  }
0xba: {  	s0 =	sor.u32 s1, s0  }
0xbb: {  	s0 =	sadd.s32 $0x8F2B, s0  }
0xbc: {  	[sflag:s0] =	ssyncadd.remote.s32 $0x1  }
0xbd: {  	_ =	sfence.sel $0xFFFF  }
0xbe: {  	[dreg:$0x0] =	wrdreg $0xFFFFFFFF;
	(pc) =	sbr.abs _section_cstart, $3  }
0xbf: {  	[dreg:$0x1] =	wrdreg $0xFFFFFFFF  }
0xc0: {  	_ =	task.clear_ibuf [dreg:s6], $0x2FFFF;
	_ =	strace $0x9FFFFFFF  }
0xc1: {  	(tm) =	ssettm $0x7FFFFFFF  }
tec
execute0_lowered:
.L_overlay_start_1:
0x0: {  	(tag) =	ssettag $0x1  }
0x1: {  	s3 =	rddreg [dreg:$0x0];
	s2 =	srdreg.scid  }
0x2: {  	s0 =	rddreg [dreg:$0x1];
	s1 =	stileid.u32;
	s8 =	simm.s32 $0x80  }
0x3: {  	s9 =	simm.s32 $0x400;
	s10 =	simm.s32 $0x8000;
	s11 =	simm.s32 $0x1  }
0x4: {  	s12 =	simm.s32 $0x8200;
	s13 =	simm.s32 $0x0;
	s4 =	sand.u32 $0x1, s2  }
0x5: {  	s2 =	simm.s32 $0x0;
	s5 =	sshll.u32 s1, $0x4;
	s6 =	sshll.u32 s4, $0x4  }
0x6: {  	[smem:$0x7FF] =	sst s2;
	s5 =	sand.u32 $0x70, s5;
	s4 =	ssub.s32 $0x2, s4  }
0x7: {  	s6 =	sor.u32 s1, s6;
	_ =	strace $0x80000047;
	s5 =	sadd.s32 s5, s3  }
0x8: {  	s30 =	sshrl.u32 s4, $0x1;
	s7 =	sshll.u32 s6, $0x6;
	s6 =	sshll.u32 s6, $0xD  }
0x9: {  	s31 =	ssub.s32 s4, s30;
	s7 =	sand.u32 $0x600, s7;
	s6 =	sadd.s32 s6, s3  }
0xa: {  	s5 =	sadd.s32 s7, s5;
	s4 =	sadd.s32 $0xE00, s6;
	s7 =	smax.u32 s31, $0x1  }
0xb: {  	v0 =	vimm.f32 $0.0e+00;
	s3 =	sadd.s32 $0x600, s5;
	s5 =	sadd.s32 $0x1E00, s6;
	s6 =	sadd.s32 $0x40E00, s6  }
.LBB2_1:
0xc: {  	[tilespmem:s10], [sflag:$0x1] =	stream.strided.gather [hbm4b:s3+s8], $0x200, s9, s8, $0x38;
	[tilespmem:$0x18200] =	vst v63  }
0xd: {  	_ =	swait.ge [sflag:s11], $0x200  }
0xe: {  	[sflag:s11] =	ssyncset.done $0x0  }
0xf: {  	s14 =	simm.s32 $0x0;
	s15 =	simm.s32 $0x1000;
	[sflag:s11] =	ssyncadd.s32 $0xFFFFFE00  }
.LBB2_2:
0x10: {  	p0 =	sne.s32 s15, $0x3F000;
	[tilespmem:s14+$0x85A0] =	vst v0  }
0x11: {  	[tilespmem:s14+$0x8200] =	vst v0  }
0x12: {  	[tilespmem:s14+$0x8210] =	vst v0  }
0x13: {  	[tilespmem:s14+$0x8220] =	vst v0  }
0x14: {  	[tilespmem:s14+$0x8280] =	vst v0  }
0x15: {  	[tilespmem:s14+$0x8290] =	vst v0  }
0x16: {  	[tilespmem:s14+$0x82A0] =	vst v0  }
0x17: {  	[tilespmem:s14+$0x8300] =	vst v0  }
0x18: {  	[tilespmem:s14+$0x8310] =	vst v0  }
0x19: {  	[tilespmem:s14+$0x8320] =	vst v0  }
0x1a: {  	[tilespmem:s14+$0x8380] =	vst v0  }
0x1b: {  	[tilespmem:s14+$0x8390] =	vst v0  }
0x1c: {  	[tilespmem:s14+$0x83A0] =	vst v0  }
0x1d: {  	[tilespmem:s14+$0x8400] =	vst v0  }
0x1e: {  	[tilespmem:s14+$0x8410] =	vst v0  }
0x1f: {  	[tilespmem:s14+$0x8420] =	vst v0  }
0x20: {  	[tilespmem:s14+$0x8480] =	vst v0  }
0x21: {  	[tilespmem:s14+$0x8490] =	vst v0  }
0x22: {  	[tilespmem:s14+$0x84A0] =	vst v0  }
.Ltmp0:
0x23: {  	[tilespmem:s14+$0x8500] =	vst v0;
	(pc) =	sbr.rel @p0 .LBB2_2-.Ltmp0, $4  }
0x24: {  	[tilespmem:s14+$0x8510] =	vst v0  }
0x25: {  	[tilespmem:s14+$0x8520] =	vst v0  }
0x26: {  	[tilespmem:s14+$0x8580] =	vst v0  }
0x27: {  	[tilespmem:s14+$0x8590] =	vst v0;
	s14 =	sshra.s32 s15, $0x2;
	s15 =	sadd.s32 $0x1000, s15  }
0x28: {  	[tilespmem:s14+$0x85A0] =	vst v0  }
0x29: {  	[tilespmem:s14+$0x8200] =	vst v0  }
0x2a: {  	[tilespmem:s14+$0x8210] =	vst v0  }
0x2b: {  	[tilespmem:s14+$0x8220] =	vst v0  }
0x2c: {  	[tilespmem:s14+$0x8280] =	vst v0  }
0x2d: {  	[tilespmem:s14+$0x8290] =	vst v0  }
0x2e: {  	[tilespmem:s14+$0x82A0] =	vst v0  }
0x2f: {  	[tilespmem:s14+$0x8300] =	vst v0  }
0x30: {  	[tilespmem:s14+$0x8310] =	vst v0  }
0x31: {  	[tilespmem:s14+$0x8320] =	vst v0  }
0x32: {  	[tilespmem:s14+$0x8380] =	vst v0  }
0x33: {  	[tilespmem:s14+$0x8390] =	vst v0  }
0x34: {  	[tilespmem:s14+$0x83A0] =	vst v0  }
0x35: {  	[tilespmem:s14+$0x8400] =	vst v0  }
0x36: {  	[tilespmem:s14+$0x8410] =	vst v0  }
0x37: {  	[tilespmem:s14+$0x8420] =	vst v0  }
0x38: {  	[tilespmem:s14+$0x8480] =	vst v0  }
0x39: {  	[tilespmem:s14+$0x8490] =	vst v0  }
0x3a: {  	[tilespmem:s14+$0x84A0] =	vst v0  }
0x3b: {  	[tilespmem:s14+$0x8500] =	vst v0  }
0x3c: {  	[tilespmem:s14+$0x8510] =	vst v0  }
0x3d: {  	[tilespmem:s14+$0x8520] =	vst v0  }
0x3e: {  	[tilespmem:s14+$0x8580] =	vst v0  }
0x3f: {  	[tilespmem:s14+$0x8590] =	vst v0;
	s16 =	simm.s32 $0x0  }
0x40: {  	[tilespmem:s16], [sflag:$0x1] =	stream.linear.gather [hbm4b:s4+s16], $0x8000, $0x38;
	[tilespmem:$0x18200] =	vst v63  }
0x41: {  	_ =	swait.ge [sflag:s11], $0x8000  }
0x42: {  	[sflag:s11] =	ssyncset.done $0x0  }
0x43: {  	s17 =	simm.s32 $0x0;
	[sflag:s11] =	ssyncadd.s32 $0xFFFF8000  }
0x44: {  	v1 =	vld [tilespmem:s17+$0x8000];
	_ =	sdelay $0x4  }
0x45: {  	v1 =	vshll.u32 v1, $0x9  }
0x46: {  	v1 =	vshra.s32 v1, $0x2  }
0x47: {  	(v2sf) =	vpush v1, $0x0;
	_ =	sdelay $0xd  }
0x48: {  	s14 =	simm.s32 $0x400  }
0x49: {  	v2 =	vld [tilespmem:s14+$0xFFFFFC00];
	s15 =	spop (v2sf)  }
0x4a: {  	(v2sf) =	vpush v1, $0x1;
	v3 =	vld [tilespmem:s15+$0x8200];
	_ =	sdelay $0x4  }
0x4b: {  	v2 =	vadd.f32 v2, v3  }
0x4c: {  	v3 =	vld [tilespmem:s15+$0x8220]  }
0x4d: {  	[tilespmem:s15+$0x8200] =	vst v2;
	v2 =	vld [tilespmem:s15+$0x8210]  }
0x4e: {  	v4 =	vld [tilespmem:s14+$0xFFFFFC10];
	_ =	sdelay $0x3  }
0x4f: {  	v3 =	vadd.f32 $1.000000000e+00, v3  }
0x50: {  	v2 =	vadd.f32 v4, v2  }
0x51: {  	[tilespmem:s15+$0x8220] =	vst v3  }
0x52: {  	s18 =	spop (v2sf);
	[tilespmem:s15+$0x8210] =	vst v2  }
0x53: {  	v2 =	vld [tilespmem:s18+$0x8200]  }
0x54: {  	(v2sf) =	vpush v1, $0x2;
	v3 =	vld [tilespmem:s14+$0xFFFFFC80];
	_ =	sdelay $0x4  }
0x55: {  	v2 =	vadd.f32 v3, v2  }
0x56: {  	v3 =	vld [tilespmem:s18+$0x8210]  }
0x57: {  	[tilespmem:s18+$0x8200] =	vst v2;
	v2 =	vld [tilespmem:s18+$0x8220]  }
0x58: {  	v51 =	vld [tilespmem:s14+$0xFFFFFC90];
	_ =	sdelay $0x3  }
0x59: {  	v2 =	vadd.f32 $1.000000000e+00, v2  }
0x5a: {  	v3 =	vadd.f32 v51, v3  }
0x5b: {  	[tilespmem:s18+$0x8220] =	vst v2  }
0x5c: {  	s19 =	spop (v2sf);
	[tilespmem:s18+$0x8210] =	vst v3  }
0x5d: {  	v2 =	vld [tilespmem:s19+$0x8200]  }
0x5e: {  	(v2sf) =	vpush v1, $0x3;
	v3 =	vld [tilespmem:s14+$0xFFFFFD00];
	_ =	sdelay $0x4  }
0x5f: {  	v2 =	vadd.f32 v3, v2  }
0x60: {  	v3 =	vld [tilespmem:s19+$0x8210]  }
0x61: {  	[tilespmem:s19+$0x8200] =	vst v2;
	v2 =	vld [tilespmem:s19+$0x8220]  }
0x62: {  	v52 =	vld [tilespmem:s14+$0xFFFFFD10];
	_ =	sdelay $0x3  }
0x63: {  	v2 =	vadd.f32 $1.000000000e+00, v2  }
0x64: {  	v3 =	vadd.f32 v52, v3  }
0x65: {  	[tilespmem:s19+$0x8220] =	vst v2  }
0x66: {  	s20 =	spop (v2sf);
	[tilespmem:s19+$0x8210] =	vst v3  }
0x67: {  	v2 =	vld [tilespmem:s20+$0x8200]  }
0x68: {  	(v2sf) =	vpush v1, $0x4;
	v3 =	vld [tilespmem:s14+$0xFFFFFD80];
	_ =	sdelay $0x4  }
0x69: {  	v2 =	vadd.f32 v3, v2  }
0x6a: {  	v3 =	vld [tilespmem:s20+$0x8220]  }
0x6b: {  	[tilespmem:s20+$0x8200] =	vst v2;
	v2 =	vld [tilespmem:s20+$0x8210]  }
0x6c: {  	v53 =	vld [tilespmem:s14+$0xFFFFFD90];
	_ =	sdelay $0x3  }
0x6d: {  	v3 =	vadd.f32 $1.000000000e+00, v3  }
0x6e: {  	v2 =	vadd.f32 v53, v2  }
0x6f: {  	[tilespmem:s20+$0x8220] =	vst v3  }
0x70: {  	s21 =	spop (v2sf);
	[tilespmem:s20+$0x8210] =	vst v2  }
0x71: {  	v2 =	vld [tilespmem:s21+$0x8200]  }
0x72: {  	(v2sf) =	vpush v1, $0x5;
	v3 =	vld [tilespmem:s14+$0xFFFFFE00];
	_ =	sdelay $0x4  }
0x73: {  	v2 =	vadd.f32 v3, v2  }
0x74: {  	v3 =	vld [tilespmem:s21+$0x8220]  }
0x75: {  	[tilespmem:s21+$0x8200] =	vst v2;
	v2 =	vld [tilespmem:s21+$0x8210]  }
0x76: {  	v54 =	vld [tilespmem:s14+$0xFFFFFE10];
	_ =	sdelay $0x3  }
0x77: {  	v3 =	vadd.f32 $1.000000000e+00, v3  }
0x78: {  	v2 =	vadd.f32 v54, v2  }
0x79: {  	[tilespmem:s21+$0x8220] =	vst v3  }
0x7a: {  	s22 =	spop (v2sf);
	[tilespmem:s21+$0x8210] =	vst v2  }
0x7b: {  	v2 =	vld [tilespmem:s22+$0x8200]  }
0x7c: {  	(v2sf) =	vpush v1, $0x6;
	v3 =	vld [tilespmem:s14+$0xFFFFFE80];
	_ =	sdelay $0x4  }
0x7d: {  	v2 =	vadd.f32 v3, v2  }
0x7e: {  	v3 =	vld [tilespmem:s22+$0x8210]  }
0x7f: {  	[tilespmem:s22+$0x8200] =	vst v2;
	v2 =	vld [tilespmem:s22+$0x8220]  }
0x80: {  	v55 =	vld [tilespmem:s14+$0xFFFFFE90];
	_ =	sdelay $0x3  }
0x81: {  	v2 =	vadd.f32 $1.000000000e+00, v2  }
0x82: {  	v3 =	vadd.f32 v55, v3  }
0x83: {  	[tilespmem:s22+$0x8220] =	vst v2  }
0x84: {  	s23 =	spop (v2sf);
	[tilespmem:s22+$0x8210] =	vst v3  }
0x85: {  	v2 =	vld [tilespmem:s23+$0x8200]  }
0x86: {  	(v2sf) =	vpush v1, $0x7;
	v3 =	vld [tilespmem:s14+$0xFFFFFF00];
	_ =	sdelay $0x4  }
0x87: {  	v2 =	vadd.f32 v3, v2  }
0x88: {  	v3 =	vld [tilespmem:s23+$0x8210]  }
0x89: {  	[tilespmem:s23+$0x8200] =	vst v2;
	v2 =	vld [tilespmem:s23+$0x8220]  }
0x8a: {  	v56 =	vld [tilespmem:s14+$0xFFFFFF10];
	_ =	sdelay $0x3  }
0x8b: {  	v2 =	vadd.f32 $1.000000000e+00, v2  }
0x8c: {  	v3 =	vadd.f32 v56, v3  }
0x8d: {  	[tilespmem:s23+$0x8220] =	vst v2  }
0x8e: {  	s24 =	spop (v2sf);
	[tilespmem:s23+$0x8210] =	vst v3  }
0x8f: {  	v2 =	vld [tilespmem:s24+$0x8200]  }
0x90: {  	(v2sf) =	vpush v1, $0x8;
	v3 =	vld [tilespmem:s14+$0xFFFFFF80];
	_ =	sdelay $0x4  }
0x91: {  	v2 =	vadd.f32 v3, v2  }
0x92: {  	v3 =	vld [tilespmem:s24+$0x8220]  }
0x93: {  	[tilespmem:s24+$0x8200] =	vst v2;
	v2 =	vld [tilespmem:s24+$0x8210]  }
0x94: {  	v57 =	vld [tilespmem:s14+$0xFFFFFF90];
	_ =	sdelay $0x3  }
0x95: {  	v3 =	vadd.f32 $1.000000000e+00, v3  }
0x96: {  	v2 =	vadd.f32 v57, v2  }
0x97: {  	[tilespmem:s24+$0x8220] =	vst v3  }
0x98: {  	s25 =	spop (v2sf);
	[tilespmem:s24+$0x8210] =	vst v2  }
0x99: {  	v2 =	vld [tilespmem:s25+$0x8200]  }
0x9a: {  	(v2sf) =	vpush v1, $0x9;
	v3 =	vld [tilespmem:s14+$0x0];
	_ =	sdelay $0x4  }
0x9b: {  	v2 =	vadd.f32 v3, v2  }
0x9c: {  	v58 =	vld [tilespmem:s25+$0x8220]  }
0x9d: {  	v3 =	vld [tilespmem:s25+$0x8210];
	[tilespmem:s25+$0x8200] =	vst v2  }
0x9e: {  	v2 =	vld [tilespmem:s14+$0x10];
	_ =	sdelay $0x3  }
0x9f: {  	v4 =	vadd.f32 $1.000000000e+00, v58  }
0xa0: {  	v2 =	vadd.f32 v2, v3  }
0xa1: {  	[tilespmem:s25+$0x8220] =	vst v4  }
0xa2: {  	s26 =	spop (v2sf);
	[tilespmem:s25+$0x8210] =	vst v2  }
0xa3: {  	v2 =	vld [tilespmem:s26+$0x8200]  }
0xa4: {  	(v2sf) =	vpush v1, $0xA;
	v3 =	vld [tilespmem:s14+$0x80];
	_ =	sdelay $0x4  }
0xa5: {  	v2 =	vadd.f32 v3, v2  }
0xa6: {  	v4 =	vld [tilespmem:s26+$0x8210]  }
0xa7: {  	v3 =	vld [tilespmem:s26+$0x8220];
	[tilespmem:s26+$0x8200] =	vst v2  }
0xa8: {  	v2 =	vld [tilespmem:s14+$0x90];
	_ =	sdelay $0x3  }
0xa9: {  	v3 =	vadd.f32 $1.000000000e+00, v3  }
0xaa: {  	v2 =	vadd.f32 v2, v4  }
0xab: {  	[tilespmem:s26+$0x8220] =	vst v3  }
0xac: {  	s28 =	spop (v2sf);
	[tilespmem:s26+$0x8210] =	vst v2  }
0xad: {  	v2 =	vld [tilespmem:s28+$0x8200]  }
0xae: {  	(v2sf) =	vpush v1, $0xB;
	v3 =	vld [tilespmem:s14+$0x100];
	_ =	sdelay $0x4  }
0xaf: {  	v2 =	vadd.f32 v3, v2  }
0xb0: {  	v59 =	vld [tilespmem:s28+$0x8210]  }
0xb1: {  	v3 =	vld [tilespmem:s28+$0x8220];
	[tilespmem:s28+$0x8200] =	vst v2  }
0xb2: {  	v2 =	vld [tilespmem:s14+$0x110];
	_ =	sdelay $0x3  }
0xb3: {  	v3 =	vadd.f32 $1.000000000e+00, v3  }
0xb4: {  	v2 =	vadd.f32 v2, v59  }
0xb5: {  	[tilespmem:s28+$0x8220] =	vst v3  }
0xb6: {  	s29 =	spop (v2sf);
	[tilespmem:s28+$0x8210] =	vst v2  }
0xb7: {  	v2 =	vld [tilespmem:s29+$0x8200]  }
0xb8: {  	(v2sf) =	vpush v1, $0xC;
	v3 =	vld [tilespmem:s14+$0x180];
	_ =	sdelay $0x4  }
0xb9: {  	v2 =	vadd.f32 v3, v2  }
0xba: {  	v60 =	vld [tilespmem:s29+$0x8210]  }
0xbb: {  	v3 =	vld [tilespmem:s29+$0x8220];
	[tilespmem:s29+$0x8200] =	vst v2  }
0xbc: {  	v2 =	vld [tilespmem:s14+$0x190];
	_ =	sdelay $0x3  }
0xbd: {  	v3 =	vadd.f32 $1.000000000e+00, v3  }
0xbe: {  	v2 =	vadd.f32 v2, v60  }
0xbf: {  	[tilespmem:s29+$0x8220] =	vst v3  }
0xc0: {  	s30 =	spop (v2sf);
	[tilespmem:s29+$0x8210] =	vst v2  }
0xc1: {  	v2 =	vld [tilespmem:s30+$0x8200]  }
0xc2: {  	(v2sf) =	vpush v1, $0xD;
	v3 =	vld [tilespmem:s14+$0x200];
	_ =	sdelay $0x4  }
0xc3: {  	v2 =	vadd.f32 v3, v2  }
0xc4: {  	v61 =	vld [tilespmem:s30+$0x8210]  }
0xc5: {  	v3 =	vld [tilespmem:s30+$0x8220];
	[tilespmem:s30+$0x8200] =	vst v2  }
0xc6: {  	v2 =	vld [tilespmem:s14+$0x210];
	_ =	sdelay $0x3  }
0xc7: {  	v3 =	vadd.f32 $1.000000000e+00, v3  }
0xc8: {  	v2 =	vadd.f32 v2, v61  }
0xc9: {  	[tilespmem:s30+$0x8220] =	vst v3  }
0xca: {  	s31 =	spop (v2sf);
	[tilespmem:s30+$0x8210] =	vst v2  }
0xcb: {  	v2 =	vld [tilespmem:s31+$0x8200]  }
0xcc: {  	(v2sf) =	vpush v1, $0xE;
	v3 =	vld [tilespmem:s14+$0x280];
	_ =	sdelay $0x4  }
0xcd: {  	v2 =	vadd.f32 v3, v2  }
0xce: {  	v62 =	vld [tilespmem:s31+$0x8210]  }
0xcf: {  	v3 =	vld [tilespmem:s31+$0x8220];
	[tilespmem:s31+$0x8200] =	vst v2  }
0xd0: {  	v2 =	vld [tilespmem:s14+$0x290];
	_ =	sdelay $0x3  }
0xd1: {  	v3 =	vadd.f32 $1.000000000e+00, v3  }
0xd2: {  	v2 =	vadd.f32 v2, v62  }
0xd3: {  	[tilespmem:s31+$0x8220] =	vst v3  }
0xd4: {  	s16 =	spop (v2sf);
	[tilespmem:s31+$0x8210] =	vst v2  }
0xd5: {  	v2 =	vld [tilespmem:s16+$0x8200]  }
0xd6: {  	v3 =	vld [tilespmem:s14+$0x300]  }
0xd7: {  	(v2sf) =	vpush v1, $0xF;
	_ =	sdelay $0x3  }
0xd8: {  	v2 =	vadd.f32 v3, v2  }
0xd9: {  	v63 =	vld [tilespmem:s16+$0x8210]  }
0xda: {  	v3 =	vld [tilespmem:s16+$0x8220];
	[tilespmem:s16+$0x8200] =	vst v2  }
0xdb: {  	v2 =	vld [tilespmem:s14+$0x310];
	_ =	sdelay $0x3  }
0xdc: {  	v3 =	vadd.f32 $1.000000000e+00, v3  }
0xdd: {  	v2 =	vadd.f32 v2, v63  }
0xde: {  	[tilespmem:s16+$0x8220] =	vst v3  }
0xdf: {  	s15 =	simm.s32 $0x40;
	[tilespmem:s16+$0x8210] =	vst v2;
	s16 =	simm.s32 $0x400  }
.LBB2_4:
0xe0: {  	p0 =	sne.s32 s15, $0x3C0;
	v1 =	vld [tilespmem:s14+$0x380];
	s16 =	sadd.s32 $0x800, s16;
	s17 =	spop (v2sf)  }
0xe1: {  	s18 =	smov.u32 s15;
	s15 =	sadd.s32 $0x40, s15;
	v2 =	vld [tilespmem:s17+$0x8200];
	_ =	sdelay $0x1  }
0xe2: {  	v3 =	vld [tilespmem:s17+$0x8220];
	_ =	sdelay $0x2  }
0xe3: {  	v1 =	vadd.f32 v1, v2;
	_ =	sdelay $0x1  }
0xe4: {  	[tilespmem:s17+$0x8200] =	vst v1;
	v1 =	vld [tilespmem:s17+$0x8210];
	v2 =	vadd.f32 $1.000000000e+00, v3  }
0xe5: {  	v3 =	vld [tilespmem:s14+$0x390];
	s14 =	smov.u32 s16  }
0xe6: {  	[tilespmem:s17+$0x8220] =	vst v2;
	_ =	sdelay $0x3  }
0xe7: {  	v1 =	vadd.f32 v3, v1  }
0xe8: {  	s18 =	sshra.s32 s18, $0x2  }
0xe9: {  	[tilespmem:s17+$0x8210] =	vst v1  }
0xea: {  	v1 =	vld [tilespmem:s18+$0x8000];
	_ =	sdelay $0x4  }
0xeb: {  	v1 =	vshll.u32 v1, $0x9  }
0xec: {  	v1 =	vshra.s32 v1, $0x2  }
0xed: {  	(v2sf) =	vpush v1, $0x0;
	_ =	sdelay $0xe  }
0xee: {  	v2 =	vld [tilespmem:s16+$0xFFFFFC00];
	s17 =	spop (v2sf)  }
0xef: {  	v3 =	vld [tilespmem:s17+$0x8200];
	(v2sf) =	vpush v1, $0x1;
	_ =	sdelay $0x4  }
0xf0: {  	v2 =	vadd.f32 v2, v3  }
0xf1: {  	v3 =	vld [tilespmem:s17+$0x8220]  }
0xf2: {  	[tilespmem:s17+$0x8200] =	vst v2;
	v2 =	vld [tilespmem:s17+$0x8210]  }
0xf3: {  	v4 =	vld [tilespmem:s16+$0xFFFFFC10];
	_ =	sdelay $0x2  }
0xf4: {  	v3 =	vadd.f32 $1.000000000e+00, v3;
	_ =	sdelay $0x1  }
0xf5: {  	v2 =	vadd.f32 v4, v2;
	[tilespmem:s17+$0x8220] =	vst v3;
	_ =	sdelay $0x1  }
0xf6: {  	[tilespmem:s17+$0x8210] =	vst v2;
	s17 =	spop (v2sf)  }
0xf7: {  	v2 =	vld [tilespmem:s17+$0x8200]  }
0xf8: {  	v3 =	vld [tilespmem:s16+$0xFFFFFC80];
	(v2sf) =	vpush v1, $0x2;
	_ =	sdelay $0x4  }
0xf9: {  	v2 =	vadd.f32 v3, v2  }
0xfa: {  	v3 =	vld [tilespmem:s17+$0x8210]  }
0xfb: {  	[tilespmem:s17+$0x8200] =	vst v2;
	v2 =	vld [tilespmem:s17+$0x8220]  }
0xfc: {  	v4 =	vld [tilespmem:s16+$0xFFFFFC90];
	_ =	sdelay $0x3  }
0xfd: {  	v2 =	vadd.f32 $1.000000000e+00, v2  }
0xfe: {  	v3 =	vadd.f32 v4, v3  }
0xff: {  	[tilespmem:s17+$0x8220] =	vst v2  }
0x100: {  	[tilespmem:s17+$0x8210] =	vst v3;
	s17 =	spop (v2sf)  }
0x101: {  	v2 =	vld [tilespmem:s17+$0x8200]  }
0x102: {  	v3 =	vld [tilespmem:s16+$0xFFFFFD00];
	(v2sf) =	vpush v1, $0x3  }
0x103: {  	v4 =	vld [tilespmem:s17+$0x8210];
	_ =	sdelay $0x3  }
0x104: {  	v2 =	vadd.f32 v3, v2;
	_ =	sdelay $0x1  }
0x105: {  	[tilespmem:s17+$0x8200] =	vst v2;
	v2 =	vld [tilespmem:s17+$0x8220]  }
0x106: {  	v3 =	vld [tilespmem:s16+$0xFFFFFD10];
	_ =	sdelay $0x3  }
0x107: {  	v2 =	vadd.f32 $1.000000000e+00, v2  }
0x108: {  	v3 =	vadd.f32 v3, v4  }
0x109: {  	[tilespmem:s17+$0x8220] =	vst v2  }
0x10a: {  	[tilespmem:s17+$0x8210] =	vst v3;
	s17 =	spop (v2sf)  }
0x10b: {  	v2 =	vld [tilespmem:s17+$0x8200]  }
0x10c: {  	v3 =	vld [tilespmem:s16+$0xFFFFFD80];
	(v2sf) =	vpush v1, $0x4  }
0x10d: {  	v4 =	vld [tilespmem:s17+$0x8220];
	_ =	sdelay $0x3  }
0x10e: {  	v2 =	vadd.f32 v3, v2  }
0x10f: {  	v3 =	vadd.f32 $1.000000000e+00, v4  }
0x110: {  	[tilespmem:s17+$0x8200] =	vst v2;
	v2 =	vld [tilespmem:s17+$0x8210]  }
0x111: {  	v4 =	vld [tilespmem:s16+$0xFFFFFD90];
	_ =	sdelay $0x4  }
0x112: {  	v2 =	vadd.f32 v4, v2  }
0x113: {  	[tilespmem:s17+$0x8220] =	vst v3  }
0x114: {  	[tilespmem:s17+$0x8210] =	vst v2;
	s17 =	spop (v2sf)  }
0x115: {  	v2 =	vld [tilespmem:s17+$0x8200]  }
0x116: {  	v3 =	vld [tilespmem:s16+$0xFFFFFE00];
	(v2sf) =	vpush v1, $0x5;
	_ =	sdelay $0x1  }
0x117: {  	v4 =	vld [tilespmem:s17+$0x8220];
	_ =	sdelay $0x2  }
0x118: {  	v2 =	vadd.f32 v3, v2;
	_ =	sdelay $0x1  }
0x119: {  	[tilespmem:s17+$0x8200] =	vst v2;
	v2 =	vld [tilespmem:s17+$0x8210];
	v3 =	vadd.f32 $1.000000000e+00, v4  }
0x11a: {  	v4 =	vld [tilespmem:s16+$0xFFFFFE10]  }
0x11b: {  	[tilespmem:s17+$0x8220] =	vst v3;
	_ =	sdelay $0x3  }
0x11c: {  	v2 =	vadd.f32 v4, v2;
	_ =	sdelay $0x1  }
0x11d: {  	[tilespmem:s17+$0x8210] =	vst v2;
	s17 =	spop (v2sf)  }
0x11e: {  	v2 =	vld [tilespmem:s17+$0x8200]  }
0x11f: {  	v3 =	vld [tilespmem:s16+$0xFFFFFE80];
	(v2sf) =	vpush v1, $0x6;
	_ =	sdelay $0x4  }
0x120: {  	v2 =	vadd.f32 v3, v2  }
0x121: {  	v3 =	vld [tilespmem:s17+$0x8210]  }
0x122: {  	[tilespmem:s17+$0x8200] =	vst v2;
	v2 =	vld [tilespmem:s17+$0x8220]  }
0x123: {  	v4 =	vld [tilespmem:s16+$0xFFFFFE90];
	_ =	sdelay $0x3  }
0x124: {  	v2 =	vadd.f32 $1.000000000e+00, v2  }
0x125: {  	v3 =	vadd.f32 v4, v3  }
0x126: {  	[tilespmem:s17+$0x8220] =	vst v2  }
0x127: {  	[tilespmem:s17+$0x8210] =	vst v3;
	s17 =	spop (v2sf)  }
0x128: {  	v2 =	vld [tilespmem:s17+$0x8200]  }
0x129: {  	v3 =	vld [tilespmem:s16+$0xFFFFFF00];
	(v2sf) =	vpush v1, $0x7;
	_ =	sdelay $0x4  }
0x12a: {  	v2 =	vadd.f32 v3, v2  }
0x12b: {  	v3 =	vld [tilespmem:s17+$0x8210]  }
0x12c: {  	[tilespmem:s17+$0x8200] =	vst v2;
	v2 =	vld [tilespmem:s17+$0x8220]  }
0x12d: {  	v4 =	vld [tilespmem:s16+$0xFFFFFF10];
	_ =	sdelay $0x3  }
0x12e: {  	v2 =	vadd.f32 $1.000000000e+00, v2  }
0x12f: {  	v3 =	vadd.f32 v4, v3  }
0x130: {  	[tilespmem:s17+$0x8220] =	vst v2  }
0x131: {  	[tilespmem:s17+$0x8210] =	vst v3;
	s17 =	spop (v2sf)  }
0x132: {  	v2 =	vld [tilespmem:s17+$0x8200]  }
0x133: {  	v3 =	vld [tilespmem:s16+$0xFFFFFF80];
	(v2sf) =	vpush v1, $0x8;
	_ =	sdelay $0x1  }
0x134: {  	v4 =	vld [tilespmem:s17+$0x8220];
	_ =	sdelay $0x2  }
0x135: {  	v2 =	vadd.f32 v3, v2;
	_ =	sdelay $0x1  }
0x136: {  	[tilespmem:s17+$0x8200] =	vst v2;
	v2 =	vld [tilespmem:s17+$0x8210];
	v3 =	vadd.f32 $1.000000000e+00, v4  }
0x137: {  	v4 =	vld [tilespmem:s16+$0xFFFFFF90]  }
0x138: {  	[tilespmem:s17+$0x8220] =	vst v3;
	_ =	sdelay $0x3  }
0x139: {  	v2 =	vadd.f32 v4, v2;
	_ =	sdelay $0x1  }
0x13a: {  	[tilespmem:s17+$0x8210] =	vst v2;
	s17 =	spop (v2sf)  }
0x13b: {  	v2 =	vld [tilespmem:s17+$0x8200]  }
0x13c: {  	v3 =	vld [tilespmem:s16+$0x0];
	(v2sf) =	vpush v1, $0x9  }
0x13d: {  	v4 =	vld [tilespmem:s17+$0x8210]  }
0x13e: {  	v5 =	vld [tilespmem:s17+$0x8220];
	_ =	sdelay $0x2  }
0x13f: {  	v2 =	vadd.f32 v3, v2;
	_ =	sdelay $0x1  }
0x140: {  	[tilespmem:s17+$0x8200] =	vst v2;
	v2 =	vadd.f32 $1.000000000e+00, v5  }
0x141: {  	v3 =	vld [tilespmem:s16+$0x10]  }
0x142: {  	[tilespmem:s17+$0x8220] =	vst v2;
	_ =	sdelay $0x3  }
0x143: {  	v2 =	vadd.f32 v3, v4;
	_ =	sdelay $0x1  }
0x144: {  	[tilespmem:s17+$0x8210] =	vst v2;
	s17 =	spop (v2sf)  }
0x145: {  	v2 =	vld [tilespmem:s17+$0x8200]  }
0x146: {  	v3 =	vld [tilespmem:s16+$0x80];
	(v2sf) =	vpush v1, $0xA  }
0x147: {  	v4 =	vld [tilespmem:s17+$0x8220]  }
0x148: {  	v5 =	vld [tilespmem:s17+$0x8210];
	_ =	sdelay $0x2  }
0x149: {  	v2 =	vadd.f32 v3, v2;
	_ =	sdelay $0x1  }
0x14a: {  	[tilespmem:s17+$0x8200] =	vst v2;
	v2 =	vadd.f32 $1.000000000e+00, v4  }
0x14b: {  	v3 =	vld [tilespmem:s16+$0x90]  }
0x14c: {  	[tilespmem:s17+$0x8220] =	vst v2;
	_ =	sdelay $0x3  }
0x14d: {  	v2 =	vadd.f32 v3, v5;
	_ =	sdelay $0x1  }
0x14e: {  	[tilespmem:s17+$0x8210] =	vst v2;
	s17 =	spop (v2sf)  }
0x14f: {  	v2 =	vld [tilespmem:s17+$0x8200]  }
0x150: {  	v3 =	vld [tilespmem:s16+$0x100];
	(v2sf) =	vpush v1, $0xB  }
0x151: {  	v4 =	vld [tilespmem:s17+$0x8220]  }
0x152: {  	v5 =	vld [tilespmem:s17+$0x8210];
	_ =	sdelay $0x2  }
0x153: {  	v2 =	vadd.f32 v3, v2;
	_ =	sdelay $0x1  }
0x154: {  	[tilespmem:s17+$0x8200] =	vst v2;
	v2 =	vadd.f32 $1.000000000e+00, v4  }
0x155: {  	v3 =	vld [tilespmem:s16+$0x110]  }
0x156: {  	[tilespmem:s17+$0x8220] =	vst v2;
	_ =	sdelay $0x3  }
0x157: {  	v2 =	vadd.f32 v3, v5;
	_ =	sdelay $0x1  }
0x158: {  	[tilespmem:s17+$0x8210] =	vst v2;
	s17 =	spop (v2sf)  }
0x159: {  	v2 =	vld [tilespmem:s17+$0x8200]  }
0x15a: {  	v3 =	vld [tilespmem:s16+$0x180];
	(v2sf) =	vpush v1, $0xC  }
0x15b: {  	v4 =	vld [tilespmem:s17+$0x8220]  }
0x15c: {  	v5 =	vld [tilespmem:s17+$0x8210];
	_ =	sdelay $0x2  }
0x15d: {  	v2 =	vadd.f32 v3, v2;
	_ =	sdelay $0x1  }
0x15e: {  	[tilespmem:s17+$0x8200] =	vst v2;
	v2 =	vadd.f32 $1.000000000e+00, v4  }
0x15f: {  	v3 =	vld [tilespmem:s16+$0x190]  }
0x160: {  	[tilespmem:s17+$0x8220] =	vst v2;
	_ =	sdelay $0x3  }
0x161: {  	v2 =	vadd.f32 v3, v5;
	_ =	sdelay $0x1  }
0x162: {  	[tilespmem:s17+$0x8210] =	vst v2;
	s17 =	spop (v2sf)  }
0x163: {  	v2 =	vld [tilespmem:s17+$0x8200]  }
0x164: {  	v3 =	vld [tilespmem:s16+$0x200];
	(v2sf) =	vpush v1, $0xD  }
0x165: {  	v4 =	vld [tilespmem:s17+$0x8220]  }
0x166: {  	v5 =	vld [tilespmem:s17+$0x8210];
	_ =	sdelay $0x2  }
0x167: {  	v2 =	vadd.f32 v3, v2;
	_ =	sdelay $0x1  }
0x168: {  	[tilespmem:s17+$0x8200] =	vst v2;
	v2 =	vadd.f32 $1.000000000e+00, v4  }
0x169: {  	v3 =	vld [tilespmem:s16+$0x210]  }
0x16a: {  	[tilespmem:s17+$0x8220] =	vst v2;
	_ =	sdelay $0x3  }
0x16b: {  	v2 =	vadd.f32 v3, v5;
	_ =	sdelay $0x1  }
0x16c: {  	[tilespmem:s17+$0x8210] =	vst v2;
	s17 =	spop (v2sf)  }
0x16d: {  	v2 =	vld [tilespmem:s17+$0x8200]  }
0x16e: {  	v3 =	vld [tilespmem:s16+$0x280];
	(v2sf) =	vpush v1, $0xE  }
0x16f: {  	v4 =	vld [tilespmem:s17+$0x8220]  }
0x170: {  	v5 =	vld [tilespmem:s17+$0x8210];
	_ =	sdelay $0x2  }
0x171: {  	v2 =	vadd.f32 v3, v2;
	_ =	sdelay $0x1  }
0x172: {  	[tilespmem:s17+$0x8200] =	vst v2;
	v2 =	vadd.f32 $1.000000000e+00, v4  }
0x173: {  	v3 =	vld [tilespmem:s16+$0x290]  }
0x174: {  	[tilespmem:s17+$0x8220] =	vst v2;
	_ =	sdelay $0x3  }
0x175: {  	v2 =	vadd.f32 v3, v5;
	_ =	sdelay $0x1  }
0x176: {  	[tilespmem:s17+$0x8210] =	vst v2;
	s17 =	spop (v2sf)  }
0x177: {  	v2 =	vld [tilespmem:s17+$0x8200]  }
0x178: {  	v3 =	vld [tilespmem:s16+$0x300]  }
0x179: {  	v4 =	vld [tilespmem:s17+$0x8220];
	(v2sf) =	vpush v1, $0xF  }
0x17a: {  	v1 =	vld [tilespmem:s17+$0x8210];
	_ =	sdelay $0x2  }
0x17b: {  	v2 =	vadd.f32 v3, v2;
	_ =	sdelay $0x1  }
0x17c: {  	[tilespmem:s17+$0x8200] =	vst v2;
	v2 =	vadd.f32 $1.000000000e+00, v4  }
0x17d: {  	v3 =	vld [tilespmem:s16+$0x310]  }
0x17e: {  	[tilespmem:s17+$0x8220] =	vst v2;
	_ =	sdelay $0x1  }
.Ltmp1:
0x17f: {  	(pc) =	sbr.rel @p0 .LBB2_4-.Ltmp1, $3  }
0x180: {  	_ = 	snop  }
0x181: {  	v1 =	vadd.f32 v3, v1;
	_ =	sdelay $0x1  }
0x182: {  	[tilespmem:s17+$0x8210] =	vst v1  }
0x183: {  	v1 =	vld [tilespmem:s14+$0x380];
	s15 =	spop (v2sf)  }
0x184: {  	v2 =	vld [tilespmem:s15+$0x8200];
	_ =	sdelay $0x4  }
0x185: {  	v1 =	vadd.f32 v1, v2  }
0x186: {  	v2 =	vld [tilespmem:s15+$0x8220]  }
0x187: {  	[tilespmem:s15+$0x8200] =	vst v1;
	v1 =	vld [tilespmem:s15+$0x8210]  }
0x188: {  	v3 =	vld [tilespmem:s14+$0x390];
	_ =	sdelay $0x3  }
0x189: {  	v2 =	vadd.f32 $1.000000000e+00, v2  }
0x18a: {  	v1 =	vadd.f32 v3, v1  }
0x18b: {  	[tilespmem:s15+$0x8220] =	vst v2  }
0x18c: {  	s16 =	simm.s32 $0x0;
	[tilespmem:s15+$0x8210] =	vst v1  }
0x18d: {  	[tilespmem:s16], [sflag:$0x1] =	stream.linear.gather [hbm4b:s5+s16], $0x8000, $0x38;
	[tilespmem:$0x18200] =	vst v63  }
0x18e: {  	_ =	swait.ge [sflag:s11], $0x8000  }
0x18f: {  	[sflag:s11] =	ssyncset.done $0x0  }
0x190: {  	s14 =	sand.u32 $0xF0, s16;
	[sflag:s11] =	ssyncadd.s32 $0xFFFF8000  }
0x191: {  	v1 =	vld [tilespmem:s14+$0x8100];
	_ =	sdelay $0x4  }
0x192: {  	v1 =	vshll.u32 v1, $0x9  }
0x193: {  	v1 =	vshra.s32 v1, $0x2  }
0x194: {  	(v2sf) =	vpush v1, $0x0;
	_ =	sdelay $0xd  }
0x195: {  	s14 =	simm.s32 $0x400  }
0x196: {  	v2 =	vld [tilespmem:s14+$0xFFFFFC00];
	s17 =	spop (v2sf)  }
0x197: {  	(v2sf) =	vpush v1, $0x1;
	v3 =	vld [tilespmem:s17+$0x8200];
	_ =	sdelay $0x4  }
0x198: {  	v2 =	vadd.f32 v2, v3  }
0x199: {  	v3 =	vld [tilespmem:s17+$0x8220]  }
0x19a: {  	[tilespmem:s17+$0x8200] =	vst v2;
	v2 =	vld [tilespmem:s17+$0x8210]  }
0x19b: {  	v4 =	vld [tilespmem:s14+$0xFFFFFC10];
	_ =	sdelay $0x3  }
0x19c: {  	v3 =	vadd.f32 $1.000000000e+00, v3  }
0x19d: {  	v2 =	vadd.f32 v4, v2  }
0x19e: {  	[tilespmem:s17+$0x8220] =	vst v3  }
0x19f: {  	s18 =	spop (v2sf);
	[tilespmem:s17+$0x8210] =	vst v2  }
0x1a0: {  	v2 =	vld [tilespmem:s18+$0x8200]  }
0x1a1: {  	(v2sf) =	vpush v1, $0x2;
	v3 =	vld [tilespmem:s14+$0xFFFFFC80];
	_ =	sdelay $0x4  }
0x1a2: {  	v2 =	vadd.f32 v3, v2  }
0x1a3: {  	v3 =	vld [tilespmem:s18+$0x8210]  }
0x1a4: {  	[tilespmem:s18+$0x8200] =	vst v2;
	v2 =	vld [tilespmem:s18+$0x8220]  }
0x1a5: {  	v51 =	vld [tilespmem:s14+$0xFFFFFC90];
	_ =	sdelay $0x3  }
0x1a6: {  	v2 =	vadd.f32 $1.000000000e+00, v2  }
0x1a7: {  	v3 =	vadd.f32 v51, v3  }
0x1a8: {  	[tilespmem:s18+$0x8220] =	vst v2  }
0x1a9: {  	s19 =	spop (v2sf);
	[tilespmem:s18+$0x8210] =	vst v3  }
0x1aa: {  	v2 =	vld [tilespmem:s19+$0x8200]  }
0x1ab: {  	(v2sf) =	vpush v1, $0x3;
	v3 =	vld [tilespmem:s14+$0xFFFFFD00];
	_ =	sdelay $0x4  }
0x1ac: {  	v2 =	vadd.f32 v3, v2  }
0x1ad: {  	v3 =	vld [tilespmem:s19+$0x8210]  }
0x1ae: {  	[tilespmem:s19+$0x8200] =	vst v2;
	v2 =	vld [tilespmem:s19+$0x8220]  }
0x1af: {  	v52 =	vld [tilespmem:s14+$0xFFFFFD10];
	_ =	sdelay $0x3  }
0x1b0: {  	v2 =	vadd.f32 $1.000000000e+00, v2  }
0x1b1: {  	v3 =	vadd.f32 v52, v3  }
0x1b2: {  	[tilespmem:s19+$0x8220] =	vst v2  }
0x1b3: {  	s20 =	spop (v2sf);
	[tilespmem:s19+$0x8210] =	vst v3  }
0x1b4: {  	v2 =	vld [tilespmem:s20+$0x8200]  }
0x1b5: {  	(v2sf) =	vpush v1, $0x4;
	v3 =	vld [tilespmem:s14+$0xFFFFFD80];
	_ =	sdelay $0x4  }
0x1b6: {  	v2 =	vadd.f32 v3, v2  }
0x1b7: {  	v3 =	vld [tilespmem:s20+$0x8220]  }
0x1b8: {  	[tilespmem:s20+$0x8200] =	vst v2;
	v2 =	vld [tilespmem:s20+$0x8210]  }
0x1b9: {  	v53 =	vld [tilespmem:s14+$0xFFFFFD90];
	_ =	sdelay $0x3  }
0x1ba: {  	v3 =	vadd.f32 $1.000000000e+00, v3  }
0x1bb: {  	v2 =	vadd.f32 v53, v2  }
0x1bc: {  	[tilespmem:s20+$0x8220] =	vst v3  }
0x1bd: {  	s21 =	spop (v2sf);
	[tilespmem:s20+$0x8210] =	vst v2  }
0x1be: {  	v2 =	vld [tilespmem:s21+$0x8200]  }
0x1bf: {  	(v2sf) =	vpush v1, $0x5;
	v3 =	vld [tilespmem:s14+$0xFFFFFE00];
	_ =	sdelay $0x4  }
0x1c0: {  	v2 =	vadd.f32 v3, v2  }
0x1c1: {  	v3 =	vld [tilespmem:s21+$0x8220]  }
0x1c2: {  	[tilespmem:s21+$0x8200] =	vst v2;
	v2 =	vld [tilespmem:s21+$0x8210]  }
0x1c3: {  	v54 =	vld [tilespmem:s14+$0xFFFFFE10];
	_ =	sdelay $0x3  }
0x1c4: {  	v3 =	vadd.f32 $1.000000000e+00, v3  }
0x1c5: {  	v2 =	vadd.f32 v54, v2  }
0x1c6: {  	[tilespmem:s21+$0x8220] =	vst v3  }
0x1c7: {  	s22 =	spop (v2sf);
	[tilespmem:s21+$0x8210] =	vst v2  }
0x1c8: {  	v2 =	vld [tilespmem:s22+$0x8200]  }
0x1c9: {  	(v2sf) =	vpush v1, $0x6;
	v3 =	vld [tilespmem:s14+$0xFFFFFE80];
	_ =	sdelay $0x4  }
0x1ca: {  	v2 =	vadd.f32 v3, v2  }
0x1cb: {  	v3 =	vld [tilespmem:s22+$0x8210]  }
0x1cc: {  	[tilespmem:s22+$0x8200] =	vst v2;
	v2 =	vld [tilespmem:s22+$0x8220]  }
0x1cd: {  	v55 =	vld [tilespmem:s14+$0xFFFFFE90];
	_ =	sdelay $0x3  }
0x1ce: {  	v2 =	vadd.f32 $1.000000000e+00, v2  }
0x1cf: {  	v3 =	vadd.f32 v55, v3  }
0x1d0: {  	[tilespmem:s22+$0x8220] =	vst v2  }
0x1d1: {  	s23 =	spop (v2sf);
	[tilespmem:s22+$0x8210] =	vst v3  }
0x1d2: {  	v2 =	vld [tilespmem:s23+$0x8200]  }
0x1d3: {  	(v2sf) =	vpush v1, $0x7;
	v3 =	vld [tilespmem:s14+$0xFFFFFF00];
	_ =	sdelay $0x4  }
0x1d4: {  	v2 =	vadd.f32 v3, v2  }
0x1d5: {  	v3 =	vld [tilespmem:s23+$0x8210]  }
0x1d6: {  	[tilespmem:s23+$0x8200] =	vst v2;
	v2 =	vld [tilespmem:s23+$0x8220]  }
0x1d7: {  	v56 =	vld [tilespmem:s14+$0xFFFFFF10];
	_ =	sdelay $0x3  }
0x1d8: {  	v2 =	vadd.f32 $1.000000000e+00, v2  }
0x1d9: {  	v3 =	vadd.f32 v56, v3  }
0x1da: {  	[tilespmem:s23+$0x8220] =	vst v2  }
0x1db: {  	s24 =	spop (v2sf);
	[tilespmem:s23+$0x8210] =	vst v3  }
0x1dc: {  	v2 =	vld [tilespmem:s24+$0x8200]  }
0x1dd: {  	(v2sf) =	vpush v1, $0x8;
	v3 =	vld [tilespmem:s14+$0xFFFFFF80];
	_ =	sdelay $0x4  }
0x1de: {  	v2 =	vadd.f32 v3, v2  }
0x1df: {  	v3 =	vld [tilespmem:s24+$0x8220]  }
0x1e0: {  	[tilespmem:s24+$0x8200] =	vst v2;
	v2 =	vld [tilespmem:s24+$0x8210]  }
0x1e1: {  	v57 =	vld [tilespmem:s14+$0xFFFFFF90];
	_ =	sdelay $0x3  }
0x1e2: {  	v3 =	vadd.f32 $1.000000000e+00, v3  }
0x1e3: {  	v2 =	vadd.f32 v57, v2  }
0x1e4: {  	[tilespmem:s24+$0x8220] =	vst v3  }
0x1e5: {  	s25 =	spop (v2sf);
	[tilespmem:s24+$0x8210] =	vst v2  }
0x1e6: {  	v2 =	vld [tilespmem:s25+$0x8200]  }
0x1e7: {  	(v2sf) =	vpush v1, $0x9;
	v3 =	vld [tilespmem:s14+$0x0];
	_ =	sdelay $0x4  }
0x1e8: {  	v2 =	vadd.f32 v3, v2  }
0x1e9: {  	v58 =	vld [tilespmem:s25+$0x8220]  }
0x1ea: {  	v3 =	vld [tilespmem:s25+$0x8210];
	[tilespmem:s25+$0x8200] =	vst v2  }
0x1eb: {  	v2 =	vld [tilespmem:s14+$0x10];
	_ =	sdelay $0x3  }
0x1ec: {  	v4 =	vadd.f32 $1.000000000e+00, v58  }
0x1ed: {  	v2 =	vadd.f32 v2, v3  }
0x1ee: {  	[tilespmem:s25+$0x8220] =	vst v4  }
0x1ef: {  	s26 =	spop (v2sf);
	[tilespmem:s25+$0x8210] =	vst v2  }
0x1f0: {  	v2 =	vld [tilespmem:s26+$0x8200]  }
0x1f1: {  	(v2sf) =	vpush v1, $0xA;
	v3 =	vld [tilespmem:s14+$0x80];
	_ =	sdelay $0x4  }
0x1f2: {  	v2 =	vadd.f32 v3, v2  }
0x1f3: {  	v4 =	vld [tilespmem:s26+$0x8210]  }
0x1f4: {  	v3 =	vld [tilespmem:s26+$0x8220];
	[tilespmem:s26+$0x8200] =	vst v2  }
0x1f5: {  	v2 =	vld [tilespmem:s14+$0x90];
	_ =	sdelay $0x3  }
0x1f6: {  	v3 =	vadd.f32 $1.000000000e+00, v3  }
0x1f7: {  	v2 =	vadd.f32 v2, v4  }
0x1f8: {  	[tilespmem:s26+$0x8220] =	vst v3  }
0x1f9: {  	s28 =	spop (v2sf);
	[tilespmem:s26+$0x8210] =	vst v2  }
0x1fa: {  	v2 =	vld [tilespmem:s28+$0x8200]  }
0x1fb: {  	(v2sf) =	vpush v1, $0xB;
	v3 =	vld [tilespmem:s14+$0x100];
	_ =	sdelay $0x4  }
0x1fc: {  	v2 =	vadd.f32 v3, v2  }
0x1fd: {  	v59 =	vld [tilespmem:s28+$0x8210]  }
0x1fe: {  	v3 =	vld [tilespmem:s28+$0x8220];
	[tilespmem:s28+$0x8200] =	vst v2  }
0x1ff: {  	v2 =	vld [tilespmem:s14+$0x110];
	_ =	sdelay $0x3  }
0x200: {  	v3 =	vadd.f32 $1.000000000e+00, v3  }
0x201: {  	v2 =	vadd.f32 v2, v59  }
0x202: {  	[tilespmem:s28+$0x8220] =	vst v3  }
0x203: {  	s29 =	spop (v2sf);
	[tilespmem:s28+$0x8210] =	vst v2  }
0x204: {  	v2 =	vld [tilespmem:s29+$0x8200]  }
0x205: {  	(v2sf) =	vpush v1, $0xC;
	v3 =	vld [tilespmem:s14+$0x180];
	_ =	sdelay $0x4  }
0x206: {  	v2 =	vadd.f32 v3, v2  }
0x207: {  	v60 =	vld [tilespmem:s29+$0x8210]  }
0x208: {  	v3 =	vld [tilespmem:s29+$0x8220];
	[tilespmem:s29+$0x8200] =	vst v2  }
0x209: {  	v2 =	vld [tilespmem:s14+$0x190];
	_ =	sdelay $0x3  }
0x20a: {  	v3 =	vadd.f32 $1.000000000e+00, v3  }
0x20b: {  	v2 =	vadd.f32 v2, v60  }
0x20c: {  	[tilespmem:s29+$0x8220] =	vst v3  }
0x20d: {  	s30 =	spop (v2sf);
	[tilespmem:s29+$0x8210] =	vst v2  }
0x20e: {  	v2 =	vld [tilespmem:s30+$0x8200]  }
0x20f: {  	(v2sf) =	vpush v1, $0xD;
	v3 =	vld [tilespmem:s14+$0x200];
	_ =	sdelay $0x4  }
0x210: {  	v2 =	vadd.f32 v3, v2  }
0x211: {  	v61 =	vld [tilespmem:s30+$0x8210]  }
0x212: {  	v3 =	vld [tilespmem:s30+$0x8220];
	[tilespmem:s30+$0x8200] =	vst v2  }
0x213: {  	v2 =	vld [tilespmem:s14+$0x210];
	_ =	sdelay $0x3  }
0x214: {  	v3 =	vadd.f32 $1.000000000e+00, v3  }
0x215: {  	v2 =	vadd.f32 v2, v61  }
0x216: {  	[tilespmem:s30+$0x8220] =	vst v3  }
0x217: {  	s31 =	spop (v2sf);
	[tilespmem:s30+$0x8210] =	vst v2  }
0x218: {  	v2 =	vld [tilespmem:s31+$0x8200]  }
0x219: {  	(v2sf) =	vpush v1, $0xE;
	v3 =	vld [tilespmem:s14+$0x280];
	_ =	sdelay $0x4  }
0x21a: {  	v2 =	vadd.f32 v3, v2  }
0x21b: {  	v62 =	vld [tilespmem:s31+$0x8210]  }
0x21c: {  	v3 =	vld [tilespmem:s31+$0x8220];
	[tilespmem:s31+$0x8200] =	vst v2  }
0x21d: {  	v2 =	vld [tilespmem:s14+$0x290];
	_ =	sdelay $0x3  }
0x21e: {  	v3 =	vadd.f32 $1.000000000e+00, v3  }
0x21f: {  	v2 =	vadd.f32 v2, v62  }
0x220: {  	[tilespmem:s31+$0x8220] =	vst v3  }
0x221: {  	s16 =	spop (v2sf);
	[tilespmem:s31+$0x8210] =	vst v2  }
0x222: {  	v2 =	vld [tilespmem:s16+$0x8200]  }
0x223: {  	v3 =	vld [tilespmem:s14+$0x300]  }
0x224: {  	(v2sf) =	vpush v1, $0xF;
	_ =	sdelay $0x3  }
0x225: {  	v2 =	vadd.f32 v3, v2  }
0x226: {  	v63 =	vld [tilespmem:s16+$0x8210]  }
0x227: {  	v3 =	vld [tilespmem:s16+$0x8220];
	[tilespmem:s16+$0x8200] =	vst v2  }
0x228: {  	v2 =	vld [tilespmem:s14+$0x310];
	_ =	sdelay $0x3  }
0x229: {  	v3 =	vadd.f32 $1.000000000e+00, v3  }
0x22a: {  	v2 =	vadd.f32 v2, v63  }
0x22b: {  	[tilespmem:s16+$0x8220] =	vst v3  }
0x22c: {  	s15 =	simm.s32 $0x10;
	[tilespmem:s16+$0x8210] =	vst v2;
	s16 =	simm.s32 $0x400  }
.LBB2_6:
0x22d: {  	p0 =	sne.s32 s15, $0xF0;
	v1 =	vld [tilespmem:s14+$0x380];
	s16 =	sadd.s32 $0x800, s16;
	s17 =	spop (v2sf)  }
0x22e: {  	s18 =	smov.u32 s15;
	s15 =	sadd.s32 $0x10, s15;
	v2 =	vld [tilespmem:s17+$0x8200];
	_ =	sdelay $0x1  }
0x22f: {  	v3 =	vld [tilespmem:s17+$0x8220];
	_ =	sdelay $0x2  }
0x230: {  	v1 =	vadd.f32 v1, v2;
	_ =	sdelay $0x1  }
0x231: {  	[tilespmem:s17+$0x8200] =	vst v1;
	v1 =	vld [tilespmem:s17+$0x8210];
	v2 =	vadd.f32 $1.000000000e+00, v3  }
0x232: {  	v3 =	vld [tilespmem:s14+$0x390];
	s14 =	smov.u32 s16  }
0x233: {  	[tilespmem:s17+$0x8220] =	vst v2;
	_ =	sdelay $0x3  }
0x234: {  	v1 =	vadd.f32 v3, v1  }
0x235: {  	s18 =	sand.u32 $0xF0, s18  }
0x236: {  	[tilespmem:s17+$0x8210] =	vst v1  }
0x237: {  	v1 =	vld [tilespmem:s18+$0x8100];
	_ =	sdelay $0x4  }
0x238: {  	v1 =	vshll.u32 v1, $0x9  }
0x239: {  	v1 =	vshra.s32 v1, $0x2  }
0x23a: {  	(v2sf) =	vpush v1, $0x0;
	_ =	sdelay $0xe  }
0x23b: {  	v2 =	vld [tilespmem:s16+$0xFFFFFC00];
	s17 =	spop (v2sf)  }
0x23c: {  	v3 =	vld [tilespmem:s17+$0x8200];
	(v2sf) =	vpush v1, $0x1;
	_ =	sdelay $0x4  }
0x23d: {  	v2 =	vadd.f32 v2, v3  }
0x23e: {  	v3 =	vld [tilespmem:s17+$0x8220]  }
0x23f: {  	[tilespmem:s17+$0x8200] =	vst v2;
	v2 =	vld [tilespmem:s17+$0x8210]  }
0x240: {  	v4 =	vld [tilespmem:s16+$0xFFFFFC10];
	_ =	sdelay $0x2  }
0x241: {  	v3 =	vadd.f32 $1.000000000e+00, v3;
	_ =	sdelay $0x1  }
0x242: {  	v2 =	vadd.f32 v4, v2;
	[tilespmem:s17+$0x8220] =	vst v3;
	_ =	sdelay $0x1  }
0x243: {  	[tilespmem:s17+$0x8210] =	vst v2;
	s17 =	spop (v2sf)  }
0x244: {  	v2 =	vld [tilespmem:s17+$0x8200]  }
0x245: {  	v3 =	vld [tilespmem:s16+$0xFFFFFC80];
	(v2sf) =	vpush v1, $0x2;
	_ =	sdelay $0x4  }
0x246: {  	v2 =	vadd.f32 v3, v2  }
0x247: {  	v3 =	vld [tilespmem:s17+$0x8210]  }
0x248: {  	[tilespmem:s17+$0x8200] =	vst v2;
	v2 =	vld [tilespmem:s17+$0x8220]  }
0x249: {  	v4 =	vld [tilespmem:s16+$0xFFFFFC90];
	_ =	sdelay $0x3  }
0x24a: {  	v2 =	vadd.f32 $1.000000000e+00, v2  }
0x24b: {  	v3 =	vadd.f32 v4, v3  }
0x24c: {  	[tilespmem:s17+$0x8220] =	vst v2  }
0x24d: {  	[tilespmem:s17+$0x8210] =	vst v3;
	s17 =	spop (v2sf)  }
0x24e: {  	v2 =	vld [tilespmem:s17+$0x8200]  }
0x24f: {  	v3 =	vld [tilespmem:s16+$0xFFFFFD00];
	(v2sf) =	vpush v1, $0x3  }
0x250: {  	v4 =	vld [tilespmem:s17+$0x8210];
	_ =	sdelay $0x3  }
0x251: {  	v2 =	vadd.f32 v3, v2;
	_ =	sdelay $0x1  }
0x252: {  	[tilespmem:s17+$0x8200] =	vst v2;
	v2 =	vld [tilespmem:s17+$0x8220]  }
0x253: {  	v3 =	vld [tilespmem:s16+$0xFFFFFD10];
	_ =	sdelay $0x3  }
0x254: {  	v2 =	vadd.f32 $1.000000000e+00, v2  }
0x255: {  	v3 =	vadd.f32 v3, v4  }
0x256: {  	[tilespmem:s17+$0x8220] =	vst v2  }
0x257: {  	[tilespmem:s17+$0x8210] =	vst v3;
	s17 =	spop (v2sf)  }
0x258: {  	v2 =	vld [tilespmem:s17+$0x8200]  }
0x259: {  	v3 =	vld [tilespmem:s16+$0xFFFFFD80];
	(v2sf) =	vpush v1, $0x4  }
0x25a: {  	v4 =	vld [tilespmem:s17+$0x8220];
	_ =	sdelay $0x3  }
0x25b: {  	v2 =	vadd.f32 v3, v2  }
0x25c: {  	v3 =	vadd.f32 $1.000000000e+00, v4  }
0x25d: {  	[tilespmem:s17+$0x8200] =	vst v2;
	v2 =	vld [tilespmem:s17+$0x8210]  }
0x25e: {  	v4 =	vld [tilespmem:s16+$0xFFFFFD90];
	_ =	sdelay $0x4  }
0x25f: {  	v2 =	vadd.f32 v4, v2  }
0x260: {  	[tilespmem:s17+$0x8220] =	vst v3  }
0x261: {  	[tilespmem:s17+$0x8210] =	vst v2;
	s17 =	spop (v2sf)  }
0x262: {  	v2 =	vld [tilespmem:s17+$0x8200]  }
0x263: {  	v3 =	vld [tilespmem:s16+$0xFFFFFE00];
	(v2sf) =	vpush v1, $0x5;
	_ =	sdelay $0x1  }
0x264: {  	v4 =	vld [tilespmem:s17+$0x8220];
	_ =	sdelay $0x2  }
0x265: {  	v2 =	vadd.f32 v3, v2;
	_ =	sdelay $0x1  }
0x266: {  	[tilespmem:s17+$0x8200] =	vst v2;
	v2 =	vld [tilespmem:s17+$0x8210];
	v3 =	vadd.f32 $1.000000000e+00, v4  }
0x267: {  	v4 =	vld [tilespmem:s16+$0xFFFFFE10]  }
0x268: {  	[tilespmem:s17+$0x8220] =	vst v3;
	_ =	sdelay $0x3  }
0x269: {  	v2 =	vadd.f32 v4, v2;
	_ =	sdelay $0x1  }
0x26a: {  	[tilespmem:s17+$0x8210] =	vst v2;
	s17 =	spop (v2sf)  }
0x26b: {  	v2 =	vld [tilespmem:s17+$0x8200]  }
0x26c: {  	v3 =	vld [tilespmem:s16+$0xFFFFFE80];
	(v2sf) =	vpush v1, $0x6;
	_ =	sdelay $0x4  }
0x26d: {  	v2 =	vadd.f32 v3, v2  }
0x26e: {  	v3 =	vld [tilespmem:s17+$0x8210]  }
0x26f: {  	[tilespmem:s17+$0x8200] =	vst v2;
	v2 =	vld [tilespmem:s17+$0x8220]  }
0x270: {  	v4 =	vld [tilespmem:s16+$0xFFFFFE90];
	_ =	sdelay $0x3  }
0x271: {  	v2 =	vadd.f32 $1.000000000e+00, v2  }
0x272: {  	v3 =	vadd.f32 v4, v3  }
0x273: {  	[tilespmem:s17+$0x8220] =	vst v2  }
0x274: {  	[tilespmem:s17+$0x8210] =	vst v3;
	s17 =	spop (v2sf)  }
0x275: {  	v2 =	vld [tilespmem:s17+$0x8200]  }
0x276: {  	v3 =	vld [tilespmem:s16+$0xFFFFFF00];
	(v2sf) =	vpush v1, $0x7;
	_ =	sdelay $0x4  }
0x277: {  	v2 =	vadd.f32 v3, v2  }
0x278: {  	v3 =	vld [tilespmem:s17+$0x8210]  }
0x279: {  	[tilespmem:s17+$0x8200] =	vst v2;
	v2 =	vld [tilespmem:s17+$0x8220]  }
0x27a: {  	v4 =	vld [tilespmem:s16+$0xFFFFFF10];
	_ =	sdelay $0x3  }
0x27b: {  	v2 =	vadd.f32 $1.000000000e+00, v2  }
0x27c: {  	v3 =	vadd.f32 v4, v3  }
0x27d: {  	[tilespmem:s17+$0x8220] =	vst v2  }
0x27e: {  	[tilespmem:s17+$0x8210] =	vst v3;
	s17 =	spop (v2sf)  }
0x27f: {  	v2 =	vld [tilespmem:s17+$0x8200]  }
0x280: {  	v3 =	vld [tilespmem:s16+$0xFFFFFF80];
	(v2sf) =	vpush v1, $0x8;
	_ =	sdelay $0x1  }
0x281: {  	v4 =	vld [tilespmem:s17+$0x8220];
	_ =	sdelay $0x2  }
0x282: {  	v2 =	vadd.f32 v3, v2;
	_ =	sdelay $0x1  }
0x283: {  	[tilespmem:s17+$0x8200] =	vst v2;
	v2 =	vld [tilespmem:s17+$0x8210];
	v3 =	vadd.f32 $1.000000000e+00, v4  }
0x284: {  	v4 =	vld [tilespmem:s16+$0xFFFFFF90]  }
0x285: {  	[tilespmem:s17+$0x8220] =	vst v3;
	_ =	sdelay $0x3  }
0x286: {  	v2 =	vadd.f32 v4, v2;
	_ =	sdelay $0x1  }
0x287: {  	[tilespmem:s17+$0x8210] =	vst v2;
	s17 =	spop (v2sf)  }
0x288: {  	v2 =	vld [tilespmem:s17+$0x8200]  }
0x289: {  	v3 =	vld [tilespmem:s16+$0x0];
	(v2sf) =	vpush v1, $0x9  }
0x28a: {  	v4 =	vld [tilespmem:s17+$0x8210]  }
0x28b: {  	v5 =	vld [tilespmem:s17+$0x8220];
	_ =	sdelay $0x2  }
0x28c: {  	v2 =	vadd.f32 v3, v2;
	_ =	sdelay $0x1  }
0x28d: {  	[tilespmem:s17+$0x8200] =	vst v2;
	v2 =	vadd.f32 $1.000000000e+00, v5  }
0x28e: {  	v3 =	vld [tilespmem:s16+$0x10]  }
0x28f: {  	[tilespmem:s17+$0x8220] =	vst v2;
	_ =	sdelay $0x3  }
0x290: {  	v2 =	vadd.f32 v3, v4;
	_ =	sdelay $0x1  }
0x291: {  	[tilespmem:s17+$0x8210] =	vst v2;
	s17 =	spop (v2sf)  }
0x292: {  	v2 =	vld [tilespmem:s17+$0x8200]  }
0x293: {  	v3 =	vld [tilespmem:s16+$0x80];
	(v2sf) =	vpush v1, $0xA  }
0x294: {  	v4 =	vld [tilespmem:s17+$0x8220]  }
0x295: {  	v5 =	vld [tilespmem:s17+$0x8210];
	_ =	sdelay $0x2  }
0x296: {  	v2 =	vadd.f32 v3, v2;
	_ =	sdelay $0x1  }
0x297: {  	[tilespmem:s17+$0x8200] =	vst v2;
	v2 =	vadd.f32 $1.000000000e+00, v4  }
0x298: {  	v3 =	vld [tilespmem:s16+$0x90]  }
0x299: {  	[tilespmem:s17+$0x8220] =	vst v2;
	_ =	sdelay $0x3  }
0x29a: {  	v2 =	vadd.f32 v3, v5;
	_ =	sdelay $0x1  }
0x29b: {  	[tilespmem:s17+$0x8210] =	vst v2;
	s17 =	spop (v2sf)  }
0x29c: {  	v2 =	vld [tilespmem:s17+$0x8200]  }
0x29d: {  	v3 =	vld [tilespmem:s16+$0x100];
	(v2sf) =	vpush v1, $0xB  }
0x29e: {  	v4 =	vld [tilespmem:s17+$0x8220]  }
0x29f: {  	v5 =	vld [tilespmem:s17+$0x8210];
	_ =	sdelay $0x2  }
0x2a0: {  	v2 =	vadd.f32 v3, v2;
	_ =	sdelay $0x1  }
0x2a1: {  	[tilespmem:s17+$0x8200] =	vst v2;
	v2 =	vadd.f32 $1.000000000e+00, v4  }
0x2a2: {  	v3 =	vld [tilespmem:s16+$0x110]  }
0x2a3: {  	[tilespmem:s17+$0x8220] =	vst v2;
	_ =	sdelay $0x3  }
0x2a4: {  	v2 =	vadd.f32 v3, v5;
	_ =	sdelay $0x1  }
0x2a5: {  	[tilespmem:s17+$0x8210] =	vst v2;
	s17 =	spop (v2sf)  }
0x2a6: {  	v2 =	vld [tilespmem:s17+$0x8200]  }
0x2a7: {  	v3 =	vld [tilespmem:s16+$0x180];
	(v2sf) =	vpush v1, $0xC  }
0x2a8: {  	v4 =	vld [tilespmem:s17+$0x8220]  }
0x2a9: {  	v5 =	vld [tilespmem:s17+$0x8210];
	_ =	sdelay $0x2  }
0x2aa: {  	v2 =	vadd.f32 v3, v2;
	_ =	sdelay $0x1  }
0x2ab: {  	[tilespmem:s17+$0x8200] =	vst v2;
	v2 =	vadd.f32 $1.000000000e+00, v4  }
0x2ac: {  	v3 =	vld [tilespmem:s16+$0x190]  }
0x2ad: {  	[tilespmem:s17+$0x8220] =	vst v2;
	_ =	sdelay $0x3  }
0x2ae: {  	v2 =	vadd.f32 v3, v5;
	_ =	sdelay $0x1  }
0x2af: {  	[tilespmem:s17+$0x8210] =	vst v2;
	s17 =	spop (v2sf)  }
0x2b0: {  	v2 =	vld [tilespmem:s17+$0x8200]  }
0x2b1: {  	v3 =	vld [tilespmem:s16+$0x200];
	(v2sf) =	vpush v1, $0xD  }
0x2b2: {  	v4 =	vld [tilespmem:s17+$0x8220]  }
0x2b3: {  	v5 =	vld [tilespmem:s17+$0x8210];
	_ =	sdelay $0x2  }
0x2b4: {  	v2 =	vadd.f32 v3, v2;
	_ =	sdelay $0x1  }
0x2b5: {  	[tilespmem:s17+$0x8200] =	vst v2;
	v2 =	vadd.f32 $1.000000000e+00, v4  }
0x2b6: {  	v3 =	vld [tilespmem:s16+$0x210]  }
0x2b7: {  	[tilespmem:s17+$0x8220] =	vst v2;
	_ =	sdelay $0x3  }
0x2b8: {  	v2 =	vadd.f32 v3, v5;
	_ =	sdelay $0x1  }
0x2b9: {  	[tilespmem:s17+$0x8210] =	vst v2;
	s17 =	spop (v2sf)  }
0x2ba: {  	v2 =	vld [tilespmem:s17+$0x8200]  }
0x2bb: {  	v3 =	vld [tilespmem:s16+$0x280];
	(v2sf) =	vpush v1, $0xE  }
0x2bc: {  	v4 =	vld [tilespmem:s17+$0x8220]  }
0x2bd: {  	v5 =	vld [tilespmem:s17+$0x8210];
	_ =	sdelay $0x2  }
0x2be: {  	v2 =	vadd.f32 v3, v2;
	_ =	sdelay $0x1  }
0x2bf: {  	[tilespmem:s17+$0x8200] =	vst v2;
	v2 =	vadd.f32 $1.000000000e+00, v4  }
0x2c0: {  	v3 =	vld [tilespmem:s16+$0x290]  }
0x2c1: {  	[tilespmem:s17+$0x8220] =	vst v2;
	_ =	sdelay $0x3  }
0x2c2: {  	v2 =	vadd.f32 v3, v5;
	_ =	sdelay $0x1  }
0x2c3: {  	[tilespmem:s17+$0x8210] =	vst v2;
	s17 =	spop (v2sf)  }
0x2c4: {  	v2 =	vld [tilespmem:s17+$0x8200]  }
0x2c5: {  	v3 =	vld [tilespmem:s16+$0x300]  }
0x2c6: {  	v4 =	vld [tilespmem:s17+$0x8220];
	(v2sf) =	vpush v1, $0xF  }
0x2c7: {  	v1 =	vld [tilespmem:s17+$0x8210];
	_ =	sdelay $0x2  }
0x2c8: {  	v2 =	vadd.f32 v3, v2;
	_ =	sdelay $0x1  }
0x2c9: {  	[tilespmem:s17+$0x8200] =	vst v2;
	v2 =	vadd.f32 $1.000000000e+00, v4  }
0x2ca: {  	v3 =	vld [tilespmem:s16+$0x310]  }
0x2cb: {  	[tilespmem:s17+$0x8220] =	vst v2;
	_ =	sdelay $0x1  }
.Ltmp2:
0x2cc: {  	(pc) =	sbr.rel @p0 .LBB2_6-.Ltmp2, $3  }
0x2cd: {  	_ = 	snop  }
0x2ce: {  	v1 =	vadd.f32 v3, v1;
	_ =	sdelay $0x1  }
0x2cf: {  	[tilespmem:s17+$0x8210] =	vst v1  }
0x2d0: {  	v1 =	vld [tilespmem:s14+$0x380];
	s15 =	spop (v2sf)  }
0x2d1: {  	v2 =	vld [tilespmem:s15+$0x8200];
	_ =	sdelay $0x4  }
0x2d2: {  	v1 =	vadd.f32 v1, v2  }
0x2d3: {  	v2 =	vld [tilespmem:s15+$0x8220]  }
0x2d4: {  	[tilespmem:s15+$0x8200] =	vst v1;
	v1 =	vld [tilespmem:s15+$0x8210]  }
0x2d5: {  	v3 =	vld [tilespmem:s14+$0x390];
	_ =	sdelay $0x3  }
0x2d6: {  	v2 =	vadd.f32 $1.000000000e+00, v2  }
0x2d7: {  	s13 =	sadd.s32 $0x1, s13;
	v1 =	vadd.f32 v3, v1  }
0x2d8: {  	p0 =	sne.s32 s13, s7;
	[tilespmem:s15+$0x8220] =	vst v2  }
.Ltmp3:
0x2d9: {  	[tilespmem:s15+$0x8210] =	vst v1;
	(pc) =	sbr.rel @p0 .LBB2_1-.Ltmp3, $4  }
0x2da: {  	[hbm4b:s6+s2] =	stream.linear.scatter [tilespmem:s12], [sflag:$0x1], $0x10000, $0x38;
	[tilespmem:$0x18200] =	vst v63  }
0x2db: {  	_ =	swait.ge [sflag:s11], $0x10000  }
0x2dc: {  	[sflag:s11] =	ssyncset.done $0x0  }
0x2dd: {  	[sflag:s11] =	ssyncadd.s32 $0xFFFF0000  }
0x2de: {  	_ =	sfence.sel $0x180000  }
0x2df: {  	[bflag:$0x0] =	sbarrier.arrive $0xFFFF  }
0x2e0: {  	p0 =	sne.s32 s1, $0x0;
	_ =	strace $0x90000047  }
0x2e1: {  	s0 =	sadd.s32 @!p0 $0x100000, s0;
	[bflag:$0x2] =	sbarrier.arrive $0xFFFF  }
0x2e2: {  	[sflag:s0] =	ssyncadd.tile.s32 @!p0 $0x1;
	_ =	shalt  }
.Lfunc_end2:
_tile_overlayer_lowered:
.L_overlay_start_2:
0x2e3: {  	(tag) =	ssettag $0x2  }
0x2e4: {  	s0 =	rddreg [dreg:$0x0];
	s2 =	stileid.u32  }
0x2e5: {  	s1 =	rddreg [dreg:$0x1];
	p0 =	sne.s32 s2, $0x0  }
0x2e6: {  	s3 =	rddreg [dreg:$0x2];
	[bflag:$0x3] =	sbarrier.arrive $0xFFFF;
	s2 =	simm.s32 @!p0 $0x1C01  }
0x2e7: {  	[timem:s3], [sflag:s2] =	dma.local @!p0 [hbm:s0], s1  }
0x2e8: {  	s0 =	simm.s32 @!p0 $0x1  }
0x2e9: {  	_ =	swait.ge @!p0 [sflag:s0], s1  }
0x2ea: {  	s1 =	ssub.s32 @!p0 $0x0, s1;
	[sflag:s0] =	ssyncset.done @!p0 $0x0  }
0x2eb: {  	[sflag:s0] =	ssyncadd.s32 @!p0 s1  }
0x2ec: {  	[bflag:$0x3] =	sbarrier.arrive $0xFFFF  }
0x2ed: {  	_ =	shalt  }

</sc_bundles>
